<compile_context>
chip_gen: v7x
topology: tpu7x:2x2x1
jax: 0.10.2.dev20260603
libtpu: 0.0.44.dev20260713+nightly
codegen_flags: <defaults>
</compile_context>

<pallas_src>
import functools
import numpy as np
import jax
import jax.numpy as jnp
from jax import lax
from jax.experimental import pallas as pl
from jax.experimental.pallas import tpu as pltpu
from jax.experimental.pallas import tpu_sc as plsc

_IDX = [162, 1098, 1377]

ROWS = 16384
COLS = 2048
NC, NS = 2, 16
NW = NC * NS
ROWS_PER_W = ROWS // NW
CHUNK = 16
NCHUNKS = ROWS_PER_W // CHUNK
NBUF = 2


def _sc_body(img_hbm, out_hbm, buf, sems):
    wid = lax.axis_index("s") * NC + lax.axis_index("c")
    base = wid * ROWS_PER_W
    lane = lax.iota(jnp.int32, 16)

    def load(g, slot):
        return pltpu.make_async_copy(
            img_hbm.at[pl.ds(base + g * CHUNK, CHUNK), :],
            buf.at[slot],
            sems.at[slot],
        )

    def store(g, slot):
        return pltpu.make_async_copy(
            buf.at[slot],
            out_hbm.at[pl.ds(base + g * CHUNK, CHUNK), :],
            sems.at[NBUF + slot],
        )

    for b in range(NBUF):
        load(b, b).start()

    def outer(i, carry):
        for b in range(NBUF):
            g = i * NBUF + b
            load(g, b).wait()
            for c in _IDX:
                c0 = (c // 16) * 16
                off = c % 16
                for r in range(CHUNK):
                    v = buf[b, r, pl.ds(c0, 16)]
                    buf[b, r, pl.ds(c0, 16)] = jnp.where(
                        lane == off, jnp.float32(0.0), v
                    )
            store(g, b).start()

            @pl.when(g + NBUF < NCHUNKS)
            def _():
                store(g, b).wait()
                load(g + NBUF, b).start()

        return carry

    lax.fori_loop(0, NCHUNKS // NBUF, outer, 0)

    for b in range(NBUF):
        store(NCHUNKS - NBUF + b, b).wait()


def kernel(img):
    mesh = plsc.VectorSubcoreMesh(core_axis_name="c", subcore_axis_name="s")
    k = functools.partial(
        pl.kernel,
        mesh=mesh,
        out_type=jax.ShapeDtypeStruct((ROWS, COLS), jnp.float32),
        scratch_types=[
            pltpu.VMEM((NBUF, CHUNK, COLS), jnp.float32),
            pltpu.SemaphoreType.DMA((2 * NBUF,)),
        ],
    )(_sc_body)
    return k(img)

# --- scband reference (transcript-rebuilt; emitter-appended) ---
"""Pipeline reference for scband-disable-random-tofs-18528488915101 (READ-ONLY COPY).

The authoritative reference and input builder live on the scoring server;
editing this copy changes nothing except your own understanding.
"""

import jax, jax.numpy as jnp
import numpy as np


def _pick_disabled_tofs(tof_count, min_c, max_c, neighbor_p, seed=0):
    # Deterministic re-implementation of the module's internal torch RNG logic
    # using a fixed numpy Generator so the reference is reproducible.
    rng = np.random.default_rng(seed)
    count = int(rng.integers(min_c, max_c + 1))
    tof_list = rng.permutation(tof_count)
    first = int(rng.integers(1, tof_count))
    disabled = [first]
    tof_list = tof_list[tof_list != first]
    for i in range(count - 1):
        r = float(rng.random())
        if r < neighbor_p:
            if r < neighbor_p / 2.0:
                offsets = (1, -1)
            else:
                offsets = (tof_count // 2, -(tof_count // 2))
            appended = False
            for d in list(disabled):
                for off in offsets:
                    cand = d + off
                    if cand in tof_list:
                        tof_list = tof_list[tof_list != cand]
                        disabled.append(int(cand))
                        appended = True
                        break
                if appended:
                    break
            if not appended:
                new = int(tof_list[0])
                tof_list = tof_list[tof_list != new]
                disabled.append(new)
        else:
            new = int(tof_list[0])
            tof_list = tof_list[tof_list != new]
            disabled.append(new)
    return np.asarray(disabled, dtype=np.int64)


def setup_inputs(seed: int = 0):
    key = jax.random.key(seed)
    img = jax.random.normal(key, (16384, 2048), dtype=jnp.float32)
    return {"img": img}


def reference(img):
    tof_count = img.shape[-1]
    idx = jnp.asarray(_pick_disabled_tofs(tof_count, 1, 3, 0.5))
    # img_copy = img.clone(); img_copy[:, disabled_tofs] = 0.0
    img_copy = img.at[:, idx].set(0.0)
    return img_copy

if __name__ == "__main__":
    import jax
    _d = setup_inputs()
    print(jax.jit(kernel)(*tuple(_d.values())))

</pallas_src>

<mosaic_0001>
#map = affine_map<(d0, d1) -> (0, 0)>
module attributes {stable_mosaic.version = 14 : i64} {
  func.func @_sc_body(%arg0: i32, %arg1: i32, %arg2: memref<16384x2048xf32, #tpu.memory_space<hbm>>, %arg3: memref<16384x2048xf32, #tpu.memory_space<hbm>>, %arg4: memref<2x16x2048xf32, #tpu.memory_space<vmem>>, %arg5: memref<4x!tpu.dma_semaphore, #tpu.memory_space<semaphore_mem>>) attributes {dimension_semantics = [#tpu.dimension_semantics<core_parallel>, #tpu.dimension_semantics<subcore_parallel>], iteration_bounds = array<i64: 2, 16>, scalar_prefetch = 0 : i64, scratch_operands = 2 : i64, tpu.core_type = #tpu.core_type<sc_vector_subcore>, window_params = [{transform_indices = #map}, {transform_indices = #map}]} {
    %mul3A = arith.constant 2 : i32
    %mul3A_0 = arith.muli %arg1, %mul3A : i32
    %add3A = arith.addi %mul3A_0, %arg0 : i32
    %mul3A_1 = arith.constant 512 : i32
    %mul3A_2 = arith.muli %add3A, %mul3A_1 : i32
    %iota3A = tpu.iota {dimensions = array<i32: 0>} : vector<16xi32>
    %add3A_3 = arith.constant 0 : i32
    %add3A_4 = arith.addi %mul3A_2, %add3A_3 : i32
    %dma_start3A = arith.constant 0 : i32
    %dma_start3A_5 = arith.constant 0 : i32
    %dma_start3A_6 = arith.constant 0 : i32
    %dma_start3A_7 = arith.constant 0 : i32
    %dma_start3A_8 = tpu.memref_slice %arg4[%dma_start3A, %dma_start3A_6, %dma_start3A_7] : memref<2x16x2048xf32, #tpu.memory_space<vmem>> -> memref<1x16x2048xf32, #tpu.memory_space<vmem>>
    %dma_start3A_9 = tpu.memref_squeeze %dma_start3A_8 : memref<1x16x2048xf32, #tpu.memory_space<vmem>> -> memref<16x2048xf32, #tpu.memory_space<vmem>>
    %dma_start3A_10 = arith.constant 0 : i32
    %dma_start3A_11 = tpu.memref_slice %arg2[%add3A_4, %dma_start3A_10] : memref<16384x2048xf32, #tpu.memory_space<hbm>> -> memref<16x2048xf32, #tpu.memory_space<hbm>>
    %dma_start3A_12 = tpu.memref_slice %arg5[%dma_start3A_5] : memref<4x!tpu.dma_semaphore, #tpu.memory_space<semaphore_mem>> -> memref<1x!tpu.dma_semaphore, #tpu.memory_space<semaphore_mem>>
    %dma_start3A_13 = tpu.memref_squeeze %dma_start3A_12 : memref<1x!tpu.dma_semaphore, #tpu.memory_space<semaphore_mem>> -> memref<!tpu.dma_semaphore, #tpu.memory_space<semaphore_mem>>
    %dma_start3A_14 = arith.constant 0 : i32
    %dma_start3A_15 = arith.constant 0 : i32
    %dma_start3A_16 = tpu.memref_slice %arg4[%dma_start3A, %dma_start3A_14, %dma_start3A_15] : memref<2x16x2048xf32, #tpu.memory_space<vmem>> -> memref<1x16x2048xf32, #tpu.memory_space<vmem>>
    %dma_start3A_17 = tpu.memref_squeeze %dma_start3A_16 : memref<1x16x2048xf32, #tpu.memory_space<vmem>> -> memref<16x2048xf32, #tpu.memory_space<vmem>>
    %dma_start3A_18 = arith.constant 0 : i32
    %dma_start3A_19 = tpu.memref_slice %arg2[%add3A_4, %dma_start3A_18] : memref<16384x2048xf32, #tpu.memory_space<hbm>> -> memref<16x2048xf32, #tpu.memory_space<hbm>>
    tpu.enqueue_dma source(%dma_start3A_19 : memref<16x2048xf32, #tpu.memory_space<hbm>>) target(%dma_start3A_17 : memref<16x2048xf32, #tpu.memory_space<vmem>>) target_semaphore(%dma_start3A_13 : memref<!tpu.dma_semaphore, #tpu.memory_space<semaphore_mem>>)
    %add3A_20 = arith.constant 16 : i32
    %add3A_21 = arith.addi %mul3A_2, %add3A_20 : i32
    %dma_start3A_22 = arith.constant 1 : i32
    %dma_start3A_23 = arith.constant 1 : i32
    %dma_start3A_24 = arith.constant 0 : i32
    %dma_start3A_25 = arith.constant 0 : i32
    %dma_start3A_26 = tpu.memref_slice %arg4[%dma_start3A_22, %dma_start3A_24, %dma_start3A_25] : memref<2x16x2048xf32, #tpu.memory_space<vmem>> -> memref<1x16x2048xf32, #tpu.memory_space<vmem>>
    %dma_start3A_27 = tpu.memref_squeeze %dma_start3A_26 : memref<1x16x2048xf32, #tpu.memory_space<vmem>> -> memref<16x2048xf32, #tpu.memory_space<vmem>>
    %dma_start3A_28 = arith.constant 0 : i32
    %dma_start3A_29 = tpu.memref_slice %arg2[%add3A_21, %dma_start3A_28] : memref<16384x2048xf32, #tpu.memory_space<hbm>> -> memref<16x2048xf32, #tpu.memory_space<hbm>>
    %dma_start3A_30 = tpu.memref_slice %arg5[%dma_start3A_23] : memref<4x!tpu.dma_semaphore, #tpu.memory_space<semaphore_mem>> -> memref<1x!tpu.dma_semaphore, #tpu.memory_space<semaphore_mem>>
    %dma_start3A_31 = tpu.memref_squeeze %dma_start3A_30 : memref<1x!tpu.dma_semaphore, #tpu.memory_space<semaphore_mem>> -> memref<!tpu.dma_semaphore, #tpu.memory_space<semaphore_mem>>
    %dma_start3A_32 = arith.constant 0 : i32
    %dma_start3A_33 = arith.constant 0 : i32
    %dma_start3A_34 = tpu.memref_slice %arg4[%dma_start3A_22, %dma_start3A_32, %dma_start3A_33] : memref<2x16x2048xf32, #tpu.memory_space<vmem>> -> memref<1x16x2048xf32, #tpu.memory_space<vmem>>
    %dma_start3A_35 = tpu.memref_squeeze %dma_start3A_34 : memref<1x16x2048xf32, #tpu.memory_space<vmem>> -> memref<16x2048xf32, #tpu.memory_space<vmem>>
    %dma_start3A_36 = arith.constant 0 : i32
    %dma_start3A_37 = tpu.memref_slice %arg2[%add3A_21, %dma_start3A_36] : memref<16384x2048xf32, #tpu.memory_space<hbm>> -> memref<16x2048xf32, #tpu.memory_space<hbm>>
    tpu.enqueue_dma source(%dma_start3A_37 : memref<16x2048xf32, #tpu.memory_space<hbm>>) target(%dma_start3A_35 : memref<16x2048xf32, #tpu.memory_space<vmem>>) target_semaphore(%dma_start3A_31 : memref<!tpu.dma_semaphore, #tpu.memory_space<semaphore_mem>>)
    %scan3A = arith.constant 0 : i32
    %scan3A_38 = arith.constant 0 : i32
    %scan3A_39 = arith.constant 16 : i32
    %scan3A_40 = arith.addi %scan3A_38, %scan3A_39 : i32
    %scan3A_41 = arith.constant 1 : i32
    scf.for %scan3A_78 = %scan3A_38 to %scan3A_40 step %scan3A_41  : i32 {
      %mul3A_79 = arith.constant 2 : i32
      %mul3A_80 = arith.muli %scan3A_78, %mul3A_79 : i32
      %add3A_81 = arith.constant 0 : i32
      %add3A_82 = arith.addi %mul3A_80, %add3A_81 : i32
      %mul3A_83 = arith.constant 16 : i32
      %mul3A_84 = arith.muli %add3A_82, %mul3A_83 : i32
      %add3A_85 = arith.addi %mul3A_2, %mul3A_84 : i32
      %dma_wait3A_86 = arith.constant 0 : i32
      %dma_wait3A_87 = arith.constant 0 : i32
      %dma_wait3A_88 = arith.constant 0 : i32
      %dma_wait3A_89 = arith.constant 0 : i32
      %dma_wait3A_90 = tpu.memref_slice %arg4[%dma_wait3A_86, %dma_wait3A_88, %dma_wait3A_89] : memref<2x16x2048xf32, #tpu.memory_space<vmem>> -> memref<1x16x2048xf32, #tpu.memory_space<vmem>>
      %dma_wait3A_91 = tpu.memref_squeeze %dma_wait3A_90 : memref<1x16x2048xf32, #tpu.memory_space<vmem>> -> memref<16x2048xf32, #tpu.memory_space<vmem>>
      %dma_wait3A_92 = arith.constant 0 : i32
      %dma_wait3A_93 = tpu.memref_slice %arg2[%add3A_85, %dma_wait3A_92] : memref<16384x2048xf32, #tpu.memory_space<hbm>> -> memref<16x2048xf32, #tpu.memory_space<hbm>>
      %dma_wait3A_94 = tpu.memref_slice %arg5[%dma_wait3A_87] : memref<4x!tpu.dma_semaphore, #tpu.memory_space<semaphore_mem>> -> memref<1x!tpu.dma_semaphore, #tpu.memory_space<semaphore_mem>>
      %dma_wait3A_95 = tpu.memref_squeeze %dma_wait3A_94 : memref<1x!tpu.dma_semaphore, #tpu.memory_space<semaphore_mem>> -> memref<!tpu.dma_semaphore, #tpu.memory_space<semaphore_mem>>
      %dma_wait3A_96 = arith.constant 0 : i32
      %dma_wait3A_97 = arith.constant 0 : i32
      %dma_wait3A_98 = tpu.memref_slice %arg4[%dma_wait3A_86, %dma_wait3A_96, %dma_wait3A_97] : memref<2x16x2048xf32, #tpu.memory_space<vmem>> -> memref<1x16x2048xf32, #tpu.memory_space<vmem>>
      %dma_wait3A_99 = tpu.memref_squeeze %dma_wait3A_98 : memref<1x16x2048xf32, #tpu.memory_space<vmem>> -> memref<16x2048xf32, #tpu.memory_space<vmem>>
      %dma_wait3A_100 = arith.constant 0 : i32
      %dma_wait3A_101 = tpu.memref_slice %arg2[%add3A_85, %dma_wait3A_100] : memref<16384x2048xf32, #tpu.memory_space<hbm>> -> memref<16x2048xf32, #tpu.memory_space<hbm>>
      tpu.wait_dma2 semaphore(%dma_wait3A_95 : memref<!tpu.dma_semaphore, #tpu.memory_space<semaphore_mem>>) src(%dma_wait3A_101 : memref<16x2048xf32, #tpu.memory_space<hbm>>) dst(%dma_wait3A_99 : memref<16x2048xf32, #tpu.memory_space<vmem>>)
      %get3A = arith.constant 0 : i32
      %get3A_102 = arith.constant 0 : i32
      %get3A_103 = arith.index_cast %get3A : i32 to index
      %get3A_104 = arith.index_cast %get3A_102 : i32 to index
      %get3A_105 = arith.constant 160 : index
      %get3A_106 = tpu.vector_load %arg4[%get3A_103, %get3A_104, %get3A_105] {strides = array<i32>} : memref<2x16x2048xf32, #tpu.memory_space<vmem>>, vector<1x1x16xf32>,
      %get3A_107 = vector.shape_cast %get3A_106 : vector<1x1x16xf32> to vector<16xf32>
      %eq3A = arith.constant 2 : i32
      %eq3A_108 = vector.broadcast %eq3A : i32 to vector<16xi32>
      %eq3A_109 = arith.cmpi eq, %iota3A, %eq3A_108 : vector<16xi32>
      %jit3A = arith.constant 0.000000e+00 : f32
      %broadcast_in_dim3A = vector.broadcast %jit3A : f32 to vector<16xf32>
      %select_n3A = arith.select %eq3A_109, %broadcast_in_dim3A, %get3A_107 : vector<16xi1>, vector<16xf32>
      %swap3A = arith.constant 0 : i32
      %swap3A_110 = arith.constant 0 : i32
      %swap3A_111 = arith.index_cast %swap3A : i32 to index
      %swap3A_112 = arith.index_cast %swap3A_110 : i32 to index
      %swap3A_113 = arith.constant 160 : index
      %swap3A_114 = tpu.vector_load %arg4[%swap3A_111, %swap3A_112, %swap3A_113] {strides = array<i32>} : memref<2x16x2048xf32, #tpu.memory_space<vmem>>, vector<1x1x16xf32>,
      %swap3A_115 = vector.shape_cast %swap3A_114 : vector<1x1x16xf32> to vector<16xf32>
      %swap3A_116 = vector.shape_cast %select_n3A : vector<16xf32> to vector<1x1x16xf32>
      tpu.vector_store %arg4[%swap3A_111, %swap3A_112, %swap3A_113], %swap3A_116 {strides = array<i32>} : memref<2x16x2048xf32, #tpu.memory_space<vmem>>, vector<1x1x16xf32>,
      %get3A_117 = arith.constant 0 : i32
      %get3A_118 = arith.constant 1 : i32
      %get3A_119 = arith.index_cast %get3A_117 : i32 to index
      %get3A_120 = arith.index_cast %get3A_118 : i32 to index
      %get3A_121 = arith.constant 160 : index
      %get3A_122 = tpu.vector_load %arg4[%get3A_119, %get3A_120, %get3A_121] {strides = array<i32>} : memref<2x16x2048xf32, #tpu.memory_space<vmem>>, vector<1x1x16xf32>,
      %get3A_123 = vector.shape_cast %get3A_122 : vector<1x1x16xf32> to vector<16xf32>
      %eq3A_124 = arith.constant 2 : i32
      %eq3A_125 = vector.broadcast %eq3A_124 : i32 to vector<16xi32>
      %eq3A_126 = arith.cmpi eq, %iota3A, %eq3A_125 : vector<16xi32>
      %jit3A_127 = arith.constant 0.000000e+00 : f32
      %broadcast_in_dim3A_128 = vector.broadcast %jit3A_127 : f32 to vector<16xf32>
      %select_n3A_129 = arith.select %eq3A_126, %broadcast_in_dim3A_128, %get3A_123 : vector<16xi1>, vector<16xf32>
      %swap3A_130 = arith.constant 0 : i32
      %swap3A_131 = arith.constant 1 : i32
      %swap3A_132 = arith.index_cast %swap3A_130 : i32 to index
      %swap3A_133 = arith.index_cast %swap3A_131 : i32 to index
      %swap3A_134 = arith.constant 160 : index
      %swap3A_135 = tpu.vector_load %arg4[%swap3A_132, %swap3A_133, %swap3A_134] {strides = array<i32>} : memref<2x16x2048xf32, #tpu.memory_space<vmem>>, vector<1x1x16xf32>,
      %swap3A_136 = vector.shape_cast %swap3A_135 : vector<1x1x16xf32> to vector<16xf32>
      %swap3A_137 = vector.shape_cast %select_n3A_129 : vector<16xf32> to vector<1x1x16xf32>
      tpu.vector_store %arg4[%swap3A_132, %swap3A_133, %swap3A_134], %swap3A_137 {strides = array<i32>} : memref<2x16x2048xf32, #tpu.memory_space<vmem>>, vector<1x1x16xf32>,
      %get3A_138 = arith.constant 0 : i32
      %get3A_139 = arith.constant 2 : i32
      %get3A_140 = arith.index_cast %get3A_138 : i32 to index
      %get3A_141 = arith.index_cast %get3A_139 : i32 to index
      %get3A_142 = arith.constant 160 : index
      %get3A_143 = tpu.vector_load %arg4[%get3A_140, %get3A_141, %get3A_142] {strides = array<i32>} : memref<2x16x2048xf32, #tpu.memory_space<vmem>>, vector<1x1x16xf32>,
      %get3A_144 = vector.shape_cast %get3A_143 : vector<1x1x16xf32> to vector<16xf32>
      %eq3A_145 = arith.constant 2 : i32
      %eq3A_146 = vector.broadcast %eq3A_145 : i32 to vector<16xi32>
      %eq3A_147 = arith.cmpi eq, %iota3A, %eq3A_146 : vector<16xi32>
      %jit3A_148 = arith.constant 0.000000e+00 : f32
      %broadcast_in_dim3A_149 = vector.broadcast %jit3A_148 : f32 to vector<16xf32>
      %select_n3A_150 = arith.select %eq3A_147, %broadcast_in_dim3A_149, %get3A_144 : vector<16xi1>, vector<16xf32>
      %swap3A_151 = arith.constant 0 : i32
      %swap3A_152 = arith.constant 2 : i32
      %swap3A_153 = arith.index_cast %swap3A_151 : i32 to index
      %swap3A_154 = arith.index_cast %swap3A_152 : i32 to index
      %swap3A_155 = arith.constant 160 : index
      %swap3A_156 = tpu.vector_load %arg4[%swap3A_153, %swap3A_154, %swap3A_155] {strides = array<i32>} : memref<2x16x2048xf32, #tpu.memory_space<vmem>>, vector<1x1x16xf32>,
      %swap3A_157 = vector.shape_cast %swap3A_156 : vector<1x1x16xf32> to vector<16xf32>
      %swap3A_158 = vector.shape_cast %select_n3A_150 : vector<16xf32> to vector<1x1x16xf32>
      tpu.vector_store %arg4[%swap3A_153, %swap3A_154, %swap3A_155], %swap3A_158 {strides = array<i32>} : memref<2x16x2048xf32, #tpu.memory_space<vmem>>, vector<1x1x16xf32>,
      %get3A_159 = arith.constant 0 : i32
      %get3A_160 = arith.constant 3 : i32
      %get3A_161 = arith.index_cast %get3A_159 : i32 to index
      %get3A_162 = arith.index_cast %get3A_160 : i32 to index
      %get3A_163 = arith.constant 160 : index
      %get3A_164 = tpu.vector_load %arg4[%get3A_161, %get3A_162, %get3A_163] {strides = array<i32>} : memref<2x16x2048xf32, #tpu.memory_space<vmem>>, vector<1x1x16xf32>,
      %get3A_165 = vector.shape_cast %get3A_164 : vector<1x1x16xf32> to vector<16xf32>
      %eq3A_166 = arith.constant 2 : i32
      %eq3A_167 = vector.broadcast %eq3A_166 : i32 to vector<16xi32>
      %eq3A_168 = arith.cmpi eq, %iota3A, %eq3A_167 : vector<16xi32>
      %jit3A_169 = arith.constant 0.000000e+00 : f32
      %broadcast_in_dim3A_170 = vector.broadcast %jit3A_169 : f32 to vector<16xf32>
      %select_n3A_171 = arith.select %eq3A_168, %broadcast_in_dim3A_170, %get3A_165 : vector<16xi1>, vector<16xf32>
      %swap3A_172 = arith.constant 0 : i32
      %swap3A_173 = arith.constant 3 : i32
      %swap3A_174 = arith.index_cast %swap3A_172 : i32 to index
      %swap3A_175 = arith.index_cast %swap3A_173 : i32 to index
      %swap3A_176 = arith.constant 160 : index
      %swap3A_177 = tpu.vector_load %arg4[%swap3A_174, %swap3A_175, %swap3A_176] {strides = array<i32>} : memref<2x16x2048xf32, #tpu.memory_space<vmem>>, vector<1x1x16xf32>,
      %swap3A_178 = vector.shape_cast %swap3A_177 : vector<1x1x16xf32> to vector<16xf32>
      %swap3A_179 = vector.shape_cast %select_n3A_171 : vector<16xf32> to vector<1x1x16xf32>
      tpu.vector_store %arg4[%swap3A_174, %swap3A_175, %swap3A_176], %swap3A_179 {strides = array<i32>} : memref<2x16x2048xf32, #tpu.memory_space<vmem>>, vector<1x1x16xf32>,
      %get3A_180 = arith.constant 0 : i32
      %get3A_181 = arith.constant 4 : i32
      %get3A_182 = arith.index_cast %get3A_180 : i32 to index
      %get3A_183 = arith.index_cast %get3A_181 : i32 to index
      %get3A_184 = arith.constant 160 : index
      %get3A_185 = tpu.vector_load %arg4[%get3A_182, %get3A_183, %get3A_184] {strides = array<i32>} : memref<2x16x2048xf32, #tpu.memory_space<vmem>>, vector<1x1x16xf32>,
      %get3A_186 = vector.shape_cast %get3A_185 : vector<1x1x16xf32> to vector<16xf32>
      %eq3A_187 = arith.constant 2 : i32
      %eq3A_188 = vector.broadcast %eq3A_187 : i32 to vector<16xi32>
      %eq3A_189 = arith.cmpi eq, %iota3A, %eq3A_188 : vector<16xi32>
      %jit3A_190 = arith.constant 0.000000e+00 : f32
      %broadcast_in_dim3A_191 = vector.broadcast %jit3A_190 : f32 to vector<16xf32>
      %select_n3A_192 = arith.select %eq3A_189, %broadcast_in_dim3A_191, %get3A_186 : vector<16xi1>, vector<16xf32>
      %swap3A_193 = arith.constant 0 : i32
      %swap3A_194 = arith.constant 4 : i32
      %swap3A_195 = arith.index_cast %swap3A_193 : i32 to index
      %swap3A_196 = arith.index_cast %swap3A_194 : i32 to index
      %swap3A_197 = arith.constant 160 : index
      %swap3A_198 = tpu.vector_load %arg4[%swap3A_195, %swap3A_196, %swap3A_197] {strides = array<i32>} : memref<2x16x2048xf32, #tpu.memory_space<vmem>>, vector<1x1x16xf32>,
      %swap3A_199 = vector.shape_cast %swap3A_198 : vector<1x1x16xf32> to vector<16xf32>
      %swap3A_200 = vector.shape_cast %select_n3A_192 : vector<16xf32> to vector<1x1x16xf32>
      tpu.vector_store %arg4[%swap3A_195, %swap3A_196, %swap3A_197], %swap3A_200 {strides = array<i32>} : memref<2x16x2048xf32, #tpu.memory_space<vmem>>, vector<1x1x16xf32>,
      %get3A_201 = arith.constant 0 : i32
      %get3A_202 = arith.constant 5 : i32
      %get3A_203 = arith.index_cast %get3A_201 : i32 to index
      %get3A_204 = arith.index_cast %get3A_202 : i32 to index
      %get3A_205 = arith.constant 160 : index
      %get3A_206 = tpu.vector_load %arg4[%get3A_203, %get3A_204, %get3A_205] {strides = array<i32>} : memref<2x16x2048xf32, #tpu.memory_space<vmem>>, vector<1x1x16xf32>,
      %get3A_207 = vector.shape_cast %get3A_206 : vector<1x1x16xf32> to vector<16xf32>
      %eq3A_208 = arith.constant 2 : i32
      %eq3A_209 = vector.broadcast %eq3A_208 : i32 to vector<16xi32>
      %eq3A_210 = arith.cmpi eq, %iota3A, %eq3A_209 : vector<16xi32>
      %jit3A_211 = arith.constant 0.000000e+00 : f32
      %broadcast_in_dim3A_212 = vector.broadcast %jit3A_211 : f32 to vector<16xf32>
      %select_n3A_213 = arith.select %eq3A_210, %broadcast_in_dim3A_212, %get3A_207 : vector<16xi1>, vector<16xf32>
      %swap3A_214 = arith.constant 0 : i32
      %swap3A_215 = arith.constant 5 : i32
      %swap3A_216 = arith.index_cast %swap3A_214 : i32 to index
      %swap3A_217 = arith.index_cast %swap3A_215 : i32 to index
      %swap3A_218 = arith.constant 160 : index
      %swap3A_219 = tpu.vector_load %arg4[%swap3A_216, %swap3A_217, %swap3A_218] {strides = array<i32>} : memref<2x16x2048xf32, #tpu.memory_space<vmem>>, vector<1x1x16xf32>,
      %swap3A_220 = vector.shape_cast %swap3A_219 : vector<1x1x16xf32> to vector<16xf32>
      %swap3A_221 = vector.shape_cast %select_n3A_213 : vector<16xf32> to vector<1x1x16xf32>
      tpu.vector_store %arg4[%swap3A_216, %swap3A_217, %swap3A_218], %swap3A_221 {strides = array<i32>} : memref<2x16x2048xf32, #tpu.memory_space<vmem>>, vector<1x1x16xf32>,
      %get3A_222 = arith.constant 0 : i32
      %get3A_223 = arith.constant 6 : i32
      %get3A_224 = arith.index_cast %get3A_222 : i32 to index
      %get3A_225 = arith.index_cast %get3A_223 : i32 to index
      %get3A_226 = arith.constant 160 : index
      %get3A_227 = tpu.vector_load %arg4[%get3A_224, %get3A_225, %get3A_226] {strides = array<i32>} : memref<2x16x2048xf32, #tpu.memory_space<vmem>>, vector<1x1x16xf32>,
      %get3A_228 = vector.shape_cast %get3A_227 : vector<1x1x16xf32> to vector<16xf32>
      %eq3A_229 = arith.constant 2 : i32
      %eq3A_230 = vector.broadcast %eq3A_229 : i32 to vector<16xi32>
      %eq3A_231 = arith.cmpi eq, %iota3A, %eq3A_230 : vector<16xi32>
      %jit3A_232 = arith.constant 0.000000e+00 : f32
      %broadcast_in_dim3A_233 = vector.broadcast %jit3A_232 : f32 to vector<16xf32>
      %select_n3A_234 = arith.select %eq3A_231, %broadcast_in_dim3A_233, %get3A_228 : vector<16xi1>, vector<16xf32>
      %swap3A_235 = arith.constant 0 : i32
      %swap3A_236 = arith.constant 6 : i32
      %swap3A_237 = arith.index_cast %swap3A_235 : i32 to index
      %swap3A_238 = arith.index_cast %swap3A_236 : i32 to index
      %swap3A_239 = arith.constant 160 : index
      %swap3A_240 = tpu.vector_load %arg4[%swap3A_237, %swap3A_238, %swap3A_239] {strides = array<i32>} : memref<2x16x2048xf32, #tpu.memory_space<vmem>>, vector<1x1x16xf32>,
      %swap3A_241 = vector.shape_cast %swap3A_240 : vector<1x1x16xf32> to vector<16xf32>
      %swap3A_242 = vector.shape_cast %select_n3A_234 : vector<16xf32> to vector<1x1x16xf32>
      tpu.vector_store %arg4[%swap3A_237, %swap3A_238, %swap3A_239], %swap3A_242 {strides = array<i32>} : memref<2x16x2048xf32, #tpu.memory_space<vmem>>, vector<1x1x16xf32>,
      %get3A_243 = arith.constant 0 : i32
      %get3A_244 = arith.constant 7 : i32
      %get3A_245 = arith.index_cast %get3A_243 : i32 to index
      %get3A_246 = arith.index_cast %get3A_244 : i32 to index
      %get3A_247 = arith.constant 160 : index
      %get3A_248 = tpu.vector_load %arg4[%get3A_245, %get3A_246, %get3A_247] {strides = array<i32>} : memref<2x16x2048xf32, #tpu.memory_space<vmem>>, vector<1x1x16xf32>,
      %get3A_249 = vector.shape_cast %get3A_248 : vector<1x1x16xf32> to vector<16xf32>
      %eq3A_250 = arith.constant 2 : i32
      %eq3A_251 = vector.broadcast %eq3A_250 : i32 to vector<16xi32>
      %eq3A_252 = arith.cmpi eq, %iota3A, %eq3A_251 : vector<16xi32>
      %jit3A_253 = arith.constant 0.000000e+00 : f32
      %broadcast_in_dim3A_254 = vector.broadcast %jit3A_253 : f32 to vector<16xf32>
      %select_n3A_255 = arith.select %eq3A_252, %broadcast_in_dim3A_254, %get3A_249 : vector<16xi1>, vector<16xf32>
      %swap3A_256 = arith.constant 0 : i32
      %swap3A_257 = arith.constant 7 : i32
      %swap3A_258 = arith.index_cast %swap3A_256 : i32 to index
      %swap3A_259 = arith.index_cast %swap3A_257 : i32 to index
      %swap3A_260 = arith.constant 160 : index
      %swap3A_261 = tpu.vector_load %arg4[%swap3A_258, %swap3A_259, %swap3A_260] {strides = array<i32>} : memref<2x16x2048xf32, #tpu.memory_space<vmem>>, vector<1x1x16xf32>,
      %swap3A_262 = vector.shape_cast %swap3A_261 : vector<1x1x16xf32> to vector<16xf32>
      %swap3A_263 = vector.shape_cast %select_n3A_255 : vector<16xf32> to vector<1x1x16xf32>
      tpu.vector_store %arg4[%swap3A_258, %swap3A_259, %swap3A_260], %swap3A_263 {strides = array<i32>} : memref<2x16x2048xf32, #tpu.memory_space<vmem>>, vector<1x1x16xf32>,
      %get3A_264 = arith.constant 0 : i32
      %get3A_265 = arith.constant 8 : i32
      %get3A_266 = arith.index_cast %get3A_264 : i32 to index
      %get3A_267 = arith.index_cast %get3A_265 : i32 to index
      %get3A_268 = arith.constant 160 : index
      %get3A_269 = tpu.vector_load %arg4[%get3A_266, %get3A_267, %get3A_268] {strides = array<i32>} : memref<2x16x2048xf32, #tpu.memory_space<vmem>>, vector<1x1x16xf32>,
      %get3A_270 = vector.shape_cast %get3A_269 : vector<1x1x16xf32> to vector<16xf32>
      %eq3A_271 = arith.constant 2 : i32
      %eq3A_272 = vector.broadcast %eq3A_271 : i32 to vector<16xi32>
      %eq3A_273 = arith.cmpi eq, %iota3A, %eq3A_272 : vector<16xi32>
      %jit3A_274 = arith.constant 0.000000e+00 : f32
      %broadcast_in_dim3A_275 = vector.broadcast %jit3A_274 : f32 to vector<16xf32>
      %select_n3A_276 = arith.select %eq3A_273, %broadcast_in_dim3A_275, %get3A_270 : vector<16xi1>, vector<16xf32>
      %swap3A_277 = arith.constant 0 : i32
      %swap3A_278 = arith.constant 8 : i32
      %swap3A_279 = arith.index_cast %swap3A_277 : i32 to index
      %swap3A_280 = arith.index_cast %swap3A_278 : i32 to index
      %swap3A_281 = arith.constant 160 : index
      %swap3A_282 = tpu.vector_load %arg4[%swap3A_279, %swap3A_280, %swap3A_281] {strides = array<i32>} : memref<2x16x2048xf32, #tpu.memory_space<vmem>>, vector<1x1x16xf32>,
      %swap3A_283 = vector.shape_cast %swap3A_282 : vector<1x1x16xf32> to vector<16xf32>
      %swap3A_284 = vector.shape_cast %select_n3A_276 : vector<16xf32> to vector<1x1x16xf32>
      tpu.vector_store %arg4[%swap3A_279, %swap3A_280, %swap3A_281], %swap3A_284 {strides = array<i32>} : memref<2x16x2048xf32, #tpu.memory_space<vmem>>, vector<1x1x16xf32>,
      %get3A_285 = arith.constant 0 : i32
      %get3A_286 = arith.constant 9 : i32
      %get3A_287 = arith.index_cast %get3A_285 : i32 to index
      %get3A_288 = arith.index_cast %get3A_286 : i32 to index
      %get3A_289 = arith.constant 160 : index
      %get3A_290 = tpu.vector_load %arg4[%get3A_287, %get3A_288, %get3A_289] {strides = array<i32>} : memref<2x16x2048xf32, #tpu.memory_space<vmem>>, vector<1x1x16xf32>,
      %get3A_291 = vector.shape_cast %get3A_290 : vector<1x1x16xf32> to vector<16xf32>
      %eq3A_292 = arith.constant 2 : i32
      %eq3A_293 = vector.broadcast %eq3A_292 : i32 to vector<16xi32>
      %eq3A_294 = arith.cmpi eq, %iota3A, %eq3A_293 : vector<16xi32>
      %jit3A_295 = arith.constant 0.000000e+00 : f32
      %broadcast_in_dim3A_296 = vector.broadcast %jit3A_295 : f32 to vector<16xf32>
      %select_n3A_297 = arith.select %eq3A_294, %broadcast_in_dim3A_296, %get3A_291 : vector<16xi1>, vector<16xf32>
      %swap3A_298 = arith.constant 0 : i32
      %swap3A_299 = arith.constant 9 : i32
      %swap3A_300 = arith.index_cast %swap3A_298 : i32 to index
      %swap3A_301 = arith.index_cast %swap3A_299 : i32 to index
      %swap3A_302 = arith.constant 160 : index
      %swap3A_303 = tpu.vector_load %arg4[%swap3A_300, %swap3A_301, %swap3A_302] {strides = array<i32>} : memref<2x16x2048xf32, #tpu.memory_space<vmem>>, vector<1x1x16xf32>,
      %swap3A_304 = vector.shape_cast %swap3A_303 : vector<1x1x16xf32> to vector<16xf32>
      %swap3A_305 = vector.shape_cast %select_n3A_297 : vector<16xf32> to vector<1x1x16xf32>
      tpu.vector_store %arg4[%swap3A_300, %swap3A_301, %swap3A_302], %swap3A_305 {strides = array<i32>} : memref<2x16x2048xf32, #tpu.memory_space<vmem>>, vector<1x1x16xf32>,
      %get3A_306 = arith.constant 0 : i32
      %get3A_307 = arith.constant 10 : i32
      %get3A_308 = arith.index_cast %get3A_306 : i32 to index
      %get3A_309 = arith.index_cast %get3A_307 : i32 to index
      %get3A_310 = arith.constant 160 : index
      %get3A_311 = tpu.vector_load %arg4[%get3A_308, %get3A_309, %get3A_310] {strides = array<i32>} : memref<2x16x2048xf32, #tpu.memory_space<vmem>>, vector<1x1x16xf32>,
      %get3A_312 = vector.shape_cast %get3A_311 : vector<1x1x16xf32> to vector<16xf32>
      %eq3A_313 = arith.constant 2 : i32
      %eq3A_314 = vector.broadcast %eq3A_313 : i32 to vector<16xi32>
      %eq3A_315 = arith.cmpi eq, %iota3A, %eq3A_314 : vector<16xi32>
      %jit3A_316 = arith.constant 0.000000e+00 : f32
      %broadcast_in_dim3A_317 = vector.broadcast %jit3A_316 : f32 to vector<16xf32>
      %select_n3A_318 = arith.select %eq3A_315, %broadcast_in_dim3A_317, %get3A_312 : vector<16xi1>, vector<16xf32>
      %swap3A_319 = arith.constant 0 : i32
      %swap3A_320 = arith.constant 10 : i32
      %swap3A_321 = arith.index_cast %swap3A_319 : i32 to index
      %swap3A_322 = arith.index_cast %swap3A_320 : i32 to index
      %swap3A_323 = arith.constant 160 : index
      %swap3A_324 = tpu.vector_load %arg4[%swap3A_321, %swap3A_322, %swap3A_323] {strides = array<i32>} : memref<2x16x2048xf32, #tpu.memory_space<vmem>>, vector<1x1x16xf32>,
      %swap3A_325 = vector.shape_cast %swap3A_324 : vector<1x1x16xf32> to vector<16xf32>
      %swap3A_326 = vector.shape_cast %select_n3A_318 : vector<16xf32> to vector<1x1x16xf32>
      tpu.vector_store %arg4[%swap3A_321, %swap3A_322, %swap3A_323], %swap3A_326 {strides = array<i32>} : memref<2x16x2048xf32, #tpu.memory_space<vmem>>, vector<1x1x16xf32>,
      %get3A_327 = arith.constant 0 : i32
      %get3A_328 = arith.constant 11 : i32
      %get3A_329 = arith.index_cast %get3A_327 : i32 to index
      %get3A_330 = arith.index_cast %get3A_328 : i32 to index
      %get3A_331 = arith.constant 160 : index
      %get3A_332 = tpu.vector_load %arg4[%get3A_329, %get3A_330, %get3A_331] {strides = array<i32>} : memref<2x16x2048xf32, #tpu.memory_space<vmem>>, vector<1x1x16xf32>,
      %get3A_333 = vector.shape_cast %get3A_332 : vector<1x1x16xf32> to vector<16xf32>
      %eq3A_334 = arith.constant 2 : i32
      %eq3A_335 = vector.broadcast %eq3A_334 : i32 to vector<16xi32>
      %eq3A_336 = arith.cmpi eq, %iota3A, %eq3A_335 : vector<16xi32>
      %jit3A_337 = arith.constant 0.000000e+00 : f32
      %broadcast_in_dim3A_338 = vector.broadcast %jit3A_337 : f32 to vector<16xf32>
      %select_n3A_339 = arith.select %eq3A_336, %broadcast_in_dim3A_338, %get3A_333 : vector<16xi1>, vector<16xf32>
      %swap3A_340 = arith.constant 0 : i32
      %swap3A_341 = arith.constant 11 : i32
      %swap3A_342 = arith.index_cast %swap3A_340 : i32 to index
      %swap3A_343 = arith.index_cast %swap3A_341 : i32 to index
      %swap3A_344 = arith.constant 160 : index
      %swap3A_345 = tpu.vector_load %arg4[%swap3A_342, %swap3A_343, %swap3A_344] {strides = array<i32>} : memref<2x16x2048xf32, #tpu.memory_space<vmem>>, vector<1x1x16xf32>,
      %swap3A_346 = vector.shape_cast %swap3A_345 : vector<1x1x16xf32> to vector<16xf32>
      %swap3A_347 = vector.shape_cast %select_n3A_339 : vector<16xf32> to vector<1x1x16xf32>
      tpu.vector_store %arg4[%swap3A_342, %swap3A_343, %swap3A_344], %swap3A_347 {strides = array<i32>} : memref<2x16x2048xf32, #tpu.memory_space<vmem>>, vector<1x1x16xf32>,
      %get3A_348 = arith.constant 0 : i32
      %get3A_349 = arith.constant 12 : i32
      %get3A_350 = arith.index_cast %get3A_348 : i32 to index
      %get3A_351 = arith.index_cast %get3A_349 : i32 to index
      %get3A_352 = arith.constant 160 : index
      %get3A_353 = tpu.vector_load %arg4[%get3A_350, %get3A_351, %get3A_352] {strides = array<i32>} : memref<2x16x2048xf32, #tpu.memory_space<vmem>>, vector<1x1x16xf32>,
      %get3A_354 = vector.shape_cast %get3A_353 : vector<1x1x16xf32> to vector<16xf32>
      %eq3A_355 = arith.constant 2 : i32
      %eq3A_356 = vector.broadcast %eq3A_355 : i32 to vector<16xi32>
      %eq3A_357 = arith.cmpi eq, %iota3A, %eq3A_356 : vector<16xi32>
      %jit3A_358 = arith.constant 0.000000e+00 : f32
      %broadcast_in_dim3A_359 = vector.broadcast %jit3A_358 : f32 to vector<16xf32>
      %select_n3A_360 = arith.select %eq3A_357, %broadcast_in_dim3A_359, %get3A_354 : vector<16xi1>, vector<16xf32>
      %swap3A_361 = arith.constant 0 : i32
      %swap3A_362 = arith.constant 12 : i32
      %swap3A_363 = arith.index_cast %swap3A_361 : i32 to index
      %swap3A_364 = arith.index_cast %swap3A_362 : i32 to index
      %swap3A_365 = arith.constant 160 : index
      %swap3A_366 = tpu.vector_load %arg4[%swap3A_363, %swap3A_364, %swap3A_365] {strides = array<i32>} : memref<2x16x2048xf32, #tpu.memory_space<vmem>>, vector<1x1x16xf32>,
      %swap3A_367 = vector.shape_cast %swap3A_366 : vector<1x1x16xf32> to vector<16xf32>
      %swap3A_368 = vector.shape_cast %select_n3A_360 : vector<16xf32> to vector<1x1x16xf32>
      tpu.vector_store %arg4[%swap3A_363, %swap3A_364, %swap3A_365], %swap3A_368 {strides = array<i32>} : memref<2x16x2048xf32, #tpu.memory_space<vmem>>, vector<1x1x16xf32>,
      %get3A_369 = arith.constant 0 : i32
      %get3A_370 = arith.constant 13 : i32
      %get3A_371 = arith.index_cast %get3A_369 : i32 to index
      %get3A_372 = arith.index_cast %get3A_370 : i32 to index
      %get3A_373 = arith.constant 160 : index
      %get3A_374 = tpu.vector_load %arg4[%get3A_371, %get3A_372, %get3A_373] {strides = array<i32>} : memref<2x16x2048xf32, #tpu.memory_space<vmem>>, vector<1x1x16xf32>,
      %get3A_375 = vector.shape_cast %get3A_374 : vector<1x1x16xf32> to vector<16xf32>
      %eq3A_376 = arith.constant 2 : i32
      %eq3A_377 = vector.broadcast %eq3A_376 : i32 to vector<16xi32>
      %eq3A_378 = arith.cmpi eq, %iota3A, %eq3A_377 : vector<16xi32>
      %jit3A_379 = arith.constant 0.000000e+00 : f32
      %broadcast_in_dim3A_380 = vector.broadcast %jit3A_379 : f32 to vector<16xf32>
      %select_n3A_381 = arith.select %eq3A_378, %broadcast_in_dim3A_380, %get3A_375 : vector<16xi1>, vector<16xf32>
      %swap3A_382 = arith.constant 0 : i32
      %swap3A_383 = arith.constant 13 : i32
      %swap3A_384 = arith.index_cast %swap3A_382 : i32 to index
      %swap3A_385 = arith.index_cast %swap3A_383 : i32 to index
      %swap3A_386 = arith.constant 160 : index
      %swap3A_387 = tpu.vector_load %arg4[%swap3A_384, %swap3A_385, %swap3A_386] {strides = array<i32>} : memref<2x16x2048xf32, #tpu.memory_space<vmem>>, vector<1x1x16xf32>,
      %swap3A_388 = vector.shape_cast %swap3A_387 : vector<1x1x16xf32> to vector<16xf32>
      %swap3A_389 = vector.shape_cast %select_n3A_381 : vector<16xf32> to vector<1x1x16xf32>
      tpu.vector_store %arg4[%swap3A_384, %swap3A_385, %swap3A_386], %swap3A_389 {strides = array<i32>} : memref<2x16x2048xf32, #tpu.memory_space<vmem>>, vector<1x1x16xf32>,
      %get3A_390 = arith.constant 0 : i32
      %get3A_391 = arith.constant 14 : i32
      %get3A_392 = arith.index_cast %get3A_390 : i32 to index
      %get3A_393 = arith.index_cast %get3A_391 : i32 to index
      %get3A_394 = arith.constant 160 : index
      %get3A_395 = tpu.vector_load %arg4[%get3A_392, %get3A_393, %get3A_394] {strides = array<i32>} : memref<2x16x2048xf32, #tpu.memory_space<vmem>>, vector<1x1x16xf32>,
      %get3A_396 = vector.shape_cast %get3A_395 : vector<1x1x16xf32> to vector<16xf32>
      %eq3A_397 = arith.constant 2 : i32
      %eq3A_398 = vector.broadcast %eq3A_397 : i32 to vector<16xi32>
      %eq3A_399 = arith.cmpi eq, %iota3A, %eq3A_398 : vector<16xi32>
      %jit3A_400 = arith.constant 0.000000e+00 : f32
      %broadcast_in_dim3A_401 = vector.broadcast %jit3A_400 : f32 to vector<16xf32>
      %select_n3A_402 = arith.select %eq3A_399, %broadcast_in_dim3A_401, %get3A_396 : vector<16xi1>, vector<16xf32>
      %swap3A_403 = arith.constant 0 : i32
      %swap3A_404 = arith.constant 14 : i32
      %swap3A_405 = arith.index_cast %swap3A_403 : i32 to index
      %swap3A_406 = arith.index_cast %swap3A_404 : i32 to index
      %swap3A_407 = arith.constant 160 : index
      %swap3A_408 = tpu.vector_load %arg4[%swap3A_405, %swap3A_406, %swap3A_407] {strides = array<i32>} : memref<2x16x2048xf32, #tpu.memory_space<vmem>>, vector<1x1x16xf32>,
      %swap3A_409 = vector.shape_cast %swap3A_408 : vector<1x1x16xf32> to vector<16xf32>
      %swap3A_410 = vector.shape_cast %select_n3A_402 : vector<16xf32> to vector<1x1x16xf32>
      tpu.vector_store %arg4[%swap3A_405, %swap3A_406, %swap3A_407], %swap3A_410 {strides = array<i32>} : memref<2x16x2048xf32, #tpu.memory_space<vmem>>, vector<1x1x16xf32>,
      %get3A_411 = arith.constant 0 : i32
      %get3A_412 = arith.constant 15 : i32
      %get3A_413 = arith.index_cast %get3A_411 : i32 to index
      %get3A_414 = arith.index_cast %get3A_412 : i32 to index
      %get3A_415 = arith.constant 160 : index
      %get3A_416 = tpu.vector_load %arg4[%get3A_413, %get3A_414, %get3A_415] {strides = array<i32>} : memref<2x16x2048xf32, #tpu.memory_space<vmem>>, vector<1x1x16xf32>,
      %get3A_417 = vector.shape_cast %get3A_416 : vector<1x1x16xf32> to vector<16xf32>
      %eq3A_418 = arith.constant 2 : i32
      %eq3A_419 = vector.broadcast %eq3A_418 : i32 to vector<16xi32>
      %eq3A_420 = arith.cmpi eq, %iota3A, %eq3A_419 : vector<16xi32>
      %jit3A_421 = arith.constant 0.000000e+00 : f32
      %broadcast_in_dim3A_422 = vector.broadcast %jit3A_421 : f32 to vector<16xf32>
      %select_n3A_423 = arith.select %eq3A_420, %broadcast_in_dim3A_422, %get3A_417 : vector<16xi1>, vector<16xf32>
      %swap3A_424 = arith.constant 0 : i32
      %swap3A_425 = arith.constant 15 : i32
      %swap3A_426 = arith.index_cast %swap3A_424 : i32 to index
      %swap3A_427 = arith.index_cast %swap3A_425 : i32 to index
      %swap3A_428 = arith.constant 160 : index
      %swap3A_429 = tpu.vector_load %arg4[%swap3A_426, %swap3A_427, %swap3A_428] {strides = array<i32>} : memref<2x16x2048xf32, #tpu.memory_space<vmem>>, vector<1x1x16xf32>,
      %swap3A_430 = vector.shape_cast %swap3A_429 : vector<1x1x16xf32> to vector<16xf32>
      %swap3A_431 = vector.shape_cast %select_n3A_423 : vector<16xf32> to vector<1x1x16xf32>
      tpu.vector_store %arg4[%swap3A_426, %swap3A_427, %swap3A_428], %swap3A_431 {strides = array<i32>} : memref<2x16x2048xf32, #tpu.memory_space<vmem>>, vector<1x1x16xf32>,
      %get3A_432 = arith.constant 0 : i32
      %get3A_433 = arith.constant 0 : i32
      %get3A_434 = arith.index_cast %get3A_432 : i32 to index
      %get3A_435 = arith.index_cast %get3A_433 : i32 to index
      %get3A_436 = arith.constant 1088 : index
      %get3A_437 = tpu.vector_load %arg4[%get3A_434, %get3A_435, %get3A_436] {strides = array<i32>} : memref<2x16x2048xf32, #tpu.memory_space<vmem>>, vector<1x1x16xf32>,
      %get3A_438 = vector.shape_cast %get3A_437 : vector<1x1x16xf32> to vector<16xf32>
      %eq3A_439 = arith.constant 10 : i32
      %eq3A_440 = vector.broadcast %eq3A_439 : i32 to vector<16xi32>
      %eq3A_441 = arith.cmpi eq, %iota3A, %eq3A_440 : vector<16xi32>
      %jit3A_442 = arith.constant 0.000000e+00 : f32
      %broadcast_in_dim3A_443 = vector.broadcast %jit3A_442 : f32 to vector<16xf32>
      %select_n3A_444 = arith.select %eq3A_441, %broadcast_in_dim3A_443, %get3A_438 : vector<16xi1>, vector<16xf32>
      %swap3A_445 = arith.constant 0 : i32
      %swap3A_446 = arith.constant 0 : i32
      %swap3A_447 = arith.index_cast %swap3A_445 : i32 to index
      %swap3A_448 = arith.index_cast %swap3A_446 : i32 to index
      %swap3A_449 = arith.constant 1088 : index
      %swap3A_450 = tpu.vector_load %arg4[%swap3A_447, %swap3A_448, %swap3A_449] {strides = array<i32>} : memref<2x16x2048xf32, #tpu.memory_space<vmem>>, vector<1x1x16xf32>,
      %swap3A_451 = vector.shape_cast %swap3A_450 : vector<1x1x16xf32> to vector<16xf32>
      %swap3A_452 = vector.shape_cast %select_n3A_444 : vector<16xf32> to vector<1x1x16xf32>
      tpu.vector_store %arg4[%swap3A_447, %swap3A_448, %swap3A_449], %swap3A_452 {strides = array<i32>} : memref<2x16x2048xf32, #tpu.memory_space<vmem>>, vector<1x1x16xf32>,
      %get3A_453 = arith.constant 0 : i32
      %get3A_454 = arith.constant 1 : i32
      %get3A_455 = arith.index_cast %get3A_453 : i32 to index
      %get3A_456 = arith.index_cast %get3A_454 : i32 to index
      %get3A_457 = arith.constant 1088 : index
      %get3A_458 = tpu.vector_load %arg4[%get3A_455, %get3A_456, %get3A_457] {strides = array<i32>} : memref<2x16x2048xf32, #tpu.memory_space<vmem>>, vector<1x1x16xf32>,
      %get3A_459 = vector.shape_cast %get3A_458 : vector<1x1x16xf32> to vector<16xf32>
      %eq3A_460 = arith.constant 10 : i32
      %eq3A_461 = vector.broadcast %eq3A_460 : i32 to vector<16xi32>
      %eq3A_462 = arith.cmpi eq, %iota3A, %eq3A_461 : vector<16xi32>
      %jit3A_463 = arith.constant 0.000000e+00 : f32
      %broadcast_in_dim3A_464 = vector.broadcast %jit3A_463 : f32 to vector<16xf32>
      %select_n3A_465 = arith.select %eq3A_462, %broadcast_in_dim3A_464, %get3A_459 : vector<16xi1>, vector<16xf32>
      %swap3A_466 = arith.constant 0 : i32
      %swap3A_467 = arith.constant 1 : i32
      %swap3A_468 = arith.index_cast %swap3A_466 : i32 to index
      %swap3A_469 = arith.index_cast %swap3A_467 : i32 to index
      %swap3A_470 = arith.constant 1088 : index
      %swap3A_471 = tpu.vector_load %arg4[%swap3A_468, %swap3A_469, %swap3A_470] {strides = array<i32>} : memref<2x16x2048xf32, #tpu.memory_space<vmem>>, vector<1x1x16xf32>,
      %swap3A_472 = vector.shape_cast %swap3A_471 : vector<1x1x16xf32> to vector<16xf32>
      %swap3A_473 = vector.shape_cast %select_n3A_465 : vector<16xf32> to vector<1x1x16xf32>
      tpu.vector_store %arg4[%swap3A_468, %swap3A_469, %swap3A_470], %swap3A_473 {strides = array<i32>} : memref<2x16x2048xf32, #tpu.memory_space<vmem>>, vector<1x1x16xf32>,
      %get3A_474 = arith.constant 0 : i32
      %get3A_475 = arith.constant 2 : i32
      %get3A_476 = arith.index_cast %get3A_474 : i32 to index
      %get3A_477 = arith.index_cast %get3A_475 : i32 to index
      %get3A_478 = arith.constant 1088 : index
      %get3A_479 = tpu.vector_load %arg4[%get3A_476, %get3A_477, %get3A_478] {strides = array<i32>} : memref<2x16x2048xf32, #tpu.memory_space<vmem>>, vector<1x1x16xf32>,
      %get3A_480 = vector.shape_cast %get3A_479 : vector<1x1x16xf32> to vector<16xf32>
      %eq3A_481 = arith.constant 10 : i32
      %eq3A_482 = vector.broadcast %eq3A_481 : i32 to vector<16xi32>
      %eq3A_483 = arith.cmpi eq, %iota3A, %eq3A_482 : vector<16xi32>
      %jit3A_484 = arith.constant 0.000000e+00 : f32
      %broadcast_in_dim3A_485 = vector.broadcast %jit3A_484 : f32 to vector<16xf32>
      %select_n3A_486 = arith.select %eq3A_483, %broadcast_in_dim3A_485, %get3A_480 : vector<16xi1>, vector<16xf32>
      %swap3A_487 = arith.constant 0 : i32
      %swap3A_488 = arith.constant 2 : i32
      %swap3A_489 = arith.index_cast %swap3A_487 : i32 to index
      %swap3A_490 = arith.index_cast %swap3A_488 : i32 to index
      %swap3A_491 = arith.constant 1088 : index
      %swap3A_492 = tpu.vector_load %arg4[%swap3A_489, %swap3A_490, %swap3A_491] {strides = array<i32>} : memref<2x16x2048xf32, #tpu.memory_space<vmem>>, vector<1x1x16xf32>,
      %swap3A_493 = vector.shape_cast %swap3A_492 : vector<1x1x16xf32> to vector<16xf32>
      %swap3A_494 = vector.shape_cast %select_n3A_486 : vector<16xf32> to vector<1x1x16xf32>
      tpu.vector_store %arg4[%swap3A_489, %swap3A_490, %swap3A_491], %swap3A_494 {strides = array<i32>} : memref<2x16x2048xf32, #tpu.memory_space<vmem>>, vector<1x1x16xf32>,
      %get3A_495 = arith.constant 0 : i32
      %get3A_496 = arith.constant 3 : i32
      %get3A_497 = arith.index_cast %get3A_495 : i32 to index
      %get3A_498 = arith.index_cast %get3A_496 : i32 to index
      %get3A_499 = arith.constant 1088 : index
      %get3A_500 = tpu.vector_load %arg4[%get3A_497, %get3A_498, %get3A_499] {strides = array<i32>} : memref<2x16x2048xf32, #tpu.memory_space<vmem>>, vector<1x1x16xf32>,
      %get3A_501 = vector.shape_cast %get3A_500 : vector<1x1x16xf32> to vector<16xf32>
      %eq3A_502 = arith.constant 10 : i32
      %eq3A_503 = vector.broadcast %eq3A_502 : i32 to vector<16xi32>
      %eq3A_504 = arith.cmpi eq, %iota3A, %eq3A_503 : vector<16xi32>
      %jit3A_505 = arith.constant 0.000000e+00 : f32
      %broadcast_in_dim3A_506 = vector.broadcast %jit3A_505 : f32 to vector<16xf32>
      %select_n3A_507 = arith.select %eq3A_504, %broadcast_in_dim3A_506, %get3A_501 : vector<16xi1>, vector<16xf32>
      %swap3A_508 = arith.constant 0 : i32
      %swap3A_509 = arith.constant 3 : i32
      %swap3A_510 = arith.index_cast %swap3A_508 : i32 to index
      %swap3A_511 = arith.index_cast %swap3A_509 : i32 to index
      %swap3A_512 = arith.constant 1088 : index
      %swap3A_513 = tpu.vector_load %arg4[%swap3A_510, %swap3A_511, %swap3A_512] {strides = array<i32>} : memref<2x16x2048xf32, #tpu.memory_space<vmem>>, vector<1x1x16xf32>,
      %swap3A_514 = vector.shape_cast %swap3A_513 : vector<1x1x16xf32> to vector<16xf32>
      %swap3A_515 = vector.shape_cast %select_n3A_507 : vector<16xf32> to vector<1x1x16xf32>
      tpu.vector_store %arg4[%swap3A_510, %swap3A_511, %swap3A_512], %swap3A_515 {strides = array<i32>} : memref<2x16x2048xf32, #tpu.memory_space<vmem>>, vector<1x1x16xf32>,
      %get3A_516 = arith.constant 0 : i32
      %get3A_517 = arith.constant 4 : i32
      %get3A_518 = arith.index_cast %get3A_516 : i32 to index
      %get3A_519 = arith.index_cast %get3A_517 : i32 to index
      %get3A_520 = arith.constant 1088 : index
      %get3A_521 = tpu.vector_load %arg4[%get3A_518, %get3A_519, %get3A_520] {strides = array<i32>} : memref<2x16x2048xf32, #tpu.memory_space<vmem>>, vector<1x1x16xf32>,
      %get3A_522 = vector.shape_cast %get3A_521 : vector<1x1x16xf32> to vector<16xf32>
      %eq3A_523 = arith.constant 10 : i32
      %eq3A_524 = vector.broadcast %eq3A_523 : i32 to vector<16xi32>
      %eq3A_525 = arith.cmpi eq, %iota3A, %eq3A_524 : vector<16xi32>
      %jit3A_526 = arith.constant 0.000000e+00 : f32
      %broadcast_in_dim3A_527 = vector.broadcast %jit3A_526 : f32 to vector<16xf32>
      %select_n3A_528 = arith.select %eq3A_525, %broadcast_in_dim3A_527, %get3A_522 : vector<16xi1>, vector<16xf32>
      %swap3A_529 = arith.constant 0 : i32
      %swap3A_530 = arith.constant 4 : i32
      %swap3A_531 = arith.index_cast %swap3A_529 : i32 to index
      %swap3A_532 = arith.index_cast %swap3A_530 : i32 to index
      %swap3A_533 = arith.constant 1088 : index
      %swap3A_534 = tpu.vector_load %arg4[%swap3A_531, %swap3A_532, %swap3A_533] {strides = array<i32>} : memref<2x16x2048xf32, #tpu.memory_space<vmem>>, vector<1x1x16xf32>,
      %swap3A_535 = vector.shape_cast %swap3A_534 : vector<1x1x16xf32> to vector<16xf32>
      %swap3A_536 = vector.shape_cast %select_n3A_528 : vector<16xf32> to vector<1x1x16xf32>
      tpu.vector_store %arg4[%swap3A_531, %swap3A_532, %swap3A_533], %swap3A_536 {strides = array<i32>} : memref<2x16x2048xf32, #tpu.memory_space<vmem>>, vector<1x1x16xf32>,
      %get3A_537 = arith.constant 0 : i32
      %get3A_538 = arith.constant 5 : i32
      %get3A_539 = arith.index_cast %get3A_537 : i32 to index
      %get3A_540 = arith.index_cast %get3A_538 : i32 to index
      %get3A_541 = arith.constant 1088 : index
      %get3A_542 = tpu.vector_load %arg4[%get3A_539, %get3A_540, %get3A_541] {strides = array<i32>} : memref<2x16x2048xf32, #tpu.memory_space<vmem>>, vector<1x1x16xf32>,
      %get3A_543 = vector.shape_cast %get3A_542 : vector<1x1x16xf32> to vector<16xf32>
      %eq3A_544 = arith.constant 10 : i32
      %eq3A_545 = vector.broadcast %eq3A_544 : i32 to vector<16xi32>
      %eq3A_546 = arith.cmpi eq, %iota3A, %eq3A_545 : vector<16xi32>
      %jit3A_547 = arith.constant 0.000000e+00 : f32
      %broadcast_in_dim3A_548 = vector.broadcast %jit3A_547 : f32 to vector<16xf32>
      %select_n3A_549 = arith.select %eq3A_546, %broadcast_in_dim3A_548, %get3A_543 : vector<16xi1>, vector<16xf32>
      %swap3A_550 = arith.constant 0 : i32
      %swap3A_551 = arith.constant 5 : i32
      %swap3A_552 = arith.index_cast %swap3A_550 : i32 to index
      %swap3A_553 = arith.index_cast %swap3A_551 : i32 to index
      %swap3A_554 = arith.constant 1088 : index
      %swap3A_555 = tpu.vector_load %arg4[%swap3A_552, %swap3A_553, %swap3A_554] {strides = array<i32>} : memref<2x16x2048xf32, #tpu.memory_space<vmem>>, vector<1x1x16xf32>,
      %swap3A_556 = vector.shape_cast %swap3A_555 : vector<1x1x16xf32> to vector<16xf32>
      %swap3A_557 = vector.shape_cast %select_n3A_549 : vector<16xf32> to vector<1x1x16xf32>
      tpu.vector_store %arg4[%swap3A_552, %swap3A_553, %swap3A_554], %swap3A_557 {strides = array<i32>} : memref<2x16x2048xf32, #tpu.memory_space<vmem>>, vector<1x1x16xf32>,
      %get3A_558 = arith.constant 0 : i32
      %get3A_559 = arith.constant 6 : i32
      %get3A_560 = arith.index_cast %get3A_558 : i32 to index
      %get3A_561 = arith.index_cast %get3A_559 : i32 to index
      %get3A_562 = arith.constant 1088 : index
      %get3A_563 = tpu.vector_load %arg4[%get3A_560, %get3A_561, %get3A_562] {strides = array<i32>} : memref<2x16x2048xf32, #tpu.memory_space<vmem>>, vector<1x1x16xf32>,
      %get3A_564 = vector.shape_cast %get3A_563 : vector<1x1x16xf32> to vector<16xf32>
      %eq3A_565 = arith.constant 10 : i32
      %eq3A_566 = vector.broadcast %eq3A_565 : i32 to vector<16xi32>
      %eq3A_567 = arith.cmpi eq, %iota3A, %eq3A_566 : vector<16xi32>
      %jit3A_568 = arith.constant 0.000000e+00 : f32
      %broadcast_in_dim3A_569 = vector.broadcast %jit3A_568 : f32 to vector<16xf32>
      %select_n3A_570 = arith.select %eq3A_567, %broadcast_in_dim3A_569, %get3A_564 : vector<16xi1>, vector<16xf32>
      %swap3A_571 = arith.constant 0 : i32
      %swap3A_572 = arith.constant 6 : i32
      %swap3A_573 = arith.index_cast %swap3A_571 : i32 to index
      %swap3A_574 = arith.index_cast %swap3A_572 : i32 to index
      %swap3A_575 = arith.constant 1088 : index
      %swap3A_576 = tpu.vector_load %arg4[%swap3A_573, %swap3A_574, %swap3A_575] {strides = array<i32>} : memref<2x16x2048xf32, #tpu.memory_space<vmem>>, vector<1x1x16xf32>,
      %swap3A_577 = vector.shape_cast %swap3A_576 : vector<1x1x16xf32> to vector<16xf32>
      %swap3A_578 = vector.shape_cast %select_n3A_570 : vector<16xf32> to vector<1x1x16xf32>
      tpu.vector_store %arg4[%swap3A_573, %swap3A_574, %swap3A_575], %swap3A_578 {strides = array<i32>} : memref<2x16x2048xf32, #tpu.memory_space<vmem>>, vector<1x1x16xf32>,
      %get3A_579 = arith.constant 0 : i32
      %get3A_580 = arith.constant 7 : i32
      %get3A_581 = arith.index_cast %get3A_579 : i32 to index
      %get3A_582 = arith.index_cast %get3A_580 : i32 to index
      %get3A_583 = arith.constant 1088 : index
      %get3A_584 = tpu.vector_load %arg4[%get3A_581, %get3A_582, %get3A_583] {strides = array<i32>} : memref<2x16x2048xf32, #tpu.memory_space<vmem>>, vector<1x1x16xf32>,
      %get3A_585 = vector.shape_cast %get3A_584 : vector<1x1x16xf32> to vector<16xf32>
      %eq3A_586 = arith.constant 10 : i32
      %eq3A_587 = vector.broadcast %eq3A_586 : i32 to vector<16xi32>
      %eq3A_588 = arith.cmpi eq, %iota3A, %eq3A_587 : vector<16xi32>
      %jit3A_589 = arith.constant 0.000000e+00 : f32
      %broadcast_in_dim3A_590 = vector.broadcast %jit3A_589 : f32 to vector<16xf32>
      %select_n3A_591 = arith.select %eq3A_588, %broadcast_in_dim3A_590, %get3A_585 : vector<16xi1>, vector<16xf32>
      %swap3A_592 = arith.constant 0 : i32
      %swap3A_593 = arith.constant 7 : i32
      %swap3A_594 = arith.index_cast %swap3A_592 : i32 to index
      %swap3A_595 = arith.index_cast %swap3A_593 : i32 to index
      %swap3A_596 = arith.constant 1088 : index
      %swap3A_597 = tpu.vector_load %arg4[%swap3A_594, %swap3A_595, %swap3A_596] {strides = array<i32>} : memref<2x16x2048xf32, #tpu.memory_space<vmem>>, vector<1x1x16xf32>,
      %swap3A_598 = vector.shape_cast %swap3A_597 : vector<1x1x16xf32> to vector<16xf32>
      %swap3A_599 = vector.shape_cast %select_n3A_591 : vector<16xf32> to vector<1x1x16xf32>
      tpu.vector_store %arg4[%swap3A_594, %swap3A_595, %swap3A_596], %swap3A_599 {strides = array<i32>} : memref<2x16x2048xf32, #tpu.memory_space<vmem>>, vector<1x1x16xf32>,
      %get3A_600 = arith.constant 0 : i32
      %get3A_601 = arith.constant 8 : i32
      %get3A_602 = arith.index_cast %get3A_600 : i32 to index
      %get3A_603 = arith.index_cast %get3A_601 : i32 to index
      %get3A_604 = arith.constant 1088 : index
      %get3A_605 = tpu.vector_load %arg4[%get3A_602, %get3A_603, %get3A_604] {strides = array<i32>} : memref<2x16x2048xf32, #tpu.memory_space<vmem>>, vector<1x1x16xf32>,
      %get3A_606 = vector.shape_cast %get3A_605 : vector<1x1x16xf32> to vector<16xf32>
      %eq3A_607 = arith.constant 10 : i32
      %eq3A_608 = vector.broadcast %eq3A_607 : i32 to vector<16xi32>
      %eq3A_609 = arith.cmpi eq, %iota3A, %eq3A_608 : vector<16xi32>
      %jit3A_610 = arith.constant 0.000000e+00 : f32
      %broadcast_in_dim3A_611 = vector.broadcast %jit3A_610 : f32 to vector<16xf32>
      %select_n3A_612 = arith.select %eq3A_609, %broadcast_in_dim3A_611, %get3A_606 : vector<16xi1>, vector<16xf32>
      %swap3A_613 = arith.constant 0 : i32
      %swap3A_614 = arith.constant 8 : i32
      %swap3A_615 = arith.index_cast %swap3A_613 : i32 to index
      %swap3A_616 = arith.index_cast %swap3A_614 : i32 to index
      %swap3A_617 = arith.constant 1088 : index
      %swap3A_618 = tpu.vector_load %arg4[%swap3A_615, %swap3A_616, %swap3A_617] {strides = array<i32>} : memref<2x16x2048xf32, #tpu.memory_space<vmem>>, vector<1x1x16xf32>,
      %swap3A_619 = vector.shape_cast %swap3A_618 : vector<1x1x16xf32> to vector<16xf32>
      %swap3A_620 = vector.shape_cast %select_n3A_612 : vector<16xf32> to vector<1x1x16xf32>
      tpu.vector_store %arg4[%swap3A_615, %swap3A_616, %swap3A_617], %swap3A_620 {strides = array<i32>} : memref<2x16x2048xf32, #tpu.memory_space<vmem>>, vector<1x1x16xf32>,
      %get3A_621 = arith.constant 0 : i32
      %get3A_622 = arith.constant 9 : i32
      %get3A_623 = arith.index_cast %get3A_621 : i32 to index
      %get3A_624 = arith.index_cast %get3A_622 : i32 to index
      %get3A_625 = arith.constant 1088 : index
      %get3A_626 = tpu.vector_load %arg4[%get3A_623, %get3A_624, %get3A_625] {strides = array<i32>} : memref<2x16x2048xf32, #tpu.memory_space<vmem>>, vector<1x1x16xf32>,
      %get3A_627 = vector.shape_cast %get3A_626 : vector<1x1x16xf32> to vector<16xf32>
      %eq3A_628 = arith.constant 10 : i32
      %eq3A_629 = vector.broadcast %eq3A_628 : i32 to vector<16xi32>
      %eq3A_630 = arith.cmpi eq, %iota3A, %eq3A_629 : vector<16xi32>
      %jit3A_631 = arith.constant 0.000000e+00 : f32
      %broadcast_in_dim3A_632 = vector.broadcast %jit3A_631 : f32 to vector<16xf32>
      %select_n3A_633 = arith.select %eq3A_630, %broadcast_in_dim3A_632, %get3A_627 : vector<16xi1>, vector<16xf32>
      %swap3A_634 = arith.constant 0 : i32
      %swap3A_635 = arith.constant 9 : i32
      %swap3A_636 = arith.index_cast %swap3A_634 : i32 to index
      %swap3A_637 = arith.index_cast %swap3A_635 : i32 to index
      %swap3A_638 = arith.constant 1088 : index
      %swap3A_639 = tpu.vector_load %arg4[%swap3A_636, %swap3A_637, %swap3A_638] {strides = array<i32>} : memref<2x16x2048xf32, #tpu.memory_space<vmem>>, vector<1x1x16xf32>,
      %swap3A_640 = vector.shape_cast %swap3A_639 : vector<1x1x16xf32> to vector<16xf32>
      %swap3A_641 = vector.shape_cast %select_n3A_633 : vector<16xf32> to vector<1x1x16xf32>
      tpu.vector_store %arg4[%swap3A_636, %swap3A_637, %swap3A_638], %swap3A_641 {strides = array<i32>} : memref<2x16x2048xf32, #tpu.memory_space<vmem>>, vector<1x1x16xf32>,
      %get3A_642 = arith.constant 0 : i32
      %get3A_643 = arith.constant 10 : i32
      %get3A_644 = arith.index_cast %get3A_642 : i32 to index
      %get3A_645 = arith.index_cast %get3A_643 : i32 to index
      %get3A_646 = arith.constant 1088 : index
      %get3A_647 = tpu.vector_load %arg4[%get3A_644, %get3A_645, %get3A_646] {strides = array<i32>} : memref<2x16x2048xf32, #tpu.memory_space<vmem>>, vector<1x1x16xf32>,
      %get3A_648 = vector.shape_cast %get3A_647 : vector<1x1x16xf32> to vector<16xf32>
      %eq3A_649 = arith.constant 10 : i32
      %eq3A_650 = vector.broadcast %eq3A_649 : i32 to vector<16xi32>
      %eq3A_651 = arith.cmpi eq, %iota3A, %eq3A_650 : vector<16xi32>
      %jit3A_652 = arith.constant 0.000000e+00 : f32
      %broadcast_in_dim3A_653 = vector.broadcast %jit3A_652 : f32 to vector<16xf32>
      %select_n3A_654 = arith.select %eq3A_651, %broadcast_in_dim3A_653, %get3A_648 : vector<16xi1>, vector<16xf32>
      %swap3A_655 = arith.constant 0 : i32
      %swap3A_656 = arith.constant 10 : i32
      %swap3A_657 = arith.index_cast %swap3A_655 : i32 to index
      %swap3A_658 = arith.index_cast %swap3A_656 : i32 to index
      %swap3A_659 = arith.constant 1088 : index
      %swap3A_660 = tpu.vector_load %arg4[%swap3A_657, %swap3A_658, %swap3A_659] {strides = array<i32>} : memref<2x16x2048xf32, #tpu.memory_space<vmem>>, vector<1x1x16xf32>,
      %swap3A_661 = vector.shape_cast %swap3A_660 : vector<1x1x16xf32> to vector<16xf32>
      %swap3A_662 = vector.shape_cast %select_n3A_654 : vector<16xf32> to vector<1x1x16xf32>
      tpu.vector_store %arg4[%swap3A_657, %swap3A_658, %swap3A_659], %swap3A_662 {strides = array<i32>} : memref<2x16x2048xf32, #tpu.memory_space<vmem>>, vector<1x1x16xf32>,
      %get3A_663 = arith.constant 0 : i32
      %get3A_664 = arith.constant 11 : i32
      %get3A_665 = arith.index_cast %get3A_663 : i32 to index
      %get3A_666 = arith.index_cast %get3A_664 : i32 to index
      %get3A_667 = arith.constant 1088 : index
      %get3A_668 = tpu.vector_load %arg4[%get3A_665, %get3A_666, %get3A_667] {strides = array<i32>} : memref<2x16x2048xf32, #tpu.memory_space<vmem>>, vector<1x1x16xf32>,
      %get3A_669 = vector.shape_cast %get3A_668 : vector<1x1x16xf32> to vector<16xf32>
      %eq3A_670 = arith.constant 10 : i32
      %eq3A_671 = vector.broadcast %eq3A_670 : i32 to vector<16xi32>
      %eq3A_672 = arith.cmpi eq, %iota3A, %eq3A_671 : vector<16xi32>
      %jit3A_673 = arith.constant 0.000000e+00 : f32
      %broadcast_in_dim3A_674 = vector.broadcast %jit3A_673 : f32 to vector<16xf32>
      %select_n3A_675 = arith.select %eq3A_672, %broadcast_in_dim3A_674, %get3A_669 : vector<16xi1>, vector<16xf32>
      %swap3A_676 = arith.constant 0 : i32
      %swap3A_677 = arith.constant 11 : i32
      %swap3A_678 = arith.index_cast %swap3A_676 : i32 to index
      %swap3A_679 = arith.index_cast %swap3A_677 : i32 to index
      %swap3A_680 = arith.constant 1088 : index
      %swap3A_681 = tpu.vector_load %arg4[%swap3A_678, %swap3A_679, %swap3A_680] {strides = array<i32>} : memref<2x16x2048xf32, #tpu.memory_space<vmem>>, vector<1x1x16xf32>,
      %swap3A_682 = vector.shape_cast %swap3A_681 : vector<1x1x16xf32> to vector<16xf32>
      %swap3A_683 = vector.shape_cast %select_n3A_675 : vector<16xf32> to vector<1x1x16xf32>
      tpu.vector_store %arg4[%swap3A_678, %swap3A_679, %swap3A_680], %swap3A_683 {strides = array<i32>} : memref<2x16x2048xf32, #tpu.memory_space<vmem>>, vector<1x1x16xf32>,
      %get3A_684 = arith.constant 0 : i32
      %get3A_685 = arith.constant 12 : i32
      %get3A_686 = arith.index_cast %get3A_684 : i32 to index
      %get3A_687 = arith.index_cast %get3A_685 : i32 to index
      %get3A_688 = arith.constant 1088 : index
      %get3A_689 = tpu.vector_load %arg4[%get3A_686, %get3A_687, %get3A_688] {strides = array<i32>} : memref<2x16x2048xf32, #tpu.memory_space<vmem>>, vector<1x1x16xf32>,
      %get3A_690 = vector.shape_cast %get3A_689 : vector<1x1x16xf32> to vector<16xf32>
      %eq3A_691 = arith.constant 10 : i32
      %eq3A_692 = vector.broadcast %eq3A_691 : i32 to vector<16xi32>
      %eq3A_693 = arith.cmpi eq, %iota3A, %eq3A_692 : vector<16xi32>
      %jit3A_694 = arith.constant 0.000000e+00 : f32
      %broadcast_in_dim3A_695 = vector.broadcast %jit3A_694 : f32 to vector<16xf32>
      %select_n3A_696 = arith.select %eq3A_693, %broadcast_in_dim3A_695, %get3A_690 : vector<16xi1>, vector<16xf32>
      %swap3A_697 = arith.constant 0 : i32
      %swap3A_698 = arith.constant 12 : i32
      %swap3A_699 = arith.index_cast %swap3A_697 : i32 to index
      %swap3A_700 = arith.index_cast %swap3A_698 : i32 to index
      %swap3A_701 = arith.constant 1088 : index
      %swap3A_702 = tpu.vector_load %arg4[%swap3A_699, %swap3A_700, %swap3A_701] {strides = array<i32>} : memref<2x16x2048xf32, #tpu.memory_space<vmem>>, vector<1x1x16xf32>,
      %swap3A_703 = vector.shape_cast %swap3A_702 : vector<1x1x16xf32> to vector<16xf32>
      %swap3A_704 = vector.shape_cast %select_n3A_696 : vector<16xf32> to vector<1x1x16xf32>
      tpu.vector_store %arg4[%swap3A_699, %swap3A_700, %swap3A_701], %swap3A_704 {strides = array<i32>} : memref<2x16x2048xf32, #tpu.memory_space<vmem>>, vector<1x1x16xf32>,
      %get3A_705 = arith.constant 0 : i32
      %get3A_706 = arith.constant 13 : i32
      %get3A_707 = arith.index_cast %get3A_705 : i32 to index
      %get3A_708 = arith.index_cast %get3A_706 : i32 to index
      %get3A_709 = arith.constant 1088 : index
      %get3A_710 = tpu.vector_load %arg4[%get3A_707, %get3A_708, %get3A_709] {strides = array<i32>} : memref<2x16x2048xf32, #tpu.memory_space<vmem>>, vector<1x1x16xf32>,
      %get3A_711 = vector.shape_cast %get3A_710 : vector<1x1x16xf32> to vector<16xf32>
      %eq3A_712 = arith.constant 10 : i32
      %eq3A_713 = vector.broadcast %eq3A_712 : i32 to vector<16xi32>
      %eq3A_714 = arith.cmpi eq, %iota3A, %eq3A_713 : vector<16xi32>
      %jit3A_715 = arith.constant 0.000000e+00 : f32
      %broadcast_in_dim3A_716 = vector.broadcast %jit3A_715 : f32 to vector<16xf32>
      %select_n3A_717 = arith.select %eq3A_714, %broadcast_in_dim3A_716, %get3A_711 : vector<16xi1>, vector<16xf32>
      %swap3A_718 = arith.constant 0 : i32
      %swap3A_719 = arith.constant 13 : i32
      %swap3A_720 = arith.index_cast %swap3A_718 : i32 to index
      %swap3A_721 = arith.index_cast %swap3A_719 : i32 to index
      %swap3A_722 = arith.constant 1088 : index
      %swap3A_723 = tpu.vector_load %arg4[%swap3A_720, %swap3A_721, %swap3A_722] {strides = array<i32>} : memref<2x16x2048xf32, #tpu.memory_space<vmem>>, vector<1x1x16xf32>,
      %swap3A_724 = vector.shape_cast %swap3A_723 : vector<1x1x16xf32> to vector<16xf32>
      %swap3A_725 = vector.shape_cast %select_n3A_717 : vector<16xf32> to vector<1x1x16xf32>
      tpu.vector_store %arg4[%swap3A_720, %swap3A_721, %swap3A_722], %swap3A_725 {strides = array<i32>} : memref<2x16x2048xf32, #tpu.memory_space<vmem>>, vector<1x1x16xf32>,
      %get3A_726 = arith.constant 0 : i32
      %get3A_727 = arith.constant 14 : i32
      %get3A_728 = arith.index_cast %get3A_726 : i32 to index
      %get3A_729 = arith.index_cast %get3A_727 : i32 to index
      %get3A_730 = arith.constant 1088 : index
      %get3A_731 = tpu.vector_load %arg4[%get3A_728, %get3A_729, %get3A_730] {strides = array<i32>} : memref<2x16x2048xf32, #tpu.memory_space<vmem>>, vector<1x1x16xf32>,
      %get3A_732 = vector.shape_cast %get3A_731 : vector<1x1x16xf32> to vector<16xf32>
      %eq3A_733 = arith.constant 10 : i32
      %eq3A_734 = vector.broadcast %eq3A_733 : i32 to vector<16xi32>
      %eq3A_735 = arith.cmpi eq, %iota3A, %eq3A_734 : vector<16xi32>
      %jit3A_736 = arith.constant 0.000000e+00 : f32
      %broadcast_in_dim3A_737 = vector.broadcast %jit3A_736 : f32 to vector<16xf32>
      %select_n3A_738 = arith.select %eq3A_735, %broadcast_in_dim3A_737, %get3A_732 : vector<16xi1>, vector<16xf32>
      %swap3A_739 = arith.constant 0 : i32
      %swap3A_740 = arith.constant 14 : i32
      %swap3A_741 = arith.index_cast %swap3A_739 : i32 to index
      %swap3A_742 = arith.index_cast %swap3A_740 : i32 to index
      %swap3A_743 = arith.constant 1088 : index
      %swap3A_744 = tpu.vector_load %arg4[%swap3A_741, %swap3A_742, %swap3A_743] {strides = array<i32>} : memref<2x16x2048xf32, #tpu.memory_space<vmem>>, vector<1x1x16xf32>,
      %swap3A_745 = vector.shape_cast %swap3A_744 : vector<1x1x16xf32> to vector<16xf32>
      %swap3A_746 = vector.shape_cast %select_n3A_738 : vector<16xf32> to vector<1x1x16xf32>
      tpu.vector_store %arg4[%swap3A_741, %swap3A_742, %swap3A_743], %swap3A_746 {strides = array<i32>} : memref<2x16x2048xf32, #tpu.memory_space<vmem>>, vector<1x1x16xf32>,
      %get3A_747 = arith.constant 0 : i32
      %get3A_748 = arith.constant 15 : i32
      %get3A_749 = arith.index_cast %get3A_747 : i32 to index
      %get3A_750 = arith.index_cast %get3A_748 : i32 to index
      %get3A_751 = arith.constant 1088 : index
      %get3A_752 = tpu.vector_load %arg4[%get3A_749, %get3A_750, %get3A_751] {strides = array<i32>} : memref<2x16x2048xf32, #tpu.memory_space<vmem>>, vector<1x1x16xf32>,
      %get3A_753 = vector.shape_cast %get3A_752 : vector<1x1x16xf32> to vector<16xf32>
      %eq3A_754 = arith.constant 10 : i32
      %eq3A_755 = vector.broadcast %eq3A_754 : i32 to vector<16xi32>
      %eq3A_756 = arith.cmpi eq, %iota3A, %eq3A_755 : vector<16xi32>
      %jit3A_757 = arith.constant 0.000000e+00 : f32
      %broadcast_in_dim3A_758 = vector.broadcast %jit3A_757 : f32 to vector<16xf32>
      %select_n3A_759 = arith.select %eq3A_756, %broadcast_in_dim3A_758, %get3A_753 : vector<16xi1>, vector<16xf32>
      %swap3A_760 = arith.constant 0 : i32
      %swap3A_761 = arith.constant 15 : i32
      %swap3A_762 = arith.index_cast %swap3A_760 : i32 to index
      %swap3A_763 = arith.index_cast %swap3A_761 : i32 to index
      %swap3A_764 = arith.constant 1088 : index
      %swap3A_765 = tpu.vector_load %arg4[%swap3A_762, %swap3A_763, %swap3A_764] {strides = array<i32>} : memref<2x16x2048xf32, #tpu.memory_space<vmem>>, vector<1x1x16xf32>,
      %swap3A_766 = vector.shape_cast %swap3A_765 : vector<1x1x16xf32> to vector<16xf32>
      %swap3A_767 = vector.shape_cast %select_n3A_759 : vector<16xf32> to vector<1x1x16xf32>
      tpu.vector_store %arg4[%swap3A_762, %swap3A_763, %swap3A_764], %swap3A_767 {strides = array<i32>} : memref<2x16x2048xf32, #tpu.memory_space<vmem>>, vector<1x1x16xf32>,
      %get3A_768 = arith.constant 0 : i32
      %get3A_769 = arith.constant 0 : i32
      %get3A_770 = arith.index_cast %get3A_768 : i32 to index
      %get3A_771 = arith.index_cast %get3A_769 : i32 to index
      %get3A_772 = arith.constant 1376 : index
      %get3A_773 = tpu.vector_load %arg4[%get3A_770, %get3A_771, %get3A_772] {strides = array<i32>} : memref<2x16x2048xf32, #tpu.memory_space<vmem>>, vector<1x1x16xf32>,
      %get3A_774 = vector.shape_cast %get3A_773 : vector<1x1x16xf32> to vector<16xf32>
      %eq3A_775 = arith.constant 1 : i32
      %eq3A_776 = vector.broadcast %eq3A_775 : i32 to vector<16xi32>
      %eq3A_777 = arith.cmpi eq, %iota3A, %eq3A_776 : vector<16xi32>
      %jit3A_778 = arith.constant 0.000000e+00 : f32
      %broadcast_in_dim3A_779 = vector.broadcast %jit3A_778 : f32 to vector<16xf32>
      %select_n3A_780 = arith.select %eq3A_777, %broadcast_in_dim3A_779, %get3A_774 : vector<16xi1>, vector<16xf32>
      %swap3A_781 = arith.constant 0 : i32
      %swap3A_782 = arith.constant 0 : i32
      %swap3A_783 = arith.index_cast %swap3A_781 : i32 to index
      %swap3A_784 = arith.index_cast %swap3A_782 : i32 to index
      %swap3A_785 = arith.constant 1376 : index
      %swap3A_786 = tpu.vector_load %arg4[%swap3A_783, %swap3A_784, %swap3A_785] {strides = array<i32>} : memref<2x16x2048xf32, #tpu.memory_space<vmem>>, vector<1x1x16xf32>,
      %swap3A_787 = vector.shape_cast %swap3A_786 : vector<1x1x16xf32> to vector<16xf32>
      %swap3A_788 = vector.shape_cast %select_n3A_780 : vector<16xf32> to vector<1x1x16xf32>
      tpu.vector_store %arg4[%swap3A_783, %swap3A_784, %swap3A_785], %swap3A_788 {strides = array<i32>} : memref<2x16x2048xf32, #tpu.memory_space<vmem>>, vector<1x1x16xf32>,
      %get3A_789 = arith.constant 0 : i32
      %get3A_790 = arith.constant 1 : i32
      %get3A_791 = arith.index_cast %get3A_789 : i32 to index
      %get3A_792 = arith.index_cast %get3A_790 : i32 to index
      %get3A_793 = arith.constant 1376 : index
      %get3A_794 = tpu.vector_load %arg4[%get3A_791, %get3A_792, %get3A_793] {strides = array<i32>} : memref<2x16x2048xf32, #tpu.memory_space<vmem>>, vector<1x1x16xf32>,
      %get3A_795 = vector.shape_cast %get3A_794 : vector<1x1x16xf32> to vector<16xf32>
      %eq3A_796 = arith.constant 1 : i32
      %eq3A_797 = vector.broadcast %eq3A_796 : i32 to vector<16xi32>
      %eq3A_798 = arith.cmpi eq, %iota3A, %eq3A_797 : vector<16xi32>
      %jit3A_799 = arith.constant 0.000000e+00 : f32
      %broadcast_in_dim3A_800 = vector.broadcast %jit3A_799 : f32 to vector<16xf32>
      %select_n3A_801 = arith.select %eq3A_798, %broadcast_in_dim3A_800, %get3A_795 : vector<16xi1>, vector<16xf32>
      %swap3A_802 = arith.constant 0 : i32
      %swap3A_803 = arith.constant 1 : i32
      %swap3A_804 = arith.index_cast %swap3A_802 : i32 to index
      %swap3A_805 = arith.index_cast %swap3A_803 : i32 to index
      %swap3A_806 = arith.constant 1376 : index
      %swap3A_807 = tpu.vector_load %arg4[%swap3A_804, %swap3A_805, %swap3A_806] {strides = array<i32>} : memref<2x16x2048xf32, #tpu.memory_space<vmem>>, vector<1x1x16xf32>,
      %swap3A_808 = vector.shape_cast %swap3A_807 : vector<1x1x16xf32> to vector<16xf32>
      %swap3A_809 = vector.shape_cast %select_n3A_801 : vector<16xf32> to vector<1x1x16xf32>
      tpu.vector_store %arg4[%swap3A_804, %swap3A_805, %swap3A_806], %swap3A_809 {strides = array<i32>} : memref<2x16x2048xf32, #tpu.memory_space<vmem>>, vector<1x1x16xf32>,
      %get3A_810 = arith.constant 0 : i32
      %get3A_811 = arith.constant 2 : i32
      %get3A_812 = arith.index_cast %get3A_810 : i32 to index
      %get3A_813 = arith.index_cast %get3A_811 : i32 to index
      %get3A_814 = arith.constant 1376 : index
      %get3A_815 = tpu.vector_load %arg4[%get3A_812, %get3A_813, %get3A_814] {strides = array<i32>} : memref<2x16x2048xf32, #tpu.memory_space<vmem>>, vector<1x1x16xf32>,
      %get3A_816 = vector.shape_cast %get3A_815 : vector<1x1x16xf32> to vector<16xf32>
      %eq3A_817 = arith.constant 1 : i32
      %eq3A_818 = vector.broadcast %eq3A_817 : i32 to vector<16xi32>
      %eq3A_819 = arith.cmpi eq, %iota3A, %eq3A_818 : vector<16xi32>
      %jit3A_820 = arith.constant 0.000000e+00 : f32
      %broadcast_in_dim3A_821 = vector.broadcast %jit3A_820 : f32 to vector<16xf32>
      %select_n3A_822 = arith.select %eq3A_819, %broadcast_in_dim3A_821, %get3A_816 : vector<16xi1>, vector<16xf32>
      %swap3A_823 = arith.constant 0 : i32
      %swap3A_824 = arith.constant 2 : i32
      %swap3A_825 = arith.index_cast %swap3A_823 : i32 to index
      %swap3A_826 = arith.index_cast %swap3A_824 : i32 to index
      %swap3A_827 = arith.constant 1376 : index
      %swap3A_828 = tpu.vector_load %arg4[%swap3A_825, %swap3A_826, %swap3A_827] {strides = array<i32>} : memref<2x16x2048xf32, #tpu.memory_space<vmem>>, vector<1x1x16xf32>,
      %swap3A_829 = vector.shape_cast %swap3A_828 : vector<1x1x16xf32> to vector<16xf32>
      %swap3A_830 = vector.shape_cast %select_n3A_822 : vector<16xf32> to vector<1x1x16xf32>
      tpu.vector_store %arg4[%swap3A_825, %swap3A_826, %swap3A_827], %swap3A_830 {strides = array<i32>} : memref<2x16x2048xf32, #tpu.memory_space<vmem>>, vector<1x1x16xf32>,
      %get3A_831 = arith.constant 0 : i32
      %get3A_832 = arith.constant 3 : i32
      %get3A_833 = arith.index_cast %get3A_831 : i32 to index
      %get3A_834 = arith.index_cast %get3A_832 : i32 to index
      %get3A_835 = arith.constant 1376 : index
      %get3A_836 = tpu.vector_load %arg4[%get3A_833, %get3A_834, %get3A_835] {strides = array<i32>} : memref<2x16x2048xf32, #tpu.memory_space<vmem>>, vector<1x1x16xf32>,
      %get3A_837 = vector.shape_cast %get3A_836 : vector<1x1x16xf32> to vector<16xf32>
      %eq3A_838 = arith.constant 1 : i32
      %eq3A_839 = vector.broadcast %eq3A_838 : i32 to vector<16xi32>
      %eq3A_840 = arith.cmpi eq, %iota3A, %eq3A_839 : vector<16xi32>
      %jit3A_841 = arith.constant 0.000000e+00 : f32
      %broadcast_in_dim3A_842 = vector.broadcast %jit3A_841 : f32 to vector<16xf32>
      %select_n3A_843 = arith.select %eq3A_840, %broadcast_in_dim3A_842, %get3A_837 : vector<16xi1>, vector<16xf32>
      %swap3A_844 = arith.constant 0 : i32
      %swap3A_845 = arith.constant 3 : i32
      %swap3A_846 = arith.index_cast %swap3A_844 : i32 to index
      %swap3A_847 = arith.index_cast %swap3A_845 : i32 to index
      %swap3A_848 = arith.constant 1376 : index
      %swap3A_849 = tpu.vector_load %arg4[%swap3A_846, %swap3A_847, %swap3A_848] {strides = array<i32>} : memref<2x16x2048xf32, #tpu.memory_space<vmem>>, vector<1x1x16xf32>,
      %swap3A_850 = vector.shape_cast %swap3A_849 : vector<1x1x16xf32> to vector<16xf32>
      %swap3A_851 = vector.shape_cast %select_n3A_843 : vector<16xf32> to vector<1x1x16xf32>
      tpu.vector_store %arg4[%swap3A_846, %swap3A_847, %swap3A_848], %swap3A_851 {strides = array<i32>} : memref<2x16x2048xf32, #tpu.memory_space<vmem>>, vector<1x1x16xf32>,
      %get3A_852 = arith.constant 0 : i32
      %get3A_853 = arith.constant 4 : i32
      %get3A_854 = arith.index_cast %get3A_852 : i32 to index
      %get3A_855 = arith.index_cast %get3A_853 : i32 to index
      %get3A_856 = arith.constant 1376 : index
      %get3A_857 = tpu.vector_load %arg4[%get3A_854, %get3A_855, %get3A_856] {strides = array<i32>} : memref<2x16x2048xf32, #tpu.memory_space<vmem>>, vector<1x1x16xf32>,
      %get3A_858 = vector.shape_cast %get3A_857 : vector<1x1x16xf32> to vector<16xf32>
      %eq3A_859 = arith.constant 1 : i32
      %eq3A_860 = vector.broadcast %eq3A_859 : i32 to vector<16xi32>
      %eq3A_861 = arith.cmpi eq, %iota3A, %eq3A_860 : vector<16xi32>
      %jit3A_862 = arith.constant 0.000000e+00 : f32
      %broadcast_in_dim3A_863 = vector.broadcast %jit3A_862 : f32 to vector<16xf32>
      %select_n3A_864 = arith.select %eq3A_861, %broadcast_in_dim3A_863, %get3A_858 : vector<16xi1>, vector<16xf32>
      %swap3A_865 = arith.constant 0 : i32
      %swap3A_866 = arith.constant 4 : i32
      %swap3A_867 = arith.index_cast %swap3A_865 : i32 to index
      %swap3A_868 = arith.index_cast %swap3A_866 : i32 to index
      %swap3A_869 = arith.constant 1376 : index
      %swap3A_870 = tpu.vector_load %arg4[%swap3A_867, %swap3A_868, %swap3A_869] {strides = array<i32>} : memref<2x16x2048xf32, #tpu.memory_space<vmem>>, vector<1x1x16xf32>,
      %swap3A_871 = vector.shape_cast %swap3A_870 : vector<1x1x16xf32> to vector<16xf32>
      %swap3A_872 = vector.shape_cast %select_n3A_864 : vector<16xf32> to vector<1x1x16xf32>
      tpu.vector_store %arg4[%swap3A_867, %swap3A_868, %swap3A_869], %swap3A_872 {strides = array<i32>} : memref<2x16x2048xf32, #tpu.memory_space<vmem>>, vector<1x1x16xf32>,
      %get3A_873 = arith.constant 0 : i32
      %get3A_874 = arith.constant 5 : i32
      %get3A_875 = arith.index_cast %get3A_873 : i32 to index
      %get3A_876 = arith.index_cast %get3A_874 : i32 to index
      %get3A_877 = arith.constant 1376 : index
      %get3A_878 = tpu.vector_load %arg4[%get3A_875, %get3A_876, %get3A_877] {strides = array<i32>} : memref<2x16x2048xf32, #tpu.memory_space<vmem>>, vector<1x1x16xf32>,
      %get3A_879 = vector.shape_cast %get3A_878 : vector<1x1x16xf32> to vector<16xf32>
      %eq3A_880 = arith.constant 1 : i32
      %eq3A_881 = vector.broadcast %eq3A_880 : i32 to vector<16xi32>
      %eq3A_882 = arith.cmpi eq, %iota3A, %eq3A_881 : vector<16xi32>
      %jit3A_883 = arith.constant 0.000000e+00 : f32
      %broadcast_in_dim3A_884 = vector.broadcast %jit3A_883 : f32 to vector<16xf32>
      %select_n3A_885 = arith.select %eq3A_882, %broadcast_in_dim3A_884, %get3A_879 : vector<16xi1>, vector<16xf32>
      %swap3A_886 = arith.constant 0 : i32
      %swap3A_887 = arith.constant 5 : i32
      %swap3A_888 = arith.index_cast %swap3A_886 : i32 to index
      %swap3A_889 = arith.index_cast %swap3A_887 : i32 to index
      %swap3A_890 = arith.constant 1376 : index
      %swap3A_891 = tpu.vector_load %arg4[%swap3A_888, %swap3A_889, %swap3A_890] {strides = array<i32>} : memref<2x16x2048xf32, #tpu.memory_space<vmem>>, vector<1x1x16xf32>,
      %swap3A_892 = vector.shape_cast %swap3A_891 : vector<1x1x16xf32> to vector<16xf32>
      %swap3A_893 = vector.shape_cast %select_n3A_885 : vector<16xf32> to vector<1x1x16xf32>
      tpu.vector_store %arg4[%swap3A_888, %swap3A_889, %swap3A_890], %swap3A_893 {strides = array<i32>} : memref<2x16x2048xf32, #tpu.memory_space<vmem>>, vector<1x1x16xf32>,
      %get3A_894 = arith.constant 0 : i32
      %get3A_895 = arith.constant 6 : i32
      %get3A_896 = arith.index_cast %get3A_894 : i32 to index
      %get3A_897 = arith.index_cast %get3A_895 : i32 to index
      %get3A_898 = arith.constant 1376 : index
      %get3A_899 = tpu.vector_load %arg4[%get3A_896, %get3A_897, %get3A_898] {strides = array<i32>} : memref<2x16x2048xf32, #tpu.memory_space<vmem>>, vector<1x1x16xf32>,
      %get3A_900 = vector.shape_cast %get3A_899 : vector<1x1x16xf32> to vector<16xf32>
      %eq3A_901 = arith.constant 1 : i32
      %eq3A_902 = vector.broadcast %eq3A_901 : i32 to vector<16xi32>
      %eq3A_903 = arith.cmpi eq, %iota3A, %eq3A_902 : vector<16xi32>
      %jit3A_904 = arith.constant 0.000000e+00 : f32
      %broadcast_in_dim3A_905 = vector.broadcast %jit3A_904 : f32 to vector<16xf32>
      %select_n3A_906 = arith.select %eq3A_903, %broadcast_in_dim3A_905, %get3A_900 : vector<16xi1>, vector<16xf32>
      %swap3A_907 = arith.constant 0 : i32
      %swap3A_908 = arith.constant 6 : i32
      %swap3A_909 = arith.index_cast %swap3A_907 : i32 to index
      %swap3A_910 = arith.index_cast %swap3A_908 : i32 to index
      %swap3A_911 = arith.constant 1376 : index
      %swap3A_912 = tpu.vector_load %arg4[%swap3A_909, %swap3A_910, %swap3A_911] {strides = array<i32>} : memref<2x16x2048xf32, #tpu.memory_space<vmem>>, vector<1x1x16xf32>,
      %swap3A_913 = vector.shape_cast %swap3A_912 : vector<1x1x16xf32> to vector<16xf32>
      %swap3A_914 = vector.shape_cast %select_n3A_906 : vector<16xf32> to vector<1x1x16xf32>
      tpu.vector_store %arg4[%swap3A_909, %swap3A_910, %swap3A_911], %swap3A_914 {strides = array<i32>} : memref<2x16x2048xf32, #tpu.memory_space<vmem>>, vector<1x1x16xf32>,
      %get3A_915 = arith.constant 0 : i32
      %get3A_916 = arith.constant 7 : i32
      %get3A_917 = arith.index_cast %get3A_915 : i32 to index
      %get3A_918 = arith.index_cast %get3A_916 : i32 to index
      %get3A_919 = arith.constant 1376 : index
      %get3A_920 = tpu.vector_load %arg4[%get3A_917, %get3A_918, %get3A_919] {strides = array<i32>} : memref<2x16x2048xf32, #tpu.memory_space<vmem>>, vector<1x1x16xf32>,
      %get3A_921 = vector.shape_cast %get3A_920 : vector<1x1x16xf32> to vector<16xf32>
      %eq3A_922 = arith.constant 1 : i32
      %eq3A_923 = vector.broadcast %eq3A_922 : i32 to vector<16xi32>
      %eq3A_924 = arith.cmpi eq, %iota3A, %eq3A_923 : vector<16xi32>
      %jit3A_925 = arith.constant 0.000000e+00 : f32
      %broadcast_in_dim3A_926 = vector.broadcast %jit3A_925 : f32 to vector<16xf32>
      %select_n3A_927 = arith.select %eq3A_924, %broadcast_in_dim3A_926, %get3A_921 : vector<16xi1>, vector<16xf32>
      %swap3A_928 = arith.constant 0 : i32
      %swap3A_929 = arith.constant 7 : i32
      %swap3A_930 = arith.index_cast %swap3A_928 : i32 to index
      %swap3A_931 = arith.index_cast %swap3A_929 : i32 to index
      %swap3A_932 = arith.constant 1376 : index
      %swap3A_933 = tpu.vector_load %arg4[%swap3A_930, %swap3A_931, %swap3A_932] {strides = array<i32>} : memref<2x16x2048xf32, #tpu.memory_space<vmem>>, vector<1x1x16xf32>,
      %swap3A_934 = vector.shape_cast %swap3A_933 : vector<1x1x16xf32> to vector<16xf32>
      %swap3A_935 = vector.shape_cast %select_n3A_927 : vector<16xf32> to vector<1x1x16xf32>
      tpu.vector_store %arg4[%swap3A_930, %swap3A_931, %swap3A_932], %swap3A_935 {strides = array<i32>} : memref<2x16x2048xf32, #tpu.memory_space<vmem>>, vector<1x1x16xf32>,
      %get3A_936 = arith.constant 0 : i32
      %get3A_937 = arith.constant 8 : i32
      %get3A_938 = arith.index_cast %get3A_936 : i32 to index
      %get3A_939 = arith.index_cast %get3A_937 : i32 to index
      %get3A_940 = arith.constant 1376 : index
      %get3A_941 = tpu.vector_load %arg4[%get3A_938, %get3A_939, %get3A_940] {strides = array<i32>} : memref<2x16x2048xf32, #tpu.memory_space<vmem>>, vector<1x1x16xf32>,
      %get3A_942 = vector.shape_cast %get3A_941 : vector<1x1x16xf32> to vector<16xf32>
      %eq3A_943 = arith.constant 1 : i32
      %eq3A_944 = vector.broadcast %eq3A_943 : i32 to vector<16xi32>
      %eq3A_945 = arith.cmpi eq, %iota3A, %eq3A_944 : vector<16xi32>
      %jit3A_946 = arith.constant 0.000000e+00 : f32
      %broadcast_in_dim3A_947 = vector.broadcast %jit3A_946 : f32 to vector<16xf32>
      %select_n3A_948 = arith.select %eq3A_945, %broadcast_in_dim3A_947, %get3A_942 : vector<16xi1>, vector<16xf32>
      %swap3A_949 = arith.constant 0 : i32
      %swap3A_950 = arith.constant 8 : i32
      %swap3A_951 = arith.index_cast %swap3A_949 : i32 to index
      %swap3A_952 = arith.index_cast %swap3A_950 : i32 to index
      %swap3A_953 = arith.constant 1376 : index
      %swap3A_954 = tpu.vector_load %arg4[%swap3A_951, %swap3A_952, %swap3A_953] {strides = array<i32>} : memref<2x16x2048xf32, #tpu.memory_space<vmem>>, vector<1x1x16xf32>,
      %swap3A_955 = vector.shape_cast %swap3A_954 : vector<1x1x16xf32> to vector<16xf32>
      %swap3A_956 = vector.shape_cast %select_n3A_948 : vector<16xf32> to vector<1x1x16xf32>
      tpu.vector_store %arg4[%swap3A_951, %swap3A_952, %swap3A_953], %swap3A_956 {strides = array<i32>} : memref<2x16x2048xf32, #tpu.memory_space<vmem>>, vector<1x1x16xf32>,
      %get3A_957 = arith.constant 0 : i32
      %get3A_958 = arith.constant 9 : i32
      %get3A_959 = arith.index_cast %get3A_957 : i32 to index
      %get3A_960 = arith.index_cast %get3A_958 : i32 to index
      %get3A_961 = arith.constant 1376 : index
      %get3A_962 = tpu.vector_load %arg4[%get3A_959, %get3A_960, %get3A_961] {strides = array<i32>} : memref<2x16x2048xf32, #tpu.memory_space<vmem>>, vector<1x1x16xf32>,
      %get3A_963 = vector.shape_cast %get3A_962 : vector<1x1x16xf32> to vector<16xf32>
      %eq3A_964 = arith.constant 1 : i32
      %eq3A_965 = vector.broadcast %eq3A_964 : i32 to vector<16xi32>
      %eq3A_966 = arith.cmpi eq, %iota3A, %eq3A_965 : vector<16xi32>
      %jit3A_967 = arith.constant 0.000000e+00 : f32
      %broadcast_in_dim3A_968 = vector.broadcast %jit3A_967 : f32 to vector<16xf32>
      %select_n3A_969 = arith.select %eq3A_966, %broadcast_in_dim3A_968, %get3A_963 : vector<16xi1>, vector<16xf32>
      %swap3A_970 = arith.constant 0 : i32
      %swap3A_971 = arith.constant 9 : i32
      %swap3A_972 = arith.index_cast %swap3A_970 : i32 to index
      %swap3A_973 = arith.index_cast %swap3A_971 : i32 to index
      %swap3A_974 = arith.constant 1376 : index
      %swap3A_975 = tpu.vector_load %arg4[%swap3A_972, %swap3A_973, %swap3A_974] {strides = array<i32>} : memref<2x16x2048xf32, #tpu.memory_space<vmem>>, vector<1x1x16xf32>,
      %swap3A_976 = vector.shape_cast %swap3A_975 : vector<1x1x16xf32> to vector<16xf32>
      %swap3A_977 = vector.shape_cast %select_n3A_969 : vector<16xf32> to vector<1x1x16xf32>
      tpu.vector_store %arg4[%swap3A_972, %swap3A_973, %swap3A_974], %swap3A_977 {strides = array<i32>} : memref<2x16x2048xf32, #tpu.memory_space<vmem>>, vector<1x1x16xf32>,
      %get3A_978 = arith.constant 0 : i32
      %get3A_979 = arith.constant 10 : i32
      %get3A_980 = arith.index_cast %get3A_978 : i32 to index
      %get3A_981 = arith.index_cast %get3A_979 : i32 to index
      %get3A_982 = arith.constant 1376 : index
      %get3A_983 = tpu.vector_load %arg4[%get3A_980, %get3A_981, %get3A_982] {strides = array<i32>} : memref<2x16x2048xf32, #tpu.memory_space<vmem>>, vector<1x1x16xf32>,
      %get3A_984 = vector.shape_cast %get3A_983 : vector<1x1x16xf32> to vector<16xf32>
      %eq3A_985 = arith.constant 1 : i32
      %eq3A_986 = vector.broadcast %eq3A_985 : i32 to vector<16xi32>
      %eq3A_987 = arith.cmpi eq, %iota3A, %eq3A_986 : vector<16xi32>
      %jit3A_988 = arith.constant 0.000000e+00 : f32
      %broadcast_in_dim3A_989 = vector.broadcast %jit3A_988 : f32 to vector<16xf32>
      %select_n3A_990 = arith.select %eq3A_987, %broadcast_in_dim3A_989, %get3A_984 : vector<16xi1>, vector<16xf32>
      %swap3A_991 = arith.constant 0 : i32
      %swap3A_992 = arith.constant 10 : i32
      %swap3A_993 = arith.index_cast %swap3A_991 : i32 to index
      %swap3A_994 = arith.index_cast %swap3A_992 : i32 to index
      %swap3A_995 = arith.constant 1376 : index
      %swap3A_996 = tpu.vector_load %arg4[%swap3A_993, %swap3A_994, %swap3A_995] {strides = array<i32>} : memref<2x16x2048xf32, #tpu.memory_space<vmem>>, vector<1x1x16xf32>,
      %swap3A_997 = vector.shape_cast %swap3A_996 : vector<1x1x16xf32> to vector<16xf32>
      %swap3A_998 = vector.shape_cast %select_n3A_990 : vector<16xf32> to vector<1x1x16xf32>
      tpu.vector_store %arg4[%swap3A_993, %swap3A_994, %swap3A_995], %swap3A_998 {strides = array<i32>} : memref<2x16x2048xf32, #tpu.memory_space<vmem>>, vector<1x1x16xf32>,
      %get3A_999 = arith.constant 0 : i32
      %get3A_1000 = arith.constant 11 : i32
      %get3A_1001 = arith.index_cast %get3A_999 : i32 to index
      %get3A_1002 = arith.index_cast %get3A_1000 : i32 to index
      %get3A_1003 = arith.constant 1376 : index
      %get3A_1004 = tpu.vector_load %arg4[%get3A_1001, %get3A_1002, %get3A_1003] {strides = array<i32>} : memref<2x16x2048xf32, #tpu.memory_space<vmem>>, vector<1x1x16xf32>,
      %get3A_1005 = vector.shape_cast %get3A_1004 : vector<1x1x16xf32> to vector<16xf32>
      %eq3A_1006 = arith.constant 1 : i32
      %eq3A_1007 = vector.broadcast %eq3A_1006 : i32 to vector<16xi32>
      %eq3A_1008 = arith.cmpi eq, %iota3A, %eq3A_1007 : vector<16xi32>
      %jit3A_1009 = arith.constant 0.000000e+00 : f32
      %broadcast_in_dim3A_1010 = vector.broadcast %jit3A_1009 : f32 to vector<16xf32>
      %select_n3A_1011 = arith.select %eq3A_1008, %broadcast_in_dim3A_1010, %get3A_1005 : vector<16xi1>, vector<16xf32>
      %swap3A_1012 = arith.constant 0 : i32
      %swap3A_1013 = arith.constant 11 : i32
      %swap3A_1014 = arith.index_cast %swap3A_1012 : i32 to index
      %swap3A_1015 = arith.index_cast %swap3A_1013 : i32 to index
      %swap3A_1016 = arith.constant 1376 : index
      %swap3A_1017 = tpu.vector_load %arg4[%swap3A_1014, %swap3A_1015, %swap3A_1016] {strides = array<i32>} : memref<2x16x2048xf32, #tpu.memory_space<vmem>>, vector<1x1x16xf32>,
      %swap3A_1018 = vector.shape_cast %swap3A_1017 : vector<1x1x16xf32> to vector<16xf32>
      %swap3A_1019 = vector.shape_cast %select_n3A_1011 : vector<16xf32> to vector<1x1x16xf32>
      tpu.vector_store %arg4[%swap3A_1014, %swap3A_1015, %swap3A_1016], %swap3A_1019 {strides = array<i32>} : memref<2x16x2048xf32, #tpu.memory_space<vmem>>, vector<1x1x16xf32>,
      %get3A_1020 = arith.constant 0 : i32
      %get3A_1021 = arith.constant 12 : i32
      %get3A_1022 = arith.index_cast %get3A_1020 : i32 to index
      %get3A_1023 = arith.index_cast %get3A_1021 : i32 to index
      %get3A_1024 = arith.constant 1376 : index
      %get3A_1025 = tpu.vector_load %arg4[%get3A_1022, %get3A_1023, %get3A_1024] {strides = array<i32>} : memref<2x16x2048xf32, #tpu.memory_space<vmem>>, vector<1x1x16xf32>,
      %get3A_1026 = vector.shape_cast %get3A_1025 : vector<1x1x16xf32> to vector<16xf32>
      %eq3A_1027 = arith.constant 1 : i32
      %eq3A_1028 = vector.broadcast %eq3A_1027 : i32 to vector<16xi32>
      %eq3A_1029 = arith.cmpi eq, %iota3A, %eq3A_1028 : vector<16xi32>
      %jit3A_1030 = arith.constant 0.000000e+00 : f32
      %broadcast_in_dim3A_1031 = vector.broadcast %jit3A_1030 : f32 to vector<16xf32>
      %select_n3A_1032 = arith.select %eq3A_1029, %broadcast_in_dim3A_1031, %get3A_1026 : vector<16xi1>, vector<16xf32>
      %swap3A_1033 = arith.constant 0 : i32
      %swap3A_1034 = arith.constant 12 : i32
      %swap3A_1035 = arith.index_cast %swap3A_1033 : i32 to index
      %swap3A_1036 = arith.index_cast %swap3A_1034 : i32 to index
      %swap3A_1037 = arith.constant 1376 : index
      %swap3A_1038 = tpu.vector_load %arg4[%swap3A_1035, %swap3A_1036, %swap3A_1037] {strides = array<i32>} : memref<2x16x2048xf32, #tpu.memory_space<vmem>>, vector<1x1x16xf32>,
      %swap3A_1039 = vector.shape_cast %swap3A_1038 : vector<1x1x16xf32> to vector<16xf32>
      %swap3A_1040 = vector.shape_cast %select_n3A_1032 : vector<16xf32> to vector<1x1x16xf32>
      tpu.vector_store %arg4[%swap3A_1035, %swap3A_1036, %swap3A_1037], %swap3A_1040 {strides = array<i32>} : memref<2x16x2048xf32, #tpu.memory_space<vmem>>, vector<1x1x16xf32>,
      %get3A_1041 = arith.constant 0 : i32
      %get3A_1042 = arith.constant 13 : i32
      %get3A_1043 = arith.index_cast %get3A_1041 : i32 to index
      %get3A_1044 = arith.index_cast %get3A_1042 : i32 to index
      %get3A_1045 = arith.constant 1376 : index
      %get3A_1046 = tpu.vector_load %arg4[%get3A_1043, %get3A_1044, %get3A_1045] {strides = array<i32>} : memref<2x16x2048xf32, #tpu.memory_space<vmem>>, vector<1x1x16xf32>,
      %get3A_1047 = vector.shape_cast %get3A_1046 : vector<1x1x16xf32> to vector<16xf32>
      %eq3A_1048 = arith.constant 1 : i32
      %eq3A_1049 = vector.broadcast %eq3A_1048 : i32 to vector<16xi32>
      %eq3A_1050 = arith.cmpi eq, %iota3A, %eq3A_1049 : vector<16xi32>
      %jit3A_1051 = arith.constant 0.000000e+00 : f32
      %broadcast_in_dim3A_1052 = vector.broadcast %jit3A_1051 : f32 to vector<16xf32>
      %select_n3A_1053 = arith.select %eq3A_1050, %broadcast_in_dim3A_1052, %get3A_1047 : vector<16xi1>, vector<16xf32>
      %swap3A_1054 = arith.constant 0 : i32
      %swap3A_1055 = arith.constant 13 : i32
      %swap3A_1056 = arith.index_cast %swap3A_1054 : i32 to index
      %swap3A_1057 = arith.index_cast %swap3A_1055 : i32 to index
      %swap3A_1058 = arith.constant 1376 : index
      %swap3A_1059 = tpu.vector_load %arg4[%swap3A_1056, %swap3A_1057, %swap3A_1058] {strides = array<i32>} : memref<2x16x2048xf32, #tpu.memory_space<vmem>>, vector<1x1x16xf32>,
      %swap3A_1060 = vector.shape_cast %swap3A_1059 : vector<1x1x16xf32> to vector<16xf32>
      %swap3A_1061 = vector.shape_cast %select_n3A_1053 : vector<16xf32> to vector<1x1x16xf32>
      tpu.vector_store %arg4[%swap3A_1056, %swap3A_1057, %swap3A_1058], %swap3A_1061 {strides = array<i32>} : memref<2x16x2048xf32, #tpu.memory_space<vmem>>, vector<1x1x16xf32>,
      %get3A_1062 = arith.constant 0 : i32
      %get3A_1063 = arith.constant 14 : i32
      %get3A_1064 = arith.index_cast %get3A_1062 : i32 to index
      %get3A_1065 = arith.index_cast %get3A_1063 : i32 to index
      %get3A_1066 = arith.constant 1376 : index
      %get3A_1067 = tpu.vector_load %arg4[%get3A_1064, %get3A_1065, %get3A_1066] {strides = array<i32>} : memref<2x16x2048xf32, #tpu.memory_space<vmem>>, vector<1x1x16xf32>,
      %get3A_1068 = vector.shape_cast %get3A_1067 : vector<1x1x16xf32> to vector<16xf32>
      %eq3A_1069 = arith.constant 1 : i32
      %eq3A_1070 = vector.broadcast %eq3A_1069 : i32 to vector<16xi32>
      %eq3A_1071 = arith.cmpi eq, %iota3A, %eq3A_1070 : vector<16xi32>
      %jit3A_1072 = arith.constant 0.000000e+00 : f32
      %broadcast_in_dim3A_1073 = vector.broadcast %jit3A_1072 : f32 to vector<16xf32>
      %select_n3A_1074 = arith.select %eq3A_1071, %broadcast_in_dim3A_1073, %get3A_1068 : vector<16xi1>, vector<16xf32>
      %swap3A_1075 = arith.constant 0 : i32
      %swap3A_1076 = arith.constant 14 : i32
      %swap3A_1077 = arith.index_cast %swap3A_1075 : i32 to index
      %swap3A_1078 = arith.index_cast %swap3A_1076 : i32 to index
      %swap3A_1079 = arith.constant 1376 : index
      %swap3A_1080 = tpu.vector_load %arg4[%swap3A_1077, %swap3A_1078, %swap3A_1079] {strides = array<i32>} : memref<2x16x2048xf32, #tpu.memory_space<vmem>>, vector<1x1x16xf32>,
      %swap3A_1081 = vector.shape_cast %swap3A_1080 : vector<1x1x16xf32> to vector<16xf32>
      %swap3A_1082 = vector.shape_cast %select_n3A_1074 : vector<16xf32> to vector<1x1x16xf32>
      tpu.vector_store %arg4[%swap3A_1077, %swap3A_1078, %swap3A_1079], %swap3A_1082 {strides = array<i32>} : memref<2x16x2048xf32, #tpu.memory_space<vmem>>, vector<1x1x16xf32>,
      %get3A_1083 = arith.constant 0 : i32
      %get3A_1084 = arith.constant 15 : i32
      %get3A_1085 = arith.index_cast %get3A_1083 : i32 to index
      %get3A_1086 = arith.index_cast %get3A_1084 : i32 to index
      %get3A_1087 = arith.constant 1376 : index
      %get3A_1088 = tpu.vector_load %arg4[%get3A_1085, %get3A_1086, %get3A_1087] {strides = array<i32>} : memref<2x16x2048xf32, #tpu.memory_space<vmem>>, vector<1x1x16xf32>,
      %get3A_1089 = vector.shape_cast %get3A_1088 : vector<1x1x16xf32> to vector<16xf32>
      %eq3A_1090 = arith.constant 1 : i32
      %eq3A_1091 = vector.broadcast %eq3A_1090 : i32 to vector<16xi32>
      %eq3A_1092 = arith.cmpi eq, %iota3A, %eq3A_1091 : vector<16xi32>
      %jit3A_1093 = arith.constant 0.000000e+00 : f32
      %broadcast_in_dim3A_1094 = vector.broadcast %jit3A_1093 : f32 to vector<16xf32>
      %select_n3A_1095 = arith.select %eq3A_1092, %broadcast_in_dim3A_1094, %get3A_1089 : vector<16xi1>, vector<16xf32>
      %swap3A_1096 = arith.constant 0 : i32
      %swap3A_1097 = arith.constant 15 : i32
      %swap3A_1098 = arith.index_cast %swap3A_1096 : i32 to index
      %swap3A_1099 = arith.index_cast %swap3A_1097 : i32 to index
      %swap3A_1100 = arith.constant 1376 : index
      %swap3A_1101 = tpu.vector_load %arg4[%swap3A_1098, %swap3A_1099, %swap3A_1100] {strides = array<i32>} : memref<2x16x2048xf32, #tpu.memory_space<vmem>>, vector<1x1x16xf32>,
      %swap3A_1102 = vector.shape_cast %swap3A_1101 : vector<1x1x16xf32> to vector<16xf32>
      %swap3A_1103 = vector.shape_cast %select_n3A_1095 : vector<16xf32> to vector<1x1x16xf32>
      tpu.vector_store %arg4[%swap3A_1098, %swap3A_1099, %swap3A_1100], %swap3A_1103 {strides = array<i32>} : memref<2x16x2048xf32, #tpu.memory_space<vmem>>, vector<1x1x16xf32>,
      %mul3A_1104 = arith.constant 16 : i32
      %mul3A_1105 = arith.muli %add3A_82, %mul3A_1104 : i32
      %add3A_1106 = arith.addi %mul3A_2, %mul3A_1105 : i32
      %dma_start3A_1107 = arith.constant 0 : i32
      %dma_start3A_1108 = arith.constant 2 : i32
      %dma_start3A_1109 = arith.constant 0 : i32
      %dma_start3A_1110 = arith.constant 0 : i32
      %dma_start3A_1111 = tpu.memref_slice %arg4[%dma_start3A_1107, %dma_start3A_1109, %dma_start3A_1110] : memref<2x16x2048xf32, #tpu.memory_space<vmem>> -> memref<1x16x2048xf32, #tpu.memory_space<vmem>>
      %dma_start3A_1112 = tpu.memref_squeeze %dma_start3A_1111 : memref<1x16x2048xf32, #tpu.memory_space<vmem>> -> memref<16x2048xf32, #tpu.memory_space<vmem>>
      %dma_start3A_1113 = arith.constant 0 : i32
      %dma_start3A_1114 = tpu.memref_slice %arg3[%add3A_1106, %dma_start3A_1113] : memref<16384x2048xf32, #tpu.memory_space<hbm>> -> memref<16x2048xf32, #tpu.memory_space<hbm>>
      %dma_start3A_1115 = tpu.memref_slice %arg5[%dma_start3A_1108] : memref<4x!tpu.dma_semaphore, #tpu.memory_space<semaphore_mem>> -> memref<1x!tpu.dma_semaphore, #tpu.memory_space<semaphore_mem>>
      %dma_start3A_1116 = tpu.memref_squeeze %dma_start3A_1115 : memref<1x!tpu.dma_semaphore, #tpu.memory_space<semaphore_mem>> -> memref<!tpu.dma_semaphore, #tpu.memory_space<semaphore_mem>>
      %dma_start3A_1117 = arith.constant 0 : i32
      %dma_start3A_1118 = tpu.memref_slice %arg3[%add3A_1106, %dma_start3A_1117] : memref<16384x2048xf32, #tpu.memory_space<hbm>> -> memref<16x2048xf32, #tpu.memory_space<hbm>>
      %dma_start3A_1119 = arith.constant 0 : i32
      %dma_start3A_1120 = arith.constant 0 : i32
      %dma_start3A_1121 = tpu.memref_slice %arg4[%dma_start3A_1107, %dma_start3A_1119, %dma_start3A_1120] : memref<2x16x2048xf32, #tpu.memory_space<vmem>> -> memref<1x16x2048xf32, #tpu.memory_space<vmem>>
      %dma_start3A_1122 = tpu.memref_squeeze %dma_start3A_1121 : memref<1x16x2048xf32, #tpu.memory_space<vmem>> -> memref<16x2048xf32, #tpu.memory_space<vmem>>
      tpu.enqueue_dma source(%dma_start3A_1122 : memref<16x2048xf32, #tpu.memory_space<vmem>>) target(%dma_start3A_1118 : memref<16x2048xf32, #tpu.memory_space<hbm>>) target_semaphore(%dma_start3A_1116 : memref<!tpu.dma_semaphore, #tpu.memory_space<semaphore_mem>>)
      %add3A_1123 = arith.constant 2 : i32
      %add3A_1124 = arith.addi %add3A_82, %add3A_1123 : i32
      %lt3A = arith.constant 32 : i32
      %lt3A_1125 = arith.cmpi slt, %add3A_1124, %lt3A : i32
      %convert_element_type3A = arith.extui %lt3A_1125 : i1 to i32
      %cond3A = arith.constant 0 : i32
      %cond3A_1126 = arith.cmpi ne, %convert_element_type3A, %cond3A : i32
      scf.if %cond3A_1126 {
        %mul3A_2184 = arith.constant 16 : i32
        %mul3A_2185 = arith.muli %add3A_82, %mul3A_2184 : i32
        %add3A_2186 = arith.addi %mul3A_2, %mul3A_2185 : i32
        %dma_wait3A_2187 = arith.constant 0 : i32
        %dma_wait3A_2188 = arith.constant 2 : i32
        %dma_wait3A_2189 = arith.constant 0 : i32
        %dma_wait3A_2190 = arith.constant 0 : i32
        %dma_wait3A_2191 = tpu.memref_slice %arg4[%dma_wait3A_2187, %dma_wait3A_2189, %dma_wait3A_2190] : memref<2x16x2048xf32, #tpu.memory_space<vmem>> -> memref<1x16x2048xf32, #tpu.memory_space<vmem>>
        %dma_wait3A_2192 = tpu.memref_squeeze %dma_wait3A_2191 : memref<1x16x2048xf32, #tpu.memory_space<vmem>> -> memref<16x2048xf32, #tpu.memory_space<vmem>>
        %dma_wait3A_2193 = arith.constant 0 : i32
        %dma_wait3A_2194 = tpu.memref_slice %arg3[%add3A_2186, %dma_wait3A_2193] : memref<16384x2048xf32, #tpu.memory_space<hbm>> -> memref<16x2048xf32, #tpu.memory_space<hbm>>
        %dma_wait3A_2195 = tpu.memref_slice %arg5[%dma_wait3A_2188] : memref<4x!tpu.dma_semaphore, #tpu.memory_space<semaphore_mem>> -> memref<1x!tpu.dma_semaphore, #tpu.memory_space<semaphore_mem>>
        %dma_wait3A_2196 = tpu.memref_squeeze %dma_wait3A_2195 : memref<1x!tpu.dma_semaphore, #tpu.memory_space<semaphore_mem>> -> memref<!tpu.dma_semaphore, #tpu.memory_space<semaphore_mem>>
        %dma_wait3A_2197 = arith.constant 0 : i32
        %dma_wait3A_2198 = tpu.memref_slice %arg3[%add3A_2186, %dma_wait3A_2197] : memref<16384x2048xf32, #tpu.memory_space<hbm>> -> memref<16x2048xf32, #tpu.memory_space<hbm>>
        %dma_wait3A_2199 = arith.constant 0 : i32
        %dma_wait3A_2200 = arith.constant 0 : i32
        %dma_wait3A_2201 = tpu.memref_slice %arg4[%dma_wait3A_2187, %dma_wait3A_2199, %dma_wait3A_2200] : memref<2x16x2048xf32, #tpu.memory_space<vmem>> -> memref<1x16x2048xf32, #tpu.memory_space<vmem>>
        %dma_wait3A_2202 = tpu.memref_squeeze %dma_wait3A_2201 : memref<1x16x2048xf32, #tpu.memory_space<vmem>> -> memref<16x2048xf32, #tpu.memory_space<vmem>>
        tpu.wait_dma2 semaphore(%dma_wait3A_2196 : memref<!tpu.dma_semaphore, #tpu.memory_space<semaphore_mem>>) src(%dma_wait3A_2202 : memref<16x2048xf32, #tpu.memory_space<vmem>>) dst(%dma_wait3A_2198 : memref<16x2048xf32, #tpu.memory_space<hbm>>)
        %add3A_2203 = arith.constant 2 : i32
        %add3A_2204 = arith.addi %add3A_82, %add3A_2203 : i32
        %mul3A_2205 = arith.constant 16 : i32
        %mul3A_2206 = arith.muli %add3A_2204, %mul3A_2205 : i32
        %add3A_2207 = arith.addi %mul3A_2, %mul3A_2206 : i32
        %dma_start3A_2208 = arith.constant 0 : i32
        %dma_start3A_2209 = arith.constant 0 : i32
        %dma_start3A_2210 = arith.constant 0 : i32
        %dma_start3A_2211 = arith.constant 0 : i32
        %dma_start3A_2212 = tpu.memref_slice %arg4[%dma_start3A_2208, %dma_start3A_2210, %dma_start3A_2211] : memref<2x16x2048xf32, #tpu.memory_space<vmem>> -> memref<1x16x2048xf32, #tpu.memory_space<vmem>>
        %dma_start3A_2213 = tpu.memref_squeeze %dma_start3A_2212 : memref<1x16x2048xf32, #tpu.memory_space<vmem>> -> memref<16x2048xf32, #tpu.memory_space<vmem>>
        %dma_start3A_2214 = arith.constant 0 : i32
        %dma_start3A_2215 = tpu.memref_slice %arg2[%add3A_2207, %dma_start3A_2214] : memref<16384x2048xf32, #tpu.memory_space<hbm>> -> memref<16x2048xf32, #tpu.memory_space<hbm>>
        %dma_start3A_2216 = tpu.memref_slice %arg5[%dma_start3A_2209] : memref<4x!tpu.dma_semaphore, #tpu.memory_space<semaphore_mem>> -> memref<1x!tpu.dma_semaphore, #tpu.memory_space<semaphore_mem>>
        %dma_start3A_2217 = tpu.memref_squeeze %dma_start3A_2216 : memref<1x!tpu.dma_semaphore, #tpu.memory_space<semaphore_mem>> -> memref<!tpu.dma_semaphore, #tpu.memory_space<semaphore_mem>>
        %dma_start3A_2218 = arith.constant 0 : i32
        %dma_start3A_2219 = arith.constant 0 : i32
        %dma_start3A_2220 = tpu.memref_slice %arg4[%dma_start3A_2208, %dma_start3A_2218, %dma_start3A_2219] : memref<2x16x2048xf32, #tpu.memory_space<vmem>> -> memref<1x16x2048xf32, #tpu.memory_space<vmem>>
        %dma_start3A_2221 = tpu.memref_squeeze %dma_start3A_2220 : memref<1x16x2048xf32, #tpu.memory_space<vmem>> -> memref<16x2048xf32, #tpu.memory_space<vmem>>
        %dma_start3A_2222 = arith.constant 0 : i32
        %dma_start3A_2223 = tpu.memref_slice %arg2[%add3A_2207, %dma_start3A_2222] : memref<16384x2048xf32, #tpu.memory_space<hbm>> -> memref<16x2048xf32, #tpu.memory_space<hbm>>
        tpu.enqueue_dma source(%dma_start3A_2223 : memref<16x2048xf32, #tpu.memory_space<hbm>>) target(%dma_start3A_2221 : memref<16x2048xf32, #tpu.memory_space<vmem>>) target_semaphore(%dma_start3A_2217 : memref<!tpu.dma_semaphore, #tpu.memory_space<semaphore_mem>>)
      } else {
      }
      %mul3A_1127 = arith.constant 2 : i32
      %mul3A_1128 = arith.muli %scan3A_78, %mul3A_1127 : i32
      %add3A_1129 = arith.constant 1 : i32
      %add3A_1130 = arith.addi %mul3A_1128, %add3A_1129 : i32
      %mul3A_1131 = arith.constant 16 : i32
      %mul3A_1132 = arith.muli %add3A_1130, %mul3A_1131 : i32
      %add3A_1133 = arith.addi %mul3A_2, %mul3A_1132 : i32
      %dma_wait3A_1134 = arith.constant 1 : i32
      %dma_wait3A_1135 = arith.constant 1 : i32
      %dma_wait3A_1136 = arith.constant 0 : i32
      %dma_wait3A_1137 = arith.constant 0 : i32
      %dma_wait3A_1138 = tpu.memref_slice %arg4[%dma_wait3A_1134, %dma_wait3A_1136, %dma_wait3A_1137] : memref<2x16x2048xf32, #tpu.memory_space<vmem>> -> memref<1x16x2048xf32, #tpu.memory_space<vmem>>
      %dma_wait3A_1139 = tpu.memref_squeeze %dma_wait3A_1138 : memref<1x16x2048xf32, #tpu.memory_space<vmem>> -> memref<16x2048xf32, #tpu.memory_space<vmem>>
      %dma_wait3A_1140 = arith.constant 0 : i32
      %dma_wait3A_1141 = tpu.memref_slice %arg2[%add3A_1133, %dma_wait3A_1140] : memref<16384x2048xf32, #tpu.memory_space<hbm>> -> memref<16x2048xf32, #tpu.memory_space<hbm>>
      %dma_wait3A_1142 = tpu.memref_slice %arg5[%dma_wait3A_1135] : memref<4x!tpu.dma_semaphore, #tpu.memory_space<semaphore_mem>> -> memref<1x!tpu.dma_semaphore, #tpu.memory_space<semaphore_mem>>
      %dma_wait3A_1143 = tpu.memref_squeeze %dma_wait3A_1142 : memref<1x!tpu.dma_semaphore, #tpu.memory_space<semaphore_mem>> -> memref<!tpu.dma_semaphore, #tpu.memory_space<semaphore_mem>>
      %dma_wait3A_1144 = arith.constant 0 : i32
      %dma_wait3A_1145 = arith.constant 0 : i32
      %dma_wait3A_1146 = tpu.memref_slice %arg4[%dma_wait3A_1134, %dma_wait3A_1144, %dma_wait3A_1145] : memref<2x16x2048xf32, #tpu.memory_space<vmem>> -> memref<1x16x2048xf32, #tpu.memory_space<vmem>>
      %dma_wait3A_1147 = tpu.memref_squeeze %dma_wait3A_1146 : memref<1x16x2048xf32, #tpu.memory_space<vmem>> -> memref<16x2048xf32, #tpu.memory_space<vmem>>
      %dma_wait3A_1148 = arith.constant 0 : i32
      %dma_wait3A_1149 = tpu.memref_slice %arg2[%add3A_1133, %dma_wait3A_1148] : memref<16384x2048xf32, #tpu.memory_space<hbm>> -> memref<16x2048xf32, #tpu.memory_space<hbm>>
      tpu.wait_dma2 semaphore(%dma_wait3A_1143 : memref<!tpu.dma_semaphore, #tpu.memory_space<semaphore_mem>>) src(%dma_wait3A_1149 : memref<16x2048xf32, #tpu.memory_space<hbm>>) dst(%dma_wait3A_1147 : memref<16x2048xf32, #tpu.memory_space<vmem>>)
      %get3A_1150 = arith.constant 1 : i32
      %get3A_1151 = arith.constant 0 : i32
      %get3A_1152 = arith.index_cast %get3A_1150 : i32 to index
      %get3A_1153 = arith.index_cast %get3A_1151 : i32 to index
      %get3A_1154 = arith.constant 160 : index
      %get3A_1155 = tpu.vector_load %arg4[%get3A_1152, %get3A_1153, %get3A_1154] {strides = array<i32>} : memref<2x16x2048xf32, #tpu.memory_space<vmem>>, vector<1x1x16xf32>,
      %get3A_1156 = vector.shape_cast %get3A_1155 : vector<1x1x16xf32> to vector<16xf32>
      %eq3A_1157 = arith.constant 2 : i32
      %eq3A_1158 = vector.broadcast %eq3A_1157 : i32 to vector<16xi32>
      %eq3A_1159 = arith.cmpi eq, %iota3A, %eq3A_1158 : vector<16xi32>
      %jit3A_1160 = arith.constant 0.000000e+00 : f32
      %broadcast_in_dim3A_1161 = vector.broadcast %jit3A_1160 : f32 to vector<16xf32>
      %select_n3A_1162 = arith.select %eq3A_1159, %broadcast_in_dim3A_1161, %get3A_1156 : vector<16xi1>, vector<16xf32>
      %swap3A_1163 = arith.constant 1 : i32
      %swap3A_1164 = arith.constant 0 : i32
      %swap3A_1165 = arith.index_cast %swap3A_1163 : i32 to index
      %swap3A_1166 = arith.index_cast %swap3A_1164 : i32 to index
      %swap3A_1167 = arith.constant 160 : index
      %swap3A_1168 = tpu.vector_load %arg4[%swap3A_1165, %swap3A_1166, %swap3A_1167] {strides = array<i32>} : memref<2x16x2048xf32, #tpu.memory_space<vmem>>, vector<1x1x16xf32>,
      %swap3A_1169 = vector.shape_cast %swap3A_1168 : vector<1x1x16xf32> to vector<16xf32>
      %swap3A_1170 = vector.shape_cast %select_n3A_1162 : vector<16xf32> to vector<1x1x16xf32>
      tpu.vector_store %arg4[%swap3A_1165, %swap3A_1166, %swap3A_1167], %swap3A_1170 {strides = array<i32>} : memref<2x16x2048xf32, #tpu.memory_space<vmem>>, vector<1x1x16xf32>,
      %get3A_1171 = arith.constant 1 : i32
      %get3A_1172 = arith.constant 1 : i32
      %get3A_1173 = arith.index_cast %get3A_1171 : i32 to index
      %get3A_1174 = arith.index_cast %get3A_1172 : i32 to index
      %get3A_1175 = arith.constant 160 : index
      %get3A_1176 = tpu.vector_load %arg4[%get3A_1173, %get3A_1174, %get3A_1175] {strides = array<i32>} : memref<2x16x2048xf32, #tpu.memory_space<vmem>>, vector<1x1x16xf32>,
      %get3A_1177 = vector.shape_cast %get3A_1176 : vector<1x1x16xf32> to vector<16xf32>
      %eq3A_1178 = arith.constant 2 : i32
      %eq3A_1179 = vector.broadcast %eq3A_1178 : i32 to vector<16xi32>
      %eq3A_1180 = arith.cmpi eq, %iota3A, %eq3A_1179 : vector<16xi32>
      %jit3A_1181 = arith.constant 0.000000e+00 : f32
      %broadcast_in_dim3A_1182 = vector.broadcast %jit3A_1181 : f32 to vector<16xf32>
      %select_n3A_1183 = arith.select %eq3A_1180, %broadcast_in_dim3A_1182, %get3A_1177 : vector<16xi1>, vector<16xf32>
      %swap3A_1184 = arith.constant 1 : i32
      %swap3A_1185 = arith.constant 1 : i32
      %swap3A_1186 = arith.index_cast %swap3A_1184 : i32 to index
      %swap3A_1187 = arith.index_cast %swap3A_1185 : i32 to index
      %swap3A_1188 = arith.constant 160 : index
      %swap3A_1189 = tpu.vector_load %arg4[%swap3A_1186, %swap3A_1187, %swap3A_1188] {strides = array<i32>} : memref<2x16x2048xf32, #tpu.memory_space<vmem>>, vector<1x1x16xf32>,
      %swap3A_1190 = vector.shape_cast %swap3A_1189 : vector<1x1x16xf32> to vector<16xf32>
      %swap3A_1191 = vector.shape_cast %select_n3A_1183 : vector<16xf32> to vector<1x1x16xf32>
      tpu.vector_store %arg4[%swap3A_1186, %swap3A_1187, %swap3A_1188], %swap3A_1191 {strides = array<i32>} : memref<2x16x2048xf32, #tpu.memory_space<vmem>>, vector<1x1x16xf32>,
      %get3A_1192 = arith.constant 1 : i32
      %get3A_1193 = arith.constant 2 : i32
      %get3A_1194 = arith.index_cast %get3A_1192 : i32 to index
      %get3A_1195 = arith.index_cast %get3A_1193 : i32 to index
      %get3A_1196 = arith.constant 160 : index
      %get3A_1197 = tpu.vector_load %arg4[%get3A_1194, %get3A_1195, %get3A_1196] {strides = array<i32>} : memref<2x16x2048xf32, #tpu.memory_space<vmem>>, vector<1x1x16xf32>,
      %get3A_1198 = vector.shape_cast %get3A_1197 : vector<1x1x16xf32> to vector<16xf32>
      %eq3A_1199 = arith.constant 2 : i32
      %eq3A_1200 = vector.broadcast %eq3A_1199 : i32 to vector<16xi32>
      %eq3A_1201 = arith.cmpi eq, %iota3A, %eq3A_1200 : vector<16xi32>
      %jit3A_1202 = arith.constant 0.000000e+00 : f32
      %broadcast_in_dim3A_1203 = vector.broadcast %jit3A_1202 : f32 to vector<16xf32>
      %select_n3A_1204 = arith.select %eq3A_1201, %broadcast_in_dim3A_1203, %get3A_1198 : vector<16xi1>, vector<16xf32>
      %swap3A_1205 = arith.constant 1 : i32
      %swap3A_1206 = arith.constant 2 : i32
      %swap3A_1207 = arith.index_cast %swap3A_1205 : i32 to index
      %swap3A_1208 = arith.index_cast %swap3A_1206 : i32 to index
      %swap3A_1209 = arith.constant 160 : index
      %swap3A_1210 = tpu.vector_load %arg4[%swap3A_1207, %swap3A_1208, %swap3A_1209] {strides = array<i32>} : memref<2x16x2048xf32, #tpu.memory_space<vmem>>, vector<1x1x16xf32>,
      %swap3A_1211 = vector.shape_cast %swap3A_1210 : vector<1x1x16xf32> to vector<16xf32>
      %swap3A_1212 = vector.shape_cast %select_n3A_1204 : vector<16xf32> to vector<1x1x16xf32>
      tpu.vector_store %arg4[%swap3A_1207, %swap3A_1208, %swap3A_1209], %swap3A_1212 {strides = array<i32>} : memref<2x16x2048xf32, #tpu.memory_space<vmem>>, vector<1x1x16xf32>,
      %get3A_1213 = arith.constant 1 : i32
      %get3A_1214 = arith.constant 3 : i32
      %get3A_1215 = arith.index_cast %get3A_1213 : i32 to index
      %get3A_1216 = arith.index_cast %get3A_1214 : i32 to index
      %get3A_1217 = arith.constant 160 : index
      %get3A_1218 = tpu.vector_load %arg4[%get3A_1215, %get3A_1216, %get3A_1217] {strides = array<i32>} : memref<2x16x2048xf32, #tpu.memory_space<vmem>>, vector<1x1x16xf32>,
      %get3A_1219 = vector.shape_cast %get3A_1218 : vector<1x1x16xf32> to vector<16xf32>
      %eq3A_1220 = arith.constant 2 : i32
      %eq3A_1221 = vector.broadcast %eq3A_1220 : i32 to vector<16xi32>
      %eq3A_1222 = arith.cmpi eq, %iota3A, %eq3A_1221 : vector<16xi32>
      %jit3A_1223 = arith.constant 0.000000e+00 : f32
      %broadcast_in_dim3A_1224 = vector.broadcast %jit3A_1223 : f32 to vector<16xf32>
      %select_n3A_1225 = arith.select %eq3A_1222, %broadcast_in_dim3A_1224, %get3A_1219 : vector<16xi1>, vector<16xf32>
      %swap3A_1226 = arith.constant 1 : i32
      %swap3A_1227 = arith.constant 3 : i32
      %swap3A_1228 = arith.index_cast %swap3A_1226 : i32 to index
      %swap3A_1229 = arith.index_cast %swap3A_1227 : i32 to index
      %swap3A_1230 = arith.constant 160 : index
      %swap3A_1231 = tpu.vector_load %arg4[%swap3A_1228, %swap3A_1229, %swap3A_1230] {strides = array<i32>} : memref<2x16x2048xf32, #tpu.memory_space<vmem>>, vector<1x1x16xf32>,
      %swap3A_1232 = vector.shape_cast %swap3A_1231 : vector<1x1x16xf32> to vector<16xf32>
      %swap3A_1233 = vector.shape_cast %select_n3A_1225 : vector<16xf32> to vector<1x1x16xf32>
      tpu.vector_store %arg4[%swap3A_1228, %swap3A_1229, %swap3A_1230], %swap3A_1233 {strides = array<i32>} : memref<2x16x2048xf32, #tpu.memory_space<vmem>>, vector<1x1x16xf32>,
      %get3A_1234 = arith.constant 1 : i32
      %get3A_1235 = arith.constant 4 : i32
      %get3A_1236 = arith.index_cast %get3A_1234 : i32 to index
      %get3A_1237 = arith.index_cast %get3A_1235 : i32 to index
      %get3A_1238 = arith.constant 160 : index
      %get3A_1239 = tpu.vector_load %arg4[%get3A_1236, %get3A_1237, %get3A_1238] {strides = array<i32>} : memref<2x16x2048xf32, #tpu.memory_space<vmem>>, vector<1x1x16xf32>,
      %get3A_1240 = vector.shape_cast %get3A_1239 : vector<1x1x16xf32> to vector<16xf32>
      %eq3A_1241 = arith.constant 2 : i32
      %eq3A_1242 = vector.broadcast %eq3A_1241 : i32 to vector<16xi32>
      %eq3A_1243 = arith.cmpi eq, %iota3A, %eq3A_1242 : vector<16xi32>
      %jit3A_1244 = arith.constant 0.000000e+00 : f32
      %broadcast_in_dim3A_1245 = vector.broadcast %jit3A_1244 : f32 to vector<16xf32>
      %select_n3A_1246 = arith.select %eq3A_1243, %broadcast_in_dim3A_1245, %get3A_1240 : vector<16xi1>, vector<16xf32>
      %swap3A_1247 = arith.constant 1 : i32
      %swap3A_1248 = arith.constant 4 : i32
      %swap3A_1249 = arith.index_cast %swap3A_1247 : i32 to index
      %swap3A_1250 = arith.index_cast %swap3A_1248 : i32 to index
      %swap3A_1251 = arith.constant 160 : index
      %swap3A_1252 = tpu.vector_load %arg4[%swap3A_1249, %swap3A_1250, %swap3A_1251] {strides = array<i32>} : memref<2x16x2048xf32, #tpu.memory_space<vmem>>, vector<1x1x16xf32>,
      %swap3A_1253 = vector.shape_cast %swap3A_1252 : vector<1x1x16xf32> to vector<16xf32>
      %swap3A_1254 = vector.shape_cast %select_n3A_1246 : vector<16xf32> to vector<1x1x16xf32>
      tpu.vector_store %arg4[%swap3A_1249, %swap3A_1250, %swap3A_1251], %swap3A_1254 {strides = array<i32>} : memref<2x16x2048xf32, #tpu.memory_space<vmem>>, vector<1x1x16xf32>,
      %get3A_1255 = arith.constant 1 : i32
      %get3A_1256 = arith.constant 5 : i32
      %get3A_1257 = arith.index_cast %get3A_1255 : i32 to index
      %get3A_1258 = arith.index_cast %get3A_1256 : i32 to index
      %get3A_1259 = arith.constant 160 : index
      %get3A_1260 = tpu.vector_load %arg4[%get3A_1257, %get3A_1258, %get3A_1259] {strides = array<i32>} : memref<2x16x2048xf32, #tpu.memory_space<vmem>>, vector<1x1x16xf32>,
      %get3A_1261 = vector.shape_cast %get3A_1260 : vector<1x1x16xf32> to vector<16xf32>
      %eq3A_1262 = arith.constant 2 : i32
      %eq3A_1263 = vector.broadcast %eq3A_1262 : i32 to vector<16xi32>
      %eq3A_1264 = arith.cmpi eq, %iota3A, %eq3A_1263 : vector<16xi32>
      %jit3A_1265 = arith.constant 0.000000e+00 : f32
      %broadcast_in_dim3A_1266 = vector.broadcast %jit3A_1265 : f32 to vector<16xf32>
      %select_n3A_1267 = arith.select %eq3A_1264, %broadcast_in_dim3A_1266, %get3A_1261 : vector<16xi1>, vector<16xf32>
      %swap3A_1268 = arith.constant 1 : i32
      %swap3A_1269 = arith.constant 5 : i32
      %swap3A_1270 = arith.index_cast %swap3A_1268 : i32 to index
      %swap3A_1271 = arith.index_cast %swap3A_1269 : i32 to index
      %swap3A_1272 = arith.constant 160 : index
      %swap3A_1273 = tpu.vector_load %arg4[%swap3A_1270, %swap3A_1271, %swap3A_1272] {strides = array<i32>} : memref<2x16x2048xf32, #tpu.memory_space<vmem>>, vector<1x1x16xf32>,
      %swap3A_1274 = vector.shape_cast %swap3A_1273 : vector<1x1x16xf32> to vector<16xf32>
      %swap3A_1275 = vector.shape_cast %select_n3A_1267 : vector<16xf32> to vector<1x1x16xf32>
      tpu.vector_store %arg4[%swap3A_1270, %swap3A_1271, %swap3A_1272], %swap3A_1275 {strides = array<i32>} : memref<2x16x2048xf32, #tpu.memory_space<vmem>>, vector<1x1x16xf32>,
      %get3A_1276 = arith.constant 1 : i32
      %get3A_1277 = arith.constant 6 : i32
      %get3A_1278 = arith.index_cast %get3A_1276 : i32 to index
      %get3A_1279 = arith.index_cast %get3A_1277 : i32 to index
      %get3A_1280 = arith.constant 160 : index
      %get3A_1281 = tpu.vector_load %arg4[%get3A_1278, %get3A_1279, %get3A_1280] {strides = array<i32>} : memref<2x16x2048xf32, #tpu.memory_space<vmem>>, vector<1x1x16xf32>,
      %get3A_1282 = vector.shape_cast %get3A_1281 : vector<1x1x16xf32> to vector<16xf32>
      %eq3A_1283 = arith.constant 2 : i32
      %eq3A_1284 = vector.broadcast %eq3A_1283 : i32 to vector<16xi32>
      %eq3A_1285 = arith.cmpi eq, %iota3A, %eq3A_1284 : vector<16xi32>
      %jit3A_1286 = arith.constant 0.000000e+00 : f32
      %broadcast_in_dim3A_1287 = vector.broadcast %jit3A_1286 : f32 to vector<16xf32>
      %select_n3A_1288 = arith.select %eq3A_1285, %broadcast_in_dim3A_1287, %get3A_1282 : vector<16xi1>, vector<16xf32>
      %swap3A_1289 = arith.constant 1 : i32
      %swap3A_1290 = arith.constant 6 : i32
      %swap3A_1291 = arith.index_cast %swap3A_1289 : i32 to index
      %swap3A_1292 = arith.index_cast %swap3A_1290 : i32 to index
      %swap3A_1293 = arith.constant 160 : index
      %swap3A_1294 = tpu.vector_load %arg4[%swap3A_1291, %swap3A_1292, %swap3A_1293] {strides = array<i32>} : memref<2x16x2048xf32, #tpu.memory_space<vmem>>, vector<1x1x16xf32>,
      %swap3A_1295 = vector.shape_cast %swap3A_1294 : vector<1x1x16xf32> to vector<16xf32>
      %swap3A_1296 = vector.shape_cast %select_n3A_1288 : vector<16xf32> to vector<1x1x16xf32>
      tpu.vector_store %arg4[%swap3A_1291, %swap3A_1292, %swap3A_1293], %swap3A_1296 {strides = array<i32>} : memref<2x16x2048xf32, #tpu.memory_space<vmem>>, vector<1x1x16xf32>,
      %get3A_1297 = arith.constant 1 : i32
      %get3A_1298 = arith.constant 7 : i32
      %get3A_1299 = arith.index_cast %get3A_1297 : i32 to index
      %get3A_1300 = arith.index_cast %get3A_1298 : i32 to index
      %get3A_1301 = arith.constant 160 : index
      %get3A_1302 = tpu.vector_load %arg4[%get3A_1299, %get3A_1300, %get3A_1301] {strides = array<i32>} : memref<2x16x2048xf32, #tpu.memory_space<vmem>>, vector<1x1x16xf32>,
      %get3A_1303 = vector.shape_cast %get3A_1302 : vector<1x1x16xf32> to vector<16xf32>
      %eq3A_1304 = arith.constant 2 : i32
      %eq3A_1305 = vector.broadcast %eq3A_1304 : i32 to vector<16xi32>
      %eq3A_1306 = arith.cmpi eq, %iota3A, %eq3A_1305 : vector<16xi32>
      %jit3A_1307 = arith.constant 0.000000e+00 : f32
      %broadcast_in_dim3A_1308 = vector.broadcast %jit3A_1307 : f32 to vector<16xf32>
      %select_n3A_1309 = arith.select %eq3A_1306, %broadcast_in_dim3A_1308, %get3A_1303 : vector<16xi1>, vector<16xf32>
      %swap3A_1310 = arith.constant 1 : i32
      %swap3A_1311 = arith.constant 7 : i32
      %swap3A_1312 = arith.index_cast %swap3A_1310 : i32 to index
      %swap3A_1313 = arith.index_cast %swap3A_1311 : i32 to index
      %swap3A_1314 = arith.constant 160 : index
      %swap3A_1315 = tpu.vector_load %arg4[%swap3A_1312, %swap3A_1313, %swap3A_1314] {strides = array<i32>} : memref<2x16x2048xf32, #tpu.memory_space<vmem>>, vector<1x1x16xf32>,
      %swap3A_1316 = vector.shape_cast %swap3A_1315 : vector<1x1x16xf32> to vector<16xf32>
      %swap3A_1317 = vector.shape_cast %select_n3A_1309 : vector<16xf32> to vector<1x1x16xf32>
      tpu.vector_store %arg4[%swap3A_1312, %swap3A_1313, %swap3A_1314], %swap3A_1317 {strides = array<i32>} : memref<2x16x2048xf32, #tpu.memory_space<vmem>>, vector<1x1x16xf32>,
      %get3A_1318 = arith.constant 1 : i32
      %get3A_1319 = arith.constant 8 : i32
      %get3A_1320 = arith.index_cast %get3A_1318 : i32 to index
      %get3A_1321 = arith.index_cast %get3A_1319 : i32 to index
      %get3A_1322 = arith.constant 160 : index
      %get3A_1323 = tpu.vector_load %arg4[%get3A_1320, %get3A_1321, %get3A_1322] {strides = array<i32>} : memref<2x16x2048xf32, #tpu.memory_space<vmem>>, vector<1x1x16xf32>,
      %get3A_1324 = vector.shape_cast %get3A_1323 : vector<1x1x16xf32> to vector<16xf32>
      %eq3A_1325 = arith.constant 2 : i32
      %eq3A_1326 = vector.broadcast %eq3A_1325 : i32 to vector<16xi32>
      %eq3A_1327 = arith.cmpi eq, %iota3A, %eq3A_1326 : vector<16xi32>
      %jit3A_1328 = arith.constant 0.000000e+00 : f32
      %broadcast_in_dim3A_1329 = vector.broadcast %jit3A_1328 : f32 to vector<16xf32>
      %select_n3A_1330 = arith.select %eq3A_1327, %broadcast_in_dim3A_1329, %get3A_1324 : vector<16xi1>, vector<16xf32>
      %swap3A_1331 = arith.constant 1 : i32
      %swap3A_1332 = arith.constant 8 : i32
      %swap3A_1333 = arith.index_cast %swap3A_1331 : i32 to index
      %swap3A_1334 = arith.index_cast %swap3A_1332 : i32 to index
      %swap3A_1335 = arith.constant 160 : index
      %swap3A_1336 = tpu.vector_load %arg4[%swap3A_1333, %swap3A_1334, %swap3A_1335] {strides = array<i32>} : memref<2x16x2048xf32, #tpu.memory_space<vmem>>, vector<1x1x16xf32>,
      %swap3A_1337 = vector.shape_cast %swap3A_1336 : vector<1x1x16xf32> to vector<16xf32>
      %swap3A_1338 = vector.shape_cast %select_n3A_1330 : vector<16xf32> to vector<1x1x16xf32>
      tpu.vector_store %arg4[%swap3A_1333, %swap3A_1334, %swap3A_1335], %swap3A_1338 {strides = array<i32>} : memref<2x16x2048xf32, #tpu.memory_space<vmem>>, vector<1x1x16xf32>,
      %get3A_1339 = arith.constant 1 : i32
      %get3A_1340 = arith.constant 9 : i32
      %get3A_1341 = arith.index_cast %get3A_1339 : i32 to index
      %get3A_1342 = arith.index_cast %get3A_1340 : i32 to index
      %get3A_1343 = arith.constant 160 : index
      %get3A_1344 = tpu.vector_load %arg4[%get3A_1341, %get3A_1342, %get3A_1343] {strides = array<i32>} : memref<2x16x2048xf32, #tpu.memory_space<vmem>>, vector<1x1x16xf32>,
      %get3A_1345 = vector.shape_cast %get3A_1344 : vector<1x1x16xf32> to vector<16xf32>
      %eq3A_1346 = arith.constant 2 : i32
      %eq3A_1347 = vector.broadcast %eq3A_1346 : i32 to vector<16xi32>
      %eq3A_1348 = arith.cmpi eq, %iota3A, %eq3A_1347 : vector<16xi32>
      %jit3A_1349 = arith.constant 0.000000e+00 : f32
      %broadcast_in_dim3A_1350 = vector.broadcast %jit3A_1349 : f32 to vector<16xf32>
      %select_n3A_1351 = arith.select %eq3A_1348, %broadcast_in_dim3A_1350, %get3A_1345 : vector<16xi1>, vector<16xf32>
      %swap3A_1352 = arith.constant 1 : i32
      %swap3A_1353 = arith.constant 9 : i32
      %swap3A_1354 = arith.index_cast %swap3A_1352 : i32 to index
      %swap3A_1355 = arith.index_cast %swap3A_1353 : i32 to index
      %swap3A_1356 = arith.constant 160 : index
      %swap3A_1357 = tpu.vector_load %arg4[%swap3A_1354, %swap3A_1355, %swap3A_1356] {strides = array<i32>} : memref<2x16x2048xf32, #tpu.memory_space<vmem>>, vector<1x1x16xf32>,
      %swap3A_1358 = vector.shape_cast %swap3A_1357 : vector<1x1x16xf32> to vector<16xf32>
      %swap3A_1359 = vector.shape_cast %select_n3A_1351 : vector<16xf32> to vector<1x1x16xf32>
      tpu.vector_store %arg4[%swap3A_1354, %swap3A_1355, %swap3A_1356], %swap3A_1359 {strides = array<i32>} : memref<2x16x2048xf32, #tpu.memory_space<vmem>>, vector<1x1x16xf32>,
      %get3A_1360 = arith.constant 1 : i32
      %get3A_1361 = arith.constant 10 : i32
      %get3A_1362 = arith.index_cast %get3A_1360 : i32 to index
      %get3A_1363 = arith.index_cast %get3A_1361 : i32 to index
      %get3A_1364 = arith.constant 160 : index
      %get3A_1365 = tpu.vector_load %arg4[%get3A_1362, %get3A_1363, %get3A_1364] {strides = array<i32>} : memref<2x16x2048xf32, #tpu.memory_space<vmem>>, vector<1x1x16xf32>,
      %get3A_1366 = vector.shape_cast %get3A_1365 : vector<1x1x16xf32> to vector<16xf32>
      %eq3A_1367 = arith.constant 2 : i32
      %eq3A_1368 = vector.broadcast %eq3A_1367 : i32 to vector<16xi32>
      %eq3A_1369 = arith.cmpi eq, %iota3A, %eq3A_1368 : vector<16xi32>
      %jit3A_1370 = arith.constant 0.000000e+00 : f32
      %broadcast_in_dim3A_1371 = vector.broadcast %jit3A_1370 : f32 to vector<16xf32>
      %select_n3A_1372 = arith.select %eq3A_1369, %broadcast_in_dim3A_1371, %get3A_1366 : vector<16xi1>, vector<16xf32>
      %swap3A_1373 = arith.constant 1 : i32
      %swap3A_1374 = arith.constant 10 : i32
      %swap3A_1375 = arith.index_cast %swap3A_1373 : i32 to index
      %swap3A_1376 = arith.index_cast %swap3A_1374 : i32 to index
      %swap3A_1377 = arith.constant 160 : index
      %swap3A_1378 = tpu.vector_load %arg4[%swap3A_1375, %swap3A_1376, %swap3A_1377] {strides = array<i32>} : memref<2x16x2048xf32, #tpu.memory_space<vmem>>, vector<1x1x16xf32>,
      %swap3A_1379 = vector.shape_cast %swap3A_1378 : vector<1x1x16xf32> to vector<16xf32>
      %swap3A_1380 = vector.shape_cast %select_n3A_1372 : vector<16xf32> to vector<1x1x16xf32>
      tpu.vector_store %arg4[%swap3A_1375, %swap3A_1376, %swap3A_1377], %swap3A_1380 {strides = array<i32>} : memref<2x16x2048xf32, #tpu.memory_space<vmem>>, vector<1x1x16xf32>,
      %get3A_1381 = arith.constant 1 : i32
      %get3A_1382 = arith.constant 11 : i32
      %get3A_1383 = arith.index_cast %get3A_1381 : i32 to index
      %get3A_1384 = arith.index_cast %get3A_1382 : i32 to index
      %get3A_1385 = arith.constant 160 : index
      %get3A_1386 = tpu.vector_load %arg4[%get3A_1383, %get3A_1384, %get3A_1385] {strides = array<i32>} : memref<2x16x2048xf32, #tpu.memory_space<vmem>>, vector<1x1x16xf32>,
      %get3A_1387 = vector.shape_cast %get3A_1386 : vector<1x1x16xf32> to vector<16xf32>
      %eq3A_1388 = arith.constant 2 : i32
      %eq3A_1389 = vector.broadcast %eq3A_1388 : i32 to vector<16xi32>
      %eq3A_1390 = arith.cmpi eq, %iota3A, %eq3A_1389 : vector<16xi32>
      %jit3A_1391 = arith.constant 0.000000e+00 : f32
      %broadcast_in_dim3A_1392 = vector.broadcast %jit3A_1391 : f32 to vector<16xf32>
      %select_n3A_1393 = arith.select %eq3A_1390, %broadcast_in_dim3A_1392, %get3A_1387 : vector<16xi1>, vector<16xf32>
      %swap3A_1394 = arith.constant 1 : i32
      %swap3A_1395 = arith.constant 11 : i32
      %swap3A_1396 = arith.index_cast %swap3A_1394 : i32 to index
      %swap3A_1397 = arith.index_cast %swap3A_1395 : i32 to index
      %swap3A_1398 = arith.constant 160 : index
      %swap3A_1399 = tpu.vector_load %arg4[%swap3A_1396, %swap3A_1397, %swap3A_1398] {strides = array<i32>} : memref<2x16x2048xf32, #tpu.memory_space<vmem>>, vector<1x1x16xf32>,
      %swap3A_1400 = vector.shape_cast %swap3A_1399 : vector<1x1x16xf32> to vector<16xf32>
      %swap3A_1401 = vector.shape_cast %select_n3A_1393 : vector<16xf32> to vector<1x1x16xf32>
      tpu.vector_store %arg4[%swap3A_1396, %swap3A_1397, %swap3A_1398], %swap3A_1401 {strides = array<i32>} : memref<2x16x2048xf32, #tpu.memory_space<vmem>>, vector<1x1x16xf32>,
      %get3A_1402 = arith.constant 1 : i32
      %get3A_1403 = arith.constant 12 : i32
      %get3A_1404 = arith.index_cast %get3A_1402 : i32 to index
      %get3A_1405 = arith.index_cast %get3A_1403 : i32 to index
      %get3A_1406 = arith.constant 160 : index
      %get3A_1407 = tpu.vector_load %arg4[%get3A_1404, %get3A_1405, %get3A_1406] {strides = array<i32>} : memref<2x16x2048xf32, #tpu.memory_space<vmem>>, vector<1x1x16xf32>,
      %get3A_1408 = vector.shape_cast %get3A_1407 : vector<1x1x16xf32> to vector<16xf32>
      %eq3A_1409 = arith.constant 2 : i32
      %eq3A_1410 = vector.broadcast %eq3A_1409 : i32 to vector<16xi32>
      %eq3A_1411 = arith.cmpi eq, %iota3A, %eq3A_1410 : vector<16xi32>
      %jit3A_1412 = arith.constant 0.000000e+00 : f32
      %broadcast_in_dim3A_1413 = vector.broadcast %jit3A_1412 : f32 to vector<16xf32>
      %select_n3A_1414 = arith.select %eq3A_1411, %broadcast_in_dim3A_1413, %get3A_1408 : vector<16xi1>, vector<16xf32>
      %swap3A_1415 = arith.constant 1 : i32
      %swap3A_1416 = arith.constant 12 : i32
      %swap3A_1417 = arith.index_cast %swap3A_1415 : i32 to index
      %swap3A_1418 = arith.index_cast %swap3A_1416 : i32 to index
      %swap3A_1419 = arith.constant 160 : index
      %swap3A_1420 = tpu.vector_load %arg4[%swap3A_1417, %swap3A_1418, %swap3A_1419] {strides = array<i32>} : memref<2x16x2048xf32, #tpu.memory_space<vmem>>, vector<1x1x16xf32>,
      %swap3A_1421 = vector.shape_cast %swap3A_1420 : vector<1x1x16xf32> to vector<16xf32>
      %swap3A_1422 = vector.shape_cast %select_n3A_1414 : vector<16xf32> to vector<1x1x16xf32>
      tpu.vector_store %arg4[%swap3A_1417, %swap3A_1418, %swap3A_1419], %swap3A_1422 {strides = array<i32>} : memref<2x16x2048xf32, #tpu.memory_space<vmem>>, vector<1x1x16xf32>,
      %get3A_1423 = arith.constant 1 : i32
      %get3A_1424 = arith.constant 13 : i32
      %get3A_1425 = arith.index_cast %get3A_1423 : i32 to index
      %get3A_1426 = arith.index_cast %get3A_1424 : i32 to index
      %get3A_1427 = arith.constant 160 : index
      %get3A_1428 = tpu.vector_load %arg4[%get3A_1425, %get3A_1426, %get3A_1427] {strides = array<i32>} : memref<2x16x2048xf32, #tpu.memory_space<vmem>>, vector<1x1x16xf32>,
      %get3A_1429 = vector.shape_cast %get3A_1428 : vector<1x1x16xf32> to vector<16xf32>
      %eq3A_1430 = arith.constant 2 : i32
      %eq3A_1431 = vector.broadcast %eq3A_1430 : i32 to vector<16xi32>
      %eq3A_1432 = arith.cmpi eq, %iota3A, %eq3A_1431 : vector<16xi32>
      %jit3A_1433 = arith.constant 0.000000e+00 : f32
      %broadcast_in_dim3A_1434 = vector.broadcast %jit3A_1433 : f32 to vector<16xf32>
      %select_n3A_1435 = arith.select %eq3A_1432, %broadcast_in_dim3A_1434, %get3A_1429 : vector<16xi1>, vector<16xf32>
      %swap3A_1436 = arith.constant 1 : i32
      %swap3A_1437 = arith.constant 13 : i32
      %swap3A_1438 = arith.index_cast %swap3A_1436 : i32 to index
      %swap3A_1439 = arith.index_cast %swap3A_1437 : i32 to index
      %swap3A_1440 = arith.constant 160 : index
      %swap3A_1441 = tpu.vector_load %arg4[%swap3A_1438, %swap3A_1439, %swap3A_1440] {strides = array<i32>} : memref<2x16x2048xf32, #tpu.memory_space<vmem>>, vector<1x1x16xf32>,
      %swap3A_1442 = vector.shape_cast %swap3A_1441 : vector<1x1x16xf32> to vector<16xf32>
      %swap3A_1443 = vector.shape_cast %select_n3A_1435 : vector<16xf32> to vector<1x1x16xf32>
      tpu.vector_store %arg4[%swap3A_1438, %swap3A_1439, %swap3A_1440], %swap3A_1443 {strides = array<i32>} : memref<2x16x2048xf32, #tpu.memory_space<vmem>>, vector<1x1x16xf32>,
      %get3A_1444 = arith.constant 1 : i32
      %get3A_1445 = arith.constant 14 : i32
      %get3A_1446 = arith.index_cast %get3A_1444 : i32 to index
      %get3A_1447 = arith.index_cast %get3A_1445 : i32 to index
      %get3A_1448 = arith.constant 160 : index
      %get3A_1449 = tpu.vector_load %arg4[%get3A_1446, %get3A_1447, %get3A_1448] {strides = array<i32>} : memref<2x16x2048xf32, #tpu.memory_space<vmem>>, vector<1x1x16xf32>,
      %get3A_1450 = vector.shape_cast %get3A_1449 : vector<1x1x16xf32> to vector<16xf32>
      %eq3A_1451 = arith.constant 2 : i32
      %eq3A_1452 = vector.broadcast %eq3A_1451 : i32 to vector<16xi32>
      %eq3A_1453 = arith.cmpi eq, %iota3A, %eq3A_1452 : vector<16xi32>
      %jit3A_1454 = arith.constant 0.000000e+00 : f32
      %broadcast_in_dim3A_1455 = vector.broadcast %jit3A_1454 : f32 to vector<16xf32>
      %select_n3A_1456 = arith.select %eq3A_1453, %broadcast_in_dim3A_1455, %get3A_1450 : vector<16xi1>, vector<16xf32>
      %swap3A_1457 = arith.constant 1 : i32
      %swap3A_1458 = arith.constant 14 : i32
      %swap3A_1459 = arith.index_cast %swap3A_1457 : i32 to index
      %swap3A_1460 = arith.index_cast %swap3A_1458 : i32 to index
      %swap3A_1461 = arith.constant 160 : index
      %swap3A_1462 = tpu.vector_load %arg4[%swap3A_1459, %swap3A_1460, %swap3A_1461] {strides = array<i32>} : memref<2x16x2048xf32, #tpu.memory_space<vmem>>, vector<1x1x16xf32>,
      %swap3A_1463 = vector.shape_cast %swap3A_1462 : vector<1x1x16xf32> to vector<16xf32>
      %swap3A_1464 = vector.shape_cast %select_n3A_1456 : vector<16xf32> to vector<1x1x16xf32>
      tpu.vector_store %arg4[%swap3A_1459, %swap3A_1460, %swap3A_1461], %swap3A_1464 {strides = array<i32>} : memref<2x16x2048xf32, #tpu.memory_space<vmem>>, vector<1x1x16xf32>,
      %get3A_1465 = arith.constant 1 : i32
      %get3A_1466 = arith.constant 15 : i32
      %get3A_1467 = arith.index_cast %get3A_1465 : i32 to index
      %get3A_1468 = arith.index_cast %get3A_1466 : i32 to index
      %get3A_1469 = arith.constant 160 : index
      %get3A_1470 = tpu.vector_load %arg4[%get3A_1467, %get3A_1468, %get3A_1469] {strides = array<i32>} : memref<2x16x2048xf32, #tpu.memory_space<vmem>>, vector<1x1x16xf32>,
      %get3A_1471 = vector.shape_cast %get3A_1470 : vector<1x1x16xf32> to vector<16xf32>
      %eq3A_1472 = arith.constant 2 : i32
      %eq3A_1473 = vector.broadcast %eq3A_1472 : i32 to vector<16xi32>
      %eq3A_1474 = arith.cmpi eq, %iota3A, %eq3A_1473 : vector<16xi32>
      %jit3A_1475 = arith.constant 0.000000e+00 : f32
      %broadcast_in_dim3A_1476 = vector.broadcast %jit3A_1475 : f32 to vector<16xf32>
      %select_n3A_1477 = arith.select %eq3A_1474, %broadcast_in_dim3A_1476, %get3A_1471 : vector<16xi1>, vector<16xf32>
      %swap3A_1478 = arith.constant 1 : i32
      %swap3A_1479 = arith.constant 15 : i32
      %swap3A_1480 = arith.index_cast %swap3A_1478 : i32 to index
      %swap3A_1481 = arith.index_cast %swap3A_1479 : i32 to index
      %swap3A_1482 = arith.constant 160 : index
      %swap3A_1483 = tpu.vector_load %arg4[%swap3A_1480, %swap3A_1481, %swap3A_1482] {strides = array<i32>} : memref<2x16x2048xf32, #tpu.memory_space<vmem>>, vector<1x1x16xf32>,
      %swap3A_1484 = vector.shape_cast %swap3A_1483 : vector<1x1x16xf32> to vector<16xf32>
      %swap3A_1485 = vector.shape_cast %select_n3A_1477 : vector<16xf32> to vector<1x1x16xf32>
      tpu.vector_store %arg4[%swap3A_1480, %swap3A_1481, %swap3A_1482], %swap3A_1485 {strides = array<i32>} : memref<2x16x2048xf32, #tpu.memory_space<vmem>>, vector<1x1x16xf32>,
      %get3A_1486 = arith.constant 1 : i32
      %get3A_1487 = arith.constant 0 : i32
      %get3A_1488 = arith.index_cast %get3A_1486 : i32 to index
      %get3A_1489 = arith.index_cast %get3A_1487 : i32 to index
      %get3A_1490 = arith.constant 1088 : index
      %get3A_1491 = tpu.vector_load %arg4[%get3A_1488, %get3A_1489, %get3A_1490] {strides = array<i32>} : memref<2x16x2048xf32, #tpu.memory_space<vmem>>, vector<1x1x16xf32>,
      %get3A_1492 = vector.shape_cast %get3A_1491 : vector<1x1x16xf32> to vector<16xf32>
      %eq3A_1493 = arith.constant 10 : i32
      %eq3A_1494 = vector.broadcast %eq3A_1493 : i32 to vector<16xi32>
      %eq3A_1495 = arith.cmpi eq, %iota3A, %eq3A_1494 : vector<16xi32>
      %jit3A_1496 = arith.constant 0.000000e+00 : f32
      %broadcast_in_dim3A_1497 = vector.broadcast %jit3A_1496 : f32 to vector<16xf32>
      %select_n3A_1498 = arith.select %eq3A_1495, %broadcast_in_dim3A_1497, %get3A_1492 : vector<16xi1>, vector<16xf32>
      %swap3A_1499 = arith.constant 1 : i32
      %swap3A_1500 = arith.constant 0 : i32
      %swap3A_1501 = arith.index_cast %swap3A_1499 : i32 to index
      %swap3A_1502 = arith.index_cast %swap3A_1500 : i32 to index
      %swap3A_1503 = arith.constant 1088 : index
      %swap3A_1504 = tpu.vector_load %arg4[%swap3A_1501, %swap3A_1502, %swap3A_1503] {strides = array<i32>} : memref<2x16x2048xf32, #tpu.memory_space<vmem>>, vector<1x1x16xf32>,
      %swap3A_1505 = vector.shape_cast %swap3A_1504 : vector<1x1x16xf32> to vector<16xf32>
      %swap3A_1506 = vector.shape_cast %select_n3A_1498 : vector<16xf32> to vector<1x1x16xf32>
      tpu.vector_store %arg4[%swap3A_1501, %swap3A_1502, %swap3A_1503], %swap3A_1506 {strides = array<i32>} : memref<2x16x2048xf32, #tpu.memory_space<vmem>>, vector<1x1x16xf32>,
      %get3A_1507 = arith.constant 1 : i32
      %get3A_1508 = arith.constant 1 : i32
      %get3A_1509 = arith.index_cast %get3A_1507 : i32 to index
      %get3A_1510 = arith.index_cast %get3A_1508 : i32 to index
      %get3A_1511 = arith.constant 1088 : index
      %get3A_1512 = tpu.vector_load %arg4[%get3A_1509, %get3A_1510, %get3A_1511] {strides = array<i32>} : memref<2x16x2048xf32, #tpu.memory_space<vmem>>, vector<1x1x16xf32>,
      %get3A_1513 = vector.shape_cast %get3A_1512 : vector<1x1x16xf32> to vector<16xf32>
      %eq3A_1514 = arith.constant 10 : i32
      %eq3A_1515 = vector.broadcast %eq3A_1514 : i32 to vector<16xi32>
      %eq3A_1516 = arith.cmpi eq, %iota3A, %eq3A_1515 : vector<16xi32>
      %jit3A_1517 = arith.constant 0.000000e+00 : f32
      %broadcast_in_dim3A_1518 = vector.broadcast %jit3A_1517 : f32 to vector<16xf32>
      %select_n3A_1519 = arith.select %eq3A_1516, %broadcast_in_dim3A_1518, %get3A_1513 : vector<16xi1>, vector<16xf32>
      %swap3A_1520 = arith.constant 1 : i32
      %swap3A_1521 = arith.constant 1 : i32
      %swap3A_1522 = arith.index_cast %swap3A_1520 : i32 to index
      %swap3A_1523 = arith.index_cast %swap3A_1521 : i32 to index
      %swap3A_1524 = arith.constant 1088 : index
      %swap3A_1525 = tpu.vector_load %arg4[%swap3A_1522, %swap3A_1523, %swap3A_1524] {strides = array<i32>} : memref<2x16x2048xf32, #tpu.memory_space<vmem>>, vector<1x1x16xf32>,
      %swap3A_1526 = vector.shape_cast %swap3A_1525 : vector<1x1x16xf32> to vector<16xf32>
      %swap3A_1527 = vector.shape_cast %select_n3A_1519 : vector<16xf32> to vector<1x1x16xf32>
      tpu.vector_store %arg4[%swap3A_1522, %swap3A_1523, %swap3A_1524], %swap3A_1527 {strides = array<i32>} : memref<2x16x2048xf32, #tpu.memory_space<vmem>>, vector<1x1x16xf32>,
      %get3A_1528 = arith.constant 1 : i32
      %get3A_1529 = arith.constant 2 : i32
      %get3A_1530 = arith.index_cast %get3A_1528 : i32 to index
      %get3A_1531 = arith.index_cast %get3A_1529 : i32 to index
      %get3A_1532 = arith.constant 1088 : index
      %get3A_1533 = tpu.vector_load %arg4[%get3A_1530, %get3A_1531, %get3A_1532] {strides = array<i32>} : memref<2x16x2048xf32, #tpu.memory_space<vmem>>, vector<1x1x16xf32>,
      %get3A_1534 = vector.shape_cast %get3A_1533 : vector<1x1x16xf32> to vector<16xf32>
      %eq3A_1535 = arith.constant 10 : i32
      %eq3A_1536 = vector.broadcast %eq3A_1535 : i32 to vector<16xi32>
      %eq3A_1537 = arith.cmpi eq, %iota3A, %eq3A_1536 : vector<16xi32>
      %jit3A_1538 = arith.constant 0.000000e+00 : f32
      %broadcast_in_dim3A_1539 = vector.broadcast %jit3A_1538 : f32 to vector<16xf32>
      %select_n3A_1540 = arith.select %eq3A_1537, %broadcast_in_dim3A_1539, %get3A_1534 : vector<16xi1>, vector<16xf32>
      %swap3A_1541 = arith.constant 1 : i32
      %swap3A_1542 = arith.constant 2 : i32
      %swap3A_1543 = arith.index_cast %swap3A_1541 : i32 to index
      %swap3A_1544 = arith.index_cast %swap3A_1542 : i32 to index
      %swap3A_1545 = arith.constant 1088 : index
      %swap3A_1546 = tpu.vector_load %arg4[%swap3A_1543, %swap3A_1544, %swap3A_1545] {strides = array<i32>} : memref<2x16x2048xf32, #tpu.memory_space<vmem>>, vector<1x1x16xf32>,
      %swap3A_1547 = vector.shape_cast %swap3A_1546 : vector<1x1x16xf32> to vector<16xf32>
      %swap3A_1548 = vector.shape_cast %select_n3A_1540 : vector<16xf32> to vector<1x1x16xf32>
      tpu.vector_store %arg4[%swap3A_1543, %swap3A_1544, %swap3A_1545], %swap3A_1548 {strides = array<i32>} : memref<2x16x2048xf32, #tpu.memory_space<vmem>>, vector<1x1x16xf32>,
      %get3A_1549 = arith.constant 1 : i32
      %get3A_1550 = arith.constant 3 : i32
      %get3A_1551 = arith.index_cast %get3A_1549 : i32 to index
      %get3A_1552 = arith.index_cast %get3A_1550 : i32 to index
      %get3A_1553 = arith.constant 1088 : index
      %get3A_1554 = tpu.vector_load %arg4[%get3A_1551, %get3A_1552, %get3A_1553] {strides = array<i32>} : memref<2x16x2048xf32, #tpu.memory_space<vmem>>, vector<1x1x16xf32>,
      %get3A_1555 = vector.shape_cast %get3A_1554 : vector<1x1x16xf32> to vector<16xf32>
      %eq3A_1556 = arith.constant 10 : i32
      %eq3A_1557 = vector.broadcast %eq3A_1556 : i32 to vector<16xi32>
      %eq3A_1558 = arith.cmpi eq, %iota3A, %eq3A_1557 : vector<16xi32>
      %jit3A_1559 = arith.constant 0.000000e+00 : f32
      %broadcast_in_dim3A_1560 = vector.broadcast %jit3A_1559 : f32 to vector<16xf32>
      %select_n3A_1561 = arith.select %eq3A_1558, %broadcast_in_dim3A_1560, %get3A_1555 : vector<16xi1>, vector<16xf32>
      %swap3A_1562 = arith.constant 1 : i32
      %swap3A_1563 = arith.constant 3 : i32
      %swap3A_1564 = arith.index_cast %swap3A_1562 : i32 to index
      %swap3A_1565 = arith.index_cast %swap3A_1563 : i32 to index
      %swap3A_1566 = arith.constant 1088 : index
      %swap3A_1567 = tpu.vector_load %arg4[%swap3A_1564, %swap3A_1565, %swap3A_1566] {strides = array<i32>} : memref<2x16x2048xf32, #tpu.memory_space<vmem>>, vector<1x1x16xf32>,
      %swap3A_1568 = vector.shape_cast %swap3A_1567 : vector<1x1x16xf32> to vector<16xf32>
      %swap3A_1569 = vector.shape_cast %select_n3A_1561 : vector<16xf32> to vector<1x1x16xf32>
      tpu.vector_store %arg4[%swap3A_1564, %swap3A_1565, %swap3A_1566], %swap3A_1569 {strides = array<i32>} : memref<2x16x2048xf32, #tpu.memory_space<vmem>>, vector<1x1x16xf32>,
      %get3A_1570 = arith.constant 1 : i32
      %get3A_1571 = arith.constant 4 : i32
      %get3A_1572 = arith.index_cast %get3A_1570 : i32 to index
      %get3A_1573 = arith.index_cast %get3A_1571 : i32 to index
      %get3A_1574 = arith.constant 1088 : index
      %get3A_1575 = tpu.vector_load %arg4[%get3A_1572, %get3A_1573, %get3A_1574] {strides = array<i32>} : memref<2x16x2048xf32, #tpu.memory_space<vmem>>, vector<1x1x16xf32>,
      %get3A_1576 = vector.shape_cast %get3A_1575 : vector<1x1x16xf32> to vector<16xf32>
      %eq3A_1577 = arith.constant 10 : i32
      %eq3A_1578 = vector.broadcast %eq3A_1577 : i32 to vector<16xi32>
      %eq3A_1579 = arith.cmpi eq, %iota3A, %eq3A_1578 : vector<16xi32>
      %jit3A_1580 = arith.constant 0.000000e+00 : f32
      %broadcast_in_dim3A_1581 = vector.broadcast %jit3A_1580 : f32 to vector<16xf32>
      %select_n3A_1582 = arith.select %eq3A_1579, %broadcast_in_dim3A_1581, %get3A_1576 : vector<16xi1>, vector<16xf32>
      %swap3A_1583 = arith.constant 1 : i32
      %swap3A_1584 = arith.constant 4 : i32
      %swap3A_1585 = arith.index_cast %swap3A_1583 : i32 to index
      %swap3A_1586 = arith.index_cast %swap3A_1584 : i32 to index
      %swap3A_1587 = arith.constant 1088 : index
      %swap3A_1588 = tpu.vector_load %arg4[%swap3A_1585, %swap3A_1586, %swap3A_1587] {strides = array<i32>} : memref<2x16x2048xf32, #tpu.memory_space<vmem>>, vector<1x1x16xf32>,
      %swap3A_1589 = vector.shape_cast %swap3A_1588 : vector<1x1x16xf32> to vector<16xf32>
      %swap3A_1590 = vector.shape_cast %select_n3A_1582 : vector<16xf32> to vector<1x1x16xf32>
      tpu.vector_store %arg4[%swap3A_1585, %swap3A_1586, %swap3A_1587], %swap3A_1590 {strides = array<i32>} : memref<2x16x2048xf32, #tpu.memory_space<vmem>>, vector<1x1x16xf32>,
      %get3A_1591 = arith.constant 1 : i32
      %get3A_1592 = arith.constant 5 : i32
      %get3A_1593 = arith.index_cast %get3A_1591 : i32 to index
      %get3A_1594 = arith.index_cast %get3A_1592 : i32 to index
      %get3A_1595 = arith.constant 1088 : index
      %get3A_1596 = tpu.vector_load %arg4[%get3A_1593, %get3A_1594, %get3A_1595] {strides = array<i32>} : memref<2x16x2048xf32, #tpu.memory_space<vmem>>, vector<1x1x16xf32>,
      %get3A_1597 = vector.shape_cast %get3A_1596 : vector<1x1x16xf32> to vector<16xf32>
      %eq3A_1598 = arith.constant 10 : i32
      %eq3A_1599 = vector.broadcast %eq3A_1598 : i32 to vector<16xi32>
      %eq3A_1600 = arith.cmpi eq, %iota3A, %eq3A_1599 : vector<16xi32>
      %jit3A_1601 = arith.constant 0.000000e+00 : f32
      %broadcast_in_dim3A_1602 = vector.broadcast %jit3A_1601 : f32 to vector<16xf32>
      %select_n3A_1603 = arith.select %eq3A_1600, %broadcast_in_dim3A_1602, %get3A_1597 : vector<16xi1>, vector<16xf32>
      %swap3A_1604 = arith.constant 1 : i32
      %swap3A_1605 = arith.constant 5 : i32
      %swap3A_1606 = arith.index_cast %swap3A_1604 : i32 to index
      %swap3A_1607 = arith.index_cast %swap3A_1605 : i32 to index
      %swap3A_1608 = arith.constant 1088 : index
      %swap3A_1609 = tpu.vector_load %arg4[%swap3A_1606, %swap3A_1607, %swap3A_1608] {strides = array<i32>} : memref<2x16x2048xf32, #tpu.memory_space<vmem>>, vector<1x1x16xf32>,
      %swap3A_1610 = vector.shape_cast %swap3A_1609 : vector<1x1x16xf32> to vector<16xf32>
      %swap3A_1611 = vector.shape_cast %select_n3A_1603 : vector<16xf32> to vector<1x1x16xf32>
      tpu.vector_store %arg4[%swap3A_1606, %swap3A_1607, %swap3A_1608], %swap3A_1611 {strides = array<i32>} : memref<2x16x2048xf32, #tpu.memory_space<vmem>>, vector<1x1x16xf32>,
      %get3A_1612 = arith.constant 1 : i32
      %get3A_1613 = arith.constant 6 : i32
      %get3A_1614 = arith.index_cast %get3A_1612 : i32 to index
      %get3A_1615 = arith.index_cast %get3A_1613 : i32 to index
      %get3A_1616 = arith.constant 1088 : index
      %get3A_1617 = tpu.vector_load %arg4[%get3A_1614, %get3A_1615, %get3A_1616] {strides = array<i32>} : memref<2x16x2048xf32, #tpu.memory_space<vmem>>, vector<1x1x16xf32>,
      %get3A_1618 = vector.shape_cast %get3A_1617 : vector<1x1x16xf32> to vector<16xf32>
      %eq3A_1619 = arith.constant 10 : i32
      %eq3A_1620 = vector.broadcast %eq3A_1619 : i32 to vector<16xi32>
      %eq3A_1621 = arith.cmpi eq, %iota3A, %eq3A_1620 : vector<16xi32>
      %jit3A_1622 = arith.constant 0.000000e+00 : f32
      %broadcast_in_dim3A_1623 = vector.broadcast %jit3A_1622 : f32 to vector<16xf32>
      %select_n3A_1624 = arith.select %eq3A_1621, %broadcast_in_dim3A_1623, %get3A_1618 : vector<16xi1>, vector<16xf32>
      %swap3A_1625 = arith.constant 1 : i32
      %swap3A_1626 = arith.constant 6 : i32
      %swap3A_1627 = arith.index_cast %swap3A_1625 : i32 to index
      %swap3A_1628 = arith.index_cast %swap3A_1626 : i32 to index
      %swap3A_1629 = arith.constant 1088 : index
      %swap3A_1630 = tpu.vector_load %arg4[%swap3A_1627, %swap3A_1628, %swap3A_1629] {strides = array<i32>} : memref<2x16x2048xf32, #tpu.memory_space<vmem>>, vector<1x1x16xf32>,
      %swap3A_1631 = vector.shape_cast %swap3A_1630 : vector<1x1x16xf32> to vector<16xf32>
      %swap3A_1632 = vector.shape_cast %select_n3A_1624 : vector<16xf32> to vector<1x1x16xf32>
      tpu.vector_store %arg4[%swap3A_1627, %swap3A_1628, %swap3A_1629], %swap3A_1632 {strides = array<i32>} : memref<2x16x2048xf32, #tpu.memory_space<vmem>>, vector<1x1x16xf32>,
      %get3A_1633 = arith.constant 1 : i32
      %get3A_1634 = arith.constant 7 : i32
      %get3A_1635 = arith.index_cast %get3A_1633 : i32 to index
      %get3A_1636 = arith.index_cast %get3A_1634 : i32 to index
      %get3A_1637 = arith.constant 1088 : index
      %get3A_1638 = tpu.vector_load %arg4[%get3A_1635, %get3A_1636, %get3A_1637] {strides = array<i32>} : memref<2x16x2048xf32, #tpu.memory_space<vmem>>, vector<1x1x16xf32>,
      %get3A_1639 = vector.shape_cast %get3A_1638 : vector<1x1x16xf32> to vector<16xf32>
      %eq3A_1640 = arith.constant 10 : i32
      %eq3A_1641 = vector.broadcast %eq3A_1640 : i32 to vector<16xi32>
      %eq3A_1642 = arith.cmpi eq, %iota3A, %eq3A_1641 : vector<16xi32>
      %jit3A_1643 = arith.constant 0.000000e+00 : f32
      %broadcast_in_dim3A_1644 = vector.broadcast %jit3A_1643 : f32 to vector<16xf32>
      %select_n3A_1645 = arith.select %eq3A_1642, %broadcast_in_dim3A_1644, %get3A_1639 : vector<16xi1>, vector<16xf32>
      %swap3A_1646 = arith.constant 1 : i32
      %swap3A_1647 = arith.constant 7 : i32
      %swap3A_1648 = arith.index_cast %swap3A_1646 : i32 to index
      %swap3A_1649 = arith.index_cast %swap3A_1647 : i32 to index
      %swap3A_1650 = arith.constant 1088 : index
      %swap3A_1651 = tpu.vector_load %arg4[%swap3A_1648, %swap3A_1649, %swap3A_1650] {strides = array<i32>} : memref<2x16x2048xf32, #tpu.memory_space<vmem>>, vector<1x1x16xf32>,
      %swap3A_1652 = vector.shape_cast %swap3A_1651 : vector<1x1x16xf32> to vector<16xf32>
      %swap3A_1653 = vector.shape_cast %select_n3A_1645 : vector<16xf32> to vector<1x1x16xf32>
      tpu.vector_store %arg4[%swap3A_1648, %swap3A_1649, %swap3A_1650], %swap3A_1653 {strides = array<i32>} : memref<2x16x2048xf32, #tpu.memory_space<vmem>>, vector<1x1x16xf32>,
      %get3A_1654 = arith.constant 1 : i32
      %get3A_1655 = arith.constant 8 : i32
      %get3A_1656 = arith.index_cast %get3A_1654 : i32 to index
      %get3A_1657 = arith.index_cast %get3A_1655 : i32 to index
      %get3A_1658 = arith.constant 1088 : index
      %get3A_1659 = tpu.vector_load %arg4[%get3A_1656, %get3A_1657, %get3A_1658] {strides = array<i32>} : memref<2x16x2048xf32, #tpu.memory_space<vmem>>, vector<1x1x16xf32>,
      %get3A_1660 = vector.shape_cast %get3A_1659 : vector<1x1x16xf32> to vector<16xf32>
      %eq3A_1661 = arith.constant 10 : i32
      %eq3A_1662 = vector.broadcast %eq3A_1661 : i32 to vector<16xi32>
      %eq3A_1663 = arith.cmpi eq, %iota3A, %eq3A_1662 : vector<16xi32>
      %jit3A_1664 = arith.constant 0.000000e+00 : f32
      %broadcast_in_dim3A_1665 = vector.broadcast %jit3A_1664 : f32 to vector<16xf32>
      %select_n3A_1666 = arith.select %eq3A_1663, %broadcast_in_dim3A_1665, %get3A_1660 : vector<16xi1>, vector<16xf32>
      %swap3A_1667 = arith.constant 1 : i32
      %swap3A_1668 = arith.constant 8 : i32
      %swap3A_1669 = arith.index_cast %swap3A_1667 : i32 to index
      %swap3A_1670 = arith.index_cast %swap3A_1668 : i32 to index
      %swap3A_1671 = arith.constant 1088 : index
      %swap3A_1672 = tpu.vector_load %arg4[%swap3A_1669, %swap3A_1670, %swap3A_1671] {strides = array<i32>} : memref<2x16x2048xf32, #tpu.memory_space<vmem>>, vector<1x1x16xf32>,
      %swap3A_1673 = vector.shape_cast %swap3A_1672 : vector<1x1x16xf32> to vector<16xf32>
      %swap3A_1674 = vector.shape_cast %select_n3A_1666 : vector<16xf32> to vector<1x1x16xf32>
      tpu.vector_store %arg4[%swap3A_1669, %swap3A_1670, %swap3A_1671], %swap3A_1674 {strides = array<i32>} : memref<2x16x2048xf32, #tpu.memory_space<vmem>>, vector<1x1x16xf32>,
      %get3A_1675 = arith.constant 1 : i32
      %get3A_1676 = arith.constant 9 : i32
      %get3A_1677 = arith.index_cast %get3A_1675 : i32 to index
      %get3A_1678 = arith.index_cast %get3A_1676 : i32 to index
      %get3A_1679 = arith.constant 1088 : index
      %get3A_1680 = tpu.vector_load %arg4[%get3A_1677, %get3A_1678, %get3A_1679] {strides = array<i32>} : memref<2x16x2048xf32, #tpu.memory_space<vmem>>, vector<1x1x16xf32>,
      %get3A_1681 = vector.shape_cast %get3A_1680 : vector<1x1x16xf32> to vector<16xf32>
      %eq3A_1682 = arith.constant 10 : i32
      %eq3A_1683 = vector.broadcast %eq3A_1682 : i32 to vector<16xi32>
      %eq3A_1684 = arith.cmpi eq, %iota3A, %eq3A_1683 : vector<16xi32>
      %jit3A_1685 = arith.constant 0.000000e+00 : f32
      %broadcast_in_dim3A_1686 = vector.broadcast %jit3A_1685 : f32 to vector<16xf32>
      %select_n3A_1687 = arith.select %eq3A_1684, %broadcast_in_dim3A_1686, %get3A_1681 : vector<16xi1>, vector<16xf32>
      %swap3A_1688 = arith.constant 1 : i32
      %swap3A_1689 = arith.constant 9 : i32
      %swap3A_1690 = arith.index_cast %swap3A_1688 : i32 to index
      %swap3A_1691 = arith.index_cast %swap3A_1689 : i32 to index
      %swap3A_1692 = arith.constant 1088 : index
      %swap3A_1693 = tpu.vector_load %arg4[%swap3A_1690, %swap3A_1691, %swap3A_1692] {strides = array<i32>} : memref<2x16x2048xf32, #tpu.memory_space<vmem>>, vector<1x1x16xf32>,
      %swap3A_1694 = vector.shape_cast %swap3A_1693 : vector<1x1x16xf32> to vector<16xf32>
      %swap3A_1695 = vector.shape_cast %select_n3A_1687 : vector<16xf32> to vector<1x1x16xf32>
      tpu.vector_store %arg4[%swap3A_1690, %swap3A_1691, %swap3A_1692], %swap3A_1695 {strides = array<i32>} : memref<2x16x2048xf32, #tpu.memory_space<vmem>>, vector<1x1x16xf32>,
      %get3A_1696 = arith.constant 1 : i32
      %get3A_1697 = arith.constant 10 : i32
      %get3A_1698 = arith.index_cast %get3A_1696 : i32 to index
      %get3A_1699 = arith.index_cast %get3A_1697 : i32 to index
      %get3A_1700 = arith.constant 1088 : index
      %get3A_1701 = tpu.vector_load %arg4[%get3A_1698, %get3A_1699, %get3A_1700] {strides = array<i32>} : memref<2x16x2048xf32, #tpu.memory_space<vmem>>, vector<1x1x16xf32>,
      %get3A_1702 = vector.shape_cast %get3A_1701 : vector<1x1x16xf32> to vector<16xf32>
      %eq3A_1703 = arith.constant 10 : i32
      %eq3A_1704 = vector.broadcast %eq3A_1703 : i32 to vector<16xi32>
      %eq3A_1705 = arith.cmpi eq, %iota3A, %eq3A_1704 : vector<16xi32>
      %jit3A_1706 = arith.constant 0.000000e+00 : f32
      %broadcast_in_dim3A_1707 = vector.broadcast %jit3A_1706 : f32 to vector<16xf32>
      %select_n3A_1708 = arith.select %eq3A_1705, %broadcast_in_dim3A_1707, %get3A_1702 : vector<16xi1>, vector<16xf32>
      %swap3A_1709 = arith.constant 1 : i32
      %swap3A_1710 = arith.constant 10 : i32
      %swap3A_1711 = arith.index_cast %swap3A_1709 : i32 to index
      %swap3A_1712 = arith.index_cast %swap3A_1710 : i32 to index
      %swap3A_1713 = arith.constant 1088 : index
      %swap3A_1714 = tpu.vector_load %arg4[%swap3A_1711, %swap3A_1712, %swap3A_1713] {strides = array<i32>} : memref<2x16x2048xf32, #tpu.memory_space<vmem>>, vector<1x1x16xf32>,
      %swap3A_1715 = vector.shape_cast %swap3A_1714 : vector<1x1x16xf32> to vector<16xf32>
      %swap3A_1716 = vector.shape_cast %select_n3A_1708 : vector<16xf32> to vector<1x1x16xf32>
      tpu.vector_store %arg4[%swap3A_1711, %swap3A_1712, %swap3A_1713], %swap3A_1716 {strides = array<i32>} : memref<2x16x2048xf32, #tpu.memory_space<vmem>>, vector<1x1x16xf32>,
      %get3A_1717 = arith.constant 1 : i32
      %get3A_1718 = arith.constant 11 : i32
      %get3A_1719 = arith.index_cast %get3A_1717 : i32 to index
      %get3A_1720 = arith.index_cast %get3A_1718 : i32 to index
      %get3A_1721 = arith.constant 1088 : index
      %get3A_1722 = tpu.vector_load %arg4[%get3A_1719, %get3A_1720, %get3A_1721] {strides = array<i32>} : memref<2x16x2048xf32, #tpu.memory_space<vmem>>, vector<1x1x16xf32>,
      %get3A_1723 = vector.shape_cast %get3A_1722 : vector<1x1x16xf32> to vector<16xf32>
      %eq3A_1724 = arith.constant 10 : i32
      %eq3A_1725 = vector.broadcast %eq3A_1724 : i32 to vector<16xi32>
      %eq3A_1726 = arith.cmpi eq, %iota3A, %eq3A_1725 : vector<16xi32>
      %jit3A_1727 = arith.constant 0.000000e+00 : f32
      %broadcast_in_dim3A_1728 = vector.broadcast %jit3A_1727 : f32 to vector<16xf32>
      %select_n3A_1729 = arith.select %eq3A_1726, %broadcast_in_dim3A_1728, %get3A_1723 : vector<16xi1>, vector<16xf32>
      %swap3A_1730 = arith.constant 1 : i32
      %swap3A_1731 = arith.constant 11 : i32
      %swap3A_1732 = arith.index_cast %swap3A_1730 : i32 to index
      %swap3A_1733 = arith.index_cast %swap3A_1731 : i32 to index
      %swap3A_1734 = arith.constant 1088 : index
      %swap3A_1735 = tpu.vector_load %arg4[%swap3A_1732, %swap3A_1733, %swap3A_1734] {strides = array<i32>} : memref<2x16x2048xf32, #tpu.memory_space<vmem>>, vector<1x1x16xf32>,
      %swap3A_1736 = vector.shape_cast %swap3A_1735 : vector<1x1x16xf32> to vector<16xf32>
      %swap3A_1737 = vector.shape_cast %select_n3A_1729 : vector<16xf32> to vector<1x1x16xf32>
      tpu.vector_store %arg4[%swap3A_1732, %swap3A_1733, %swap3A_1734], %swap3A_1737 {strides = array<i32>} : memref<2x16x2048xf32, #tpu.memory_space<vmem>>, vector<1x1x16xf32>,
      %get3A_1738 = arith.constant 1 : i32
      %get3A_1739 = arith.constant 12 : i32
      %get3A_1740 = arith.index_cast %get3A_1738 : i32 to index
      %get3A_1741 = arith.index_cast %get3A_1739 : i32 to index
      %get3A_1742 = arith.constant 1088 : index
      %get3A_1743 = tpu.vector_load %arg4[%get3A_1740, %get3A_1741, %get3A_1742] {strides = array<i32>} : memref<2x16x2048xf32, #tpu.memory_space<vmem>>, vector<1x1x16xf32>,
      %get3A_1744 = vector.shape_cast %get3A_1743 : vector<1x1x16xf32> to vector<16xf32>
      %eq3A_1745 = arith.constant 10 : i32
      %eq3A_1746 = vector.broadcast %eq3A_1745 : i32 to vector<16xi32>
      %eq3A_1747 = arith.cmpi eq, %iota3A, %eq3A_1746 : vector<16xi32>
      %jit3A_1748 = arith.constant 0.000000e+00 : f32
      %broadcast_in_dim3A_1749 = vector.broadcast %jit3A_1748 : f32 to vector<16xf32>
      %select_n3A_1750 = arith.select %eq3A_1747, %broadcast_in_dim3A_1749, %get3A_1744 : vector<16xi1>, vector<16xf32>
      %swap3A_1751 = arith.constant 1 : i32
      %swap3A_1752 = arith.constant 12 : i32
      %swap3A_1753 = arith.index_cast %swap3A_1751 : i32 to index
      %swap3A_1754 = arith.index_cast %swap3A_1752 : i32 to index
      %swap3A_1755 = arith.constant 1088 : index
      %swap3A_1756 = tpu.vector_load %arg4[%swap3A_1753, %swap3A_1754, %swap3A_1755] {strides = array<i32>} : memref<2x16x2048xf32, #tpu.memory_space<vmem>>, vector<1x1x16xf32>,
      %swap3A_1757 = vector.shape_cast %swap3A_1756 : vector<1x1x16xf32> to vector<16xf32>
      %swap3A_1758 = vector.shape_cast %select_n3A_1750 : vector<16xf32> to vector<1x1x16xf32>
      tpu.vector_store %arg4[%swap3A_1753, %swap3A_1754, %swap3A_1755], %swap3A_1758 {strides = array<i32>} : memref<2x16x2048xf32, #tpu.memory_space<vmem>>, vector<1x1x16xf32>,
      %get3A_1759 = arith.constant 1 : i32
      %get3A_1760 = arith.constant 13 : i32
      %get3A_1761 = arith.index_cast %get3A_1759 : i32 to index
      %get3A_1762 = arith.index_cast %get3A_1760 : i32 to index
      %get3A_1763 = arith.constant 1088 : index
      %get3A_1764 = tpu.vector_load %arg4[%get3A_1761, %get3A_1762, %get3A_1763] {strides = array<i32>} : memref<2x16x2048xf32, #tpu.memory_space<vmem>>, vector<1x1x16xf32>,
      %get3A_1765 = vector.shape_cast %get3A_1764 : vector<1x1x16xf32> to vector<16xf32>
      %eq3A_1766 = arith.constant 10 : i32
      %eq3A_1767 = vector.broadcast %eq3A_1766 : i32 to vector<16xi32>
      %eq3A_1768 = arith.cmpi eq, %iota3A, %eq3A_1767 : vector<16xi32>
      %jit3A_1769 = arith.constant 0.000000e+00 : f32
      %broadcast_in_dim3A_1770 = vector.broadcast %jit3A_1769 : f32 to vector<16xf32>
      %select_n3A_1771 = arith.select %eq3A_1768, %broadcast_in_dim3A_1770, %get3A_1765 : vector<16xi1>, vector<16xf32>
      %swap3A_1772 = arith.constant 1 : i32
      %swap3A_1773 = arith.constant 13 : i32
      %swap3A_1774 = arith.index_cast %swap3A_1772 : i32 to index
      %swap3A_1775 = arith.index_cast %swap3A_1773 : i32 to index
      %swap3A_1776 = arith.constant 1088 : index
      %swap3A_1777 = tpu.vector_load %arg4[%swap3A_1774, %swap3A_1775, %swap3A_1776] {strides = array<i32>} : memref<2x16x2048xf32, #tpu.memory_space<vmem>>, vector<1x1x16xf32>,
      %swap3A_1778 = vector.shape_cast %swap3A_1777 : vector<1x1x16xf32> to vector<16xf32>
      %swap3A_1779 = vector.shape_cast %select_n3A_1771 : vector<16xf32> to vector<1x1x16xf32>
      tpu.vector_store %arg4[%swap3A_1774, %swap3A_1775, %swap3A_1776], %swap3A_1779 {strides = array<i32>} : memref<2x16x2048xf32, #tpu.memory_space<vmem>>, vector<1x1x16xf32>,
      %get3A_1780 = arith.constant 1 : i32
      %get3A_1781 = arith.constant 14 : i32
      %get3A_1782 = arith.index_cast %get3A_1780 : i32 to index
      %get3A_1783 = arith.index_cast %get3A_1781 : i32 to index
      %get3A_1784 = arith.constant 1088 : index
      %get3A_1785 = tpu.vector_load %arg4[%get3A_1782, %get3A_1783, %get3A_1784] {strides = array<i32>} : memref<2x16x2048xf32, #tpu.memory_space<vmem>>, vector<1x1x16xf32>,
      %get3A_1786 = vector.shape_cast %get3A_1785 : vector<1x1x16xf32> to vector<16xf32>
      %eq3A_1787 = arith.constant 10 : i32
      %eq3A_1788 = vector.broadcast %eq3A_1787 : i32 to vector<16xi32>
      %eq3A_1789 = arith.cmpi eq, %iota3A, %eq3A_1788 : vector<16xi32>
      %jit3A_1790 = arith.constant 0.000000e+00 : f32
      %broadcast_in_dim3A_1791 = vector.broadcast %jit3A_1790 : f32 to vector<16xf32>
      %select_n3A_1792 = arith.select %eq3A_1789, %broadcast_in_dim3A_1791, %get3A_1786 : vector<16xi1>, vector<16xf32>
      %swap3A_1793 = arith.constant 1 : i32
      %swap3A_1794 = arith.constant 14 : i32
      %swap3A_1795 = arith.index_cast %swap3A_1793 : i32 to index
      %swap3A_1796 = arith.index_cast %swap3A_1794 : i32 to index
      %swap3A_1797 = arith.constant 1088 : index
      %swap3A_1798 = tpu.vector_load %arg4[%swap3A_1795, %swap3A_1796, %swap3A_1797] {strides = array<i32>} : memref<2x16x2048xf32, #tpu.memory_space<vmem>>, vector<1x1x16xf32>,
      %swap3A_1799 = vector.shape_cast %swap3A_1798 : vector<1x1x16xf32> to vector<16xf32>
      %swap3A_1800 = vector.shape_cast %select_n3A_1792 : vector<16xf32> to vector<1x1x16xf32>
      tpu.vector_store %arg4[%swap3A_1795, %swap3A_1796, %swap3A_1797], %swap3A_1800 {strides = array<i32>} : memref<2x16x2048xf32, #tpu.memory_space<vmem>>, vector<1x1x16xf32>,
      %get3A_1801 = arith.constant 1 : i32
      %get3A_1802 = arith.constant 15 : i32
      %get3A_1803 = arith.index_cast %get3A_1801 : i32 to index
      %get3A_1804 = arith.index_cast %get3A_1802 : i32 to index
      %get3A_1805 = arith.constant 1088 : index
      %get3A_1806 = tpu.vector_load %arg4[%get3A_1803, %get3A_1804, %get3A_1805] {strides = array<i32>} : memref<2x16x2048xf32, #tpu.memory_space<vmem>>, vector<1x1x16xf32>,
      %get3A_1807 = vector.shape_cast %get3A_1806 : vector<1x1x16xf32> to vector<16xf32>
      %eq3A_1808 = arith.constant 10 : i32
      %eq3A_1809 = vector.broadcast %eq3A_1808 : i32 to vector<16xi32>
      %eq3A_1810 = arith.cmpi eq, %iota3A, %eq3A_1809 : vector<16xi32>
      %jit3A_1811 = arith.constant 0.000000e+00 : f32
      %broadcast_in_dim3A_1812 = vector.broadcast %jit3A_1811 : f32 to vector<16xf32>
      %select_n3A_1813 = arith.select %eq3A_1810, %broadcast_in_dim3A_1812, %get3A_1807 : vector<16xi1>, vector<16xf32>
      %swap3A_1814 = arith.constant 1 : i32
      %swap3A_1815 = arith.constant 15 : i32
      %swap3A_1816 = arith.index_cast %swap3A_1814 : i32 to index
      %swap3A_1817 = arith.index_cast %swap3A_1815 : i32 to index
      %swap3A_1818 = arith.constant 1088 : index
      %swap3A_1819 = tpu.vector_load %arg4[%swap3A_1816, %swap3A_1817, %swap3A_1818] {strides = array<i32>} : memref<2x16x2048xf32, #tpu.memory_space<vmem>>, vector<1x1x16xf32>,
      %swap3A_1820 = vector.shape_cast %swap3A_1819 : vector<1x1x16xf32> to vector<16xf32>
      %swap3A_1821 = vector.shape_cast %select_n3A_1813 : vector<16xf32> to vector<1x1x16xf32>
      tpu.vector_store %arg4[%swap3A_1816, %swap3A_1817, %swap3A_1818], %swap3A_1821 {strides = array<i32>} : memref<2x16x2048xf32, #tpu.memory_space<vmem>>, vector<1x1x16xf32>,
      %get3A_1822 = arith.constant 1 : i32
      %get3A_1823 = arith.constant 0 : i32
      %get3A_1824 = arith.index_cast %get3A_1822 : i32 to index
      %get3A_1825 = arith.index_cast %get3A_1823 : i32 to index
      %get3A_1826 = arith.constant 1376 : index
      %get3A_1827 = tpu.vector_load %arg4[%get3A_1824, %get3A_1825, %get3A_1826] {strides = array<i32>} : memref<2x16x2048xf32, #tpu.memory_space<vmem>>, vector<1x1x16xf32>,
      %get3A_1828 = vector.shape_cast %get3A_1827 : vector<1x1x16xf32> to vector<16xf32>
      %eq3A_1829 = arith.constant 1 : i32
      %eq3A_1830 = vector.broadcast %eq3A_1829 : i32 to vector<16xi32>
      %eq3A_1831 = arith.cmpi eq, %iota3A, %eq3A_1830 : vector<16xi32>
      %jit3A_1832 = arith.constant 0.000000e+00 : f32
      %broadcast_in_dim3A_1833 = vector.broadcast %jit3A_1832 : f32 to vector<16xf32>
      %select_n3A_1834 = arith.select %eq3A_1831, %broadcast_in_dim3A_1833, %get3A_1828 : vector<16xi1>, vector<16xf32>
      %swap3A_1835 = arith.constant 1 : i32
      %swap3A_1836 = arith.constant 0 : i32
      %swap3A_1837 = arith.index_cast %swap3A_1835 : i32 to index
      %swap3A_1838 = arith.index_cast %swap3A_1836 : i32 to index
      %swap3A_1839 = arith.constant 1376 : index
      %swap3A_1840 = tpu.vector_load %arg4[%swap3A_1837, %swap3A_1838, %swap3A_1839] {strides = array<i32>} : memref<2x16x2048xf32, #tpu.memory_space<vmem>>, vector<1x1x16xf32>,
      %swap3A_1841 = vector.shape_cast %swap3A_1840 : vector<1x1x16xf32> to vector<16xf32>
      %swap3A_1842 = vector.shape_cast %select_n3A_1834 : vector<16xf32> to vector<1x1x16xf32>
      tpu.vector_store %arg4[%swap3A_1837, %swap3A_1838, %swap3A_1839], %swap3A_1842 {strides = array<i32>} : memref<2x16x2048xf32, #tpu.memory_space<vmem>>, vector<1x1x16xf32>,
      %get3A_1843 = arith.constant 1 : i32
      %get3A_1844 = arith.constant 1 : i32
      %get3A_1845 = arith.index_cast %get3A_1843 : i32 to index
      %get3A_1846 = arith.index_cast %get3A_1844 : i32 to index
      %get3A_1847 = arith.constant 1376 : index
      %get3A_1848 = tpu.vector_load %arg4[%get3A_1845, %get3A_1846, %get3A_1847] {strides = array<i32>} : memref<2x16x2048xf32, #tpu.memory_space<vmem>>, vector<1x1x16xf32>,
      %get3A_1849 = vector.shape_cast %get3A_1848 : vector<1x1x16xf32> to vector<16xf32>
      %eq3A_1850 = arith.constant 1 : i32
      %eq3A_1851 = vector.broadcast %eq3A_1850 : i32 to vector<16xi32>
      %eq3A_1852 = arith.cmpi eq, %iota3A, %eq3A_1851 : vector<16xi32>
      %jit3A_1853 = arith.constant 0.000000e+00 : f32
      %broadcast_in_dim3A_1854 = vector.broadcast %jit3A_1853 : f32 to vector<16xf32>
      %select_n3A_1855 = arith.select %eq3A_1852, %broadcast_in_dim3A_1854, %get3A_1849 : vector<16xi1>, vector<16xf32>
      %swap3A_1856 = arith.constant 1 : i32
      %swap3A_1857 = arith.constant 1 : i32
      %swap3A_1858 = arith.index_cast %swap3A_1856 : i32 to index
      %swap3A_1859 = arith.index_cast %swap3A_1857 : i32 to index
      %swap3A_1860 = arith.constant 1376 : index
      %swap3A_1861 = tpu.vector_load %arg4[%swap3A_1858, %swap3A_1859, %swap3A_1860] {strides = array<i32>} : memref<2x16x2048xf32, #tpu.memory_space<vmem>>, vector<1x1x16xf32>,
      %swap3A_1862 = vector.shape_cast %swap3A_1861 : vector<1x1x16xf32> to vector<16xf32>
      %swap3A_1863 = vector.shape_cast %select_n3A_1855 : vector<16xf32> to vector<1x1x16xf32>
      tpu.vector_store %arg4[%swap3A_1858, %swap3A_1859, %swap3A_1860], %swap3A_1863 {strides = array<i32>} : memref<2x16x2048xf32, #tpu.memory_space<vmem>>, vector<1x1x16xf32>,
      %get3A_1864 = arith.constant 1 : i32
      %get3A_1865 = arith.constant 2 : i32
      %get3A_1866 = arith.index_cast %get3A_1864 : i32 to index
      %get3A_1867 = arith.index_cast %get3A_1865 : i32 to index
      %get3A_1868 = arith.constant 1376 : index
      %get3A_1869 = tpu.vector_load %arg4[%get3A_1866, %get3A_1867, %get3A_1868] {strides = array<i32>} : memref<2x16x2048xf32, #tpu.memory_space<vmem>>, vector<1x1x16xf32>,
      %get3A_1870 = vector.shape_cast %get3A_1869 : vector<1x1x16xf32> to vector<16xf32>
      %eq3A_1871 = arith.constant 1 : i32
      %eq3A_1872 = vector.broadcast %eq3A_1871 : i32 to vector<16xi32>
      %eq3A_1873 = arith.cmpi eq, %iota3A, %eq3A_1872 : vector<16xi32>
      %jit3A_1874 = arith.constant 0.000000e+00 : f32
      %broadcast_in_dim3A_1875 = vector.broadcast %jit3A_1874 : f32 to vector<16xf32>
      %select_n3A_1876 = arith.select %eq3A_1873, %broadcast_in_dim3A_1875, %get3A_1870 : vector<16xi1>, vector<16xf32>
      %swap3A_1877 = arith.constant 1 : i32
      %swap3A_1878 = arith.constant 2 : i32
      %swap3A_1879 = arith.index_cast %swap3A_1877 : i32 to index
      %swap3A_1880 = arith.index_cast %swap3A_1878 : i32 to index
      %swap3A_1881 = arith.constant 1376 : index
      %swap3A_1882 = tpu.vector_load %arg4[%swap3A_1879, %swap3A_1880, %swap3A_1881] {strides = array<i32>} : memref<2x16x2048xf32, #tpu.memory_space<vmem>>, vector<1x1x16xf32>,
      %swap3A_1883 = vector.shape_cast %swap3A_1882 : vector<1x1x16xf32> to vector<16xf32>
      %swap3A_1884 = vector.shape_cast %select_n3A_1876 : vector<16xf32> to vector<1x1x16xf32>
      tpu.vector_store %arg4[%swap3A_1879, %swap3A_1880, %swap3A_1881], %swap3A_1884 {strides = array<i32>} : memref<2x16x2048xf32, #tpu.memory_space<vmem>>, vector<1x1x16xf32>,
      %get3A_1885 = arith.constant 1 : i32
      %get3A_1886 = arith.constant 3 : i32
      %get3A_1887 = arith.index_cast %get3A_1885 : i32 to index
      %get3A_1888 = arith.index_cast %get3A_1886 : i32 to index
      %get3A_1889 = arith.constant 1376 : index
      %get3A_1890 = tpu.vector_load %arg4[%get3A_1887, %get3A_1888, %get3A_1889] {strides = array<i32>} : memref<2x16x2048xf32, #tpu.memory_space<vmem>>, vector<1x1x16xf32>,
      %get3A_1891 = vector.shape_cast %get3A_1890 : vector<1x1x16xf32> to vector<16xf32>
      %eq3A_1892 = arith.constant 1 : i32
      %eq3A_1893 = vector.broadcast %eq3A_1892 : i32 to vector<16xi32>
      %eq3A_1894 = arith.cmpi eq, %iota3A, %eq3A_1893 : vector<16xi32>
      %jit3A_1895 = arith.constant 0.000000e+00 : f32
      %broadcast_in_dim3A_1896 = vector.broadcast %jit3A_1895 : f32 to vector<16xf32>
      %select_n3A_1897 = arith.select %eq3A_1894, %broadcast_in_dim3A_1896, %get3A_1891 : vector<16xi1>, vector<16xf32>
      %swap3A_1898 = arith.constant 1 : i32
      %swap3A_1899 = arith.constant 3 : i32
      %swap3A_1900 = arith.index_cast %swap3A_1898 : i32 to index
      %swap3A_1901 = arith.index_cast %swap3A_1899 : i32 to index
      %swap3A_1902 = arith.constant 1376 : index
      %swap3A_1903 = tpu.vector_load %arg4[%swap3A_1900, %swap3A_1901, %swap3A_1902] {strides = array<i32>} : memref<2x16x2048xf32, #tpu.memory_space<vmem>>, vector<1x1x16xf32>,
      %swap3A_1904 = vector.shape_cast %swap3A_1903 : vector<1x1x16xf32> to vector<16xf32>
      %swap3A_1905 = vector.shape_cast %select_n3A_1897 : vector<16xf32> to vector<1x1x16xf32>
      tpu.vector_store %arg4[%swap3A_1900, %swap3A_1901, %swap3A_1902], %swap3A_1905 {strides = array<i32>} : memref<2x16x2048xf32, #tpu.memory_space<vmem>>, vector<1x1x16xf32>,
      %get3A_1906 = arith.constant 1 : i32
      %get3A_1907 = arith.constant 4 : i32
      %get3A_1908 = arith.index_cast %get3A_1906 : i32 to index
      %get3A_1909 = arith.index_cast %get3A_1907 : i32 to index
      %get3A_1910 = arith.constant 1376 : index
      %get3A_1911 = tpu.vector_load %arg4[%get3A_1908, %get3A_1909, %get3A_1910] {strides = array<i32>} : memref<2x16x2048xf32, #tpu.memory_space<vmem>>, vector<1x1x16xf32>,
      %get3A_1912 = vector.shape_cast %get3A_1911 : vector<1x1x16xf32> to vector<16xf32>
      %eq3A_1913 = arith.constant 1 : i32
      %eq3A_1914 = vector.broadcast %eq3A_1913 : i32 to vector<16xi32>
      %eq3A_1915 = arith.cmpi eq, %iota3A, %eq3A_1914 : vector<16xi32>
      %jit3A_1916 = arith.constant 0.000000e+00 : f32
      %broadcast_in_dim3A_1917 = vector.broadcast %jit3A_1916 : f32 to vector<16xf32>
      %select_n3A_1918 = arith.select %eq3A_1915, %broadcast_in_dim3A_1917, %get3A_1912 : vector<16xi1>, vector<16xf32>
      %swap3A_1919 = arith.constant 1 : i32
      %swap3A_1920 = arith.constant 4 : i32
      %swap3A_1921 = arith.index_cast %swap3A_1919 : i32 to index
      %swap3A_1922 = arith.index_cast %swap3A_1920 : i32 to index
      %swap3A_1923 = arith.constant 1376 : index
      %swap3A_1924 = tpu.vector_load %arg4[%swap3A_1921, %swap3A_1922, %swap3A_1923] {strides = array<i32>} : memref<2x16x2048xf32, #tpu.memory_space<vmem>>, vector<1x1x16xf32>,
      %swap3A_1925 = vector.shape_cast %swap3A_1924 : vector<1x1x16xf32> to vector<16xf32>
      %swap3A_1926 = vector.shape_cast %select_n3A_1918 : vector<16xf32> to vector<1x1x16xf32>
      tpu.vector_store %arg4[%swap3A_1921, %swap3A_1922, %swap3A_1923], %swap3A_1926 {strides = array<i32>} : memref<2x16x2048xf32, #tpu.memory_space<vmem>>, vector<1x1x16xf32>,
      %get3A_1927 = arith.constant 1 : i32
      %get3A_1928 = arith.constant 5 : i32
      %get3A_1929 = arith.index_cast %get3A_1927 : i32 to index
      %get3A_1930 = arith.index_cast %get3A_1928 : i32 to index
      %get3A_1931 = arith.constant 1376 : index
      %get3A_1932 = tpu.vector_load %arg4[%get3A_1929, %get3A_1930, %get3A_1931] {strides = array<i32>} : memref<2x16x2048xf32, #tpu.memory_space<vmem>>, vector<1x1x16xf32>,
      %get3A_1933 = vector.shape_cast %get3A_1932 : vector<1x1x16xf32> to vector<16xf32>
      %eq3A_1934 = arith.constant 1 : i32
      %eq3A_1935 = vector.broadcast %eq3A_1934 : i32 to vector<16xi32>
      %eq3A_1936 = arith.cmpi eq, %iota3A, %eq3A_1935 : vector<16xi32>
      %jit3A_1937 = arith.constant 0.000000e+00 : f32
      %broadcast_in_dim3A_1938 = vector.broadcast %jit3A_1937 : f32 to vector<16xf32>
      %select_n3A_1939 = arith.select %eq3A_1936, %broadcast_in_dim3A_1938, %get3A_1933 : vector<16xi1>, vector<16xf32>
      %swap3A_1940 = arith.constant 1 : i32
      %swap3A_1941 = arith.constant 5 : i32
      %swap3A_1942 = arith.index_cast %swap3A_1940 : i32 to index
      %swap3A_1943 = arith.index_cast %swap3A_1941 : i32 to index
      %swap3A_1944 = arith.constant 1376 : index
      %swap3A_1945 = tpu.vector_load %arg4[%swap3A_1942, %swap3A_1943, %swap3A_1944] {strides = array<i32>} : memref<2x16x2048xf32, #tpu.memory_space<vmem>>, vector<1x1x16xf32>,
      %swap3A_1946 = vector.shape_cast %swap3A_1945 : vector<1x1x16xf32> to vector<16xf32>
      %swap3A_1947 = vector.shape_cast %select_n3A_1939 : vector<16xf32> to vector<1x1x16xf32>
      tpu.vector_store %arg4[%swap3A_1942, %swap3A_1943, %swap3A_1944], %swap3A_1947 {strides = array<i32>} : memref<2x16x2048xf32, #tpu.memory_space<vmem>>, vector<1x1x16xf32>,
      %get3A_1948 = arith.constant 1 : i32
      %get3A_1949 = arith.constant 6 : i32
      %get3A_1950 = arith.index_cast %get3A_1948 : i32 to index
      %get3A_1951 = arith.index_cast %get3A_1949 : i32 to index
      %get3A_1952 = arith.constant 1376 : index
      %get3A_1953 = tpu.vector_load %arg4[%get3A_1950, %get3A_1951, %get3A_1952] {strides = array<i32>} : memref<2x16x2048xf32, #tpu.memory_space<vmem>>, vector<1x1x16xf32>,
      %get3A_1954 = vector.shape_cast %get3A_1953 : vector<1x1x16xf32> to vector<16xf32>
      %eq3A_1955 = arith.constant 1 : i32
      %eq3A_1956 = vector.broadcast %eq3A_1955 : i32 to vector<16xi32>
      %eq3A_1957 = arith.cmpi eq, %iota3A, %eq3A_1956 : vector<16xi32>
      %jit3A_1958 = arith.constant 0.000000e+00 : f32
      %broadcast_in_dim3A_1959 = vector.broadcast %jit3A_1958 : f32 to vector<16xf32>
      %select_n3A_1960 = arith.select %eq3A_1957, %broadcast_in_dim3A_1959, %get3A_1954 : vector<16xi1>, vector<16xf32>
      %swap3A_1961 = arith.constant 1 : i32
      %swap3A_1962 = arith.constant 6 : i32
      %swap3A_1963 = arith.index_cast %swap3A_1961 : i32 to index
      %swap3A_1964 = arith.index_cast %swap3A_1962 : i32 to index
      %swap3A_1965 = arith.constant 1376 : index
      %swap3A_1966 = tpu.vector_load %arg4[%swap3A_1963, %swap3A_1964, %swap3A_1965] {strides = array<i32>} : memref<2x16x2048xf32, #tpu.memory_space<vmem>>, vector<1x1x16xf32>,
      %swap3A_1967 = vector.shape_cast %swap3A_1966 : vector<1x1x16xf32> to vector<16xf32>
      %swap3A_1968 = vector.shape_cast %select_n3A_1960 : vector<16xf32> to vector<1x1x16xf32>
      tpu.vector_store %arg4[%swap3A_1963, %swap3A_1964, %swap3A_1965], %swap3A_1968 {strides = array<i32>} : memref<2x16x2048xf32, #tpu.memory_space<vmem>>, vector<1x1x16xf32>,
      %get3A_1969 = arith.constant 1 : i32
      %get3A_1970 = arith.constant 7 : i32
      %get3A_1971 = arith.index_cast %get3A_1969 : i32 to index
      %get3A_1972 = arith.index_cast %get3A_1970 : i32 to index
      %get3A_1973 = arith.constant 1376 : index
      %get3A_1974 = tpu.vector_load %arg4[%get3A_1971, %get3A_1972, %get3A_1973] {strides = array<i32>} : memref<2x16x2048xf32, #tpu.memory_space<vmem>>, vector<1x1x16xf32>,
      %get3A_1975 = vector.shape_cast %get3A_1974 : vector<1x1x16xf32> to vector<16xf32>
      %eq3A_1976 = arith.constant 1 : i32
      %eq3A_1977 = vector.broadcast %eq3A_1976 : i32 to vector<16xi32>
      %eq3A_1978 = arith.cmpi eq, %iota3A, %eq3A_1977 : vector<16xi32>
      %jit3A_1979 = arith.constant 0.000000e+00 : f32
      %broadcast_in_dim3A_1980 = vector.broadcast %jit3A_1979 : f32 to vector<16xf32>
      %select_n3A_1981 = arith.select %eq3A_1978, %broadcast_in_dim3A_1980, %get3A_1975 : vector<16xi1>, vector<16xf32>
      %swap3A_1982 = arith.constant 1 : i32
      %swap3A_1983 = arith.constant 7 : i32
      %swap3A_1984 = arith.index_cast %swap3A_1982 : i32 to index
      %swap3A_1985 = arith.index_cast %swap3A_1983 : i32 to index
      %swap3A_1986 = arith.constant 1376 : index
      %swap3A_1987 = tpu.vector_load %arg4[%swap3A_1984, %swap3A_1985, %swap3A_1986] {strides = array<i32>} : memref<2x16x2048xf32, #tpu.memory_space<vmem>>, vector<1x1x16xf32>,
      %swap3A_1988 = vector.shape_cast %swap3A_1987 : vector<1x1x16xf32> to vector<16xf32>
      %swap3A_1989 = vector.shape_cast %select_n3A_1981 : vector<16xf32> to vector<1x1x16xf32>
      tpu.vector_store %arg4[%swap3A_1984, %swap3A_1985, %swap3A_1986], %swap3A_1989 {strides = array<i32>} : memref<2x16x2048xf32, #tpu.memory_space<vmem>>, vector<1x1x16xf32>,
      %get3A_1990 = arith.constant 1 : i32
      %get3A_1991 = arith.constant 8 : i32
      %get3A_1992 = arith.index_cast %get3A_1990 : i32 to index
      %get3A_1993 = arith.index_cast %get3A_1991 : i32 to index
      %get3A_1994 = arith.constant 1376 : index
      %get3A_1995 = tpu.vector_load %arg4[%get3A_1992, %get3A_1993, %get3A_1994] {strides = array<i32>} : memref<2x16x2048xf32, #tpu.memory_space<vmem>>, vector<1x1x16xf32>,
      %get3A_1996 = vector.shape_cast %get3A_1995 : vector<1x1x16xf32> to vector<16xf32>
      %eq3A_1997 = arith.constant 1 : i32
      %eq3A_1998 = vector.broadcast %eq3A_1997 : i32 to vector<16xi32>
      %eq3A_1999 = arith.cmpi eq, %iota3A, %eq3A_1998 : vector<16xi32>
      %jit3A_2000 = arith.constant 0.000000e+00 : f32
      %broadcast_in_dim3A_2001 = vector.broadcast %jit3A_2000 : f32 to vector<16xf32>
      %select_n3A_2002 = arith.select %eq3A_1999, %broadcast_in_dim3A_2001, %get3A_1996 : vector<16xi1>, vector<16xf32>
      %swap3A_2003 = arith.constant 1 : i32
      %swap3A_2004 = arith.constant 8 : i32
      %swap3A_2005 = arith.index_cast %swap3A_2003 : i32 to index
      %swap3A_2006 = arith.index_cast %swap3A_2004 : i32 to index
      %swap3A_2007 = arith.constant 1376 : index
      %swap3A_2008 = tpu.vector_load %arg4[%swap3A_2005, %swap3A_2006, %swap3A_2007] {strides = array<i32>} : memref<2x16x2048xf32, #tpu.memory_space<vmem>>, vector<1x1x16xf32>,
      %swap3A_2009 = vector.shape_cast %swap3A_2008 : vector<1x1x16xf32> to vector<16xf32>
      %swap3A_2010 = vector.shape_cast %select_n3A_2002 : vector<16xf32> to vector<1x1x16xf32>
      tpu.vector_store %arg4[%swap3A_2005, %swap3A_2006, %swap3A_2007], %swap3A_2010 {strides = array<i32>} : memref<2x16x2048xf32, #tpu.memory_space<vmem>>, vector<1x1x16xf32>,
      %get3A_2011 = arith.constant 1 : i32
      %get3A_2012 = arith.constant 9 : i32
      %get3A_2013 = arith.index_cast %get3A_2011 : i32 to index
      %get3A_2014 = arith.index_cast %get3A_2012 : i32 to index
      %get3A_2015 = arith.constant 1376 : index
      %get3A_2016 = tpu.vector_load %arg4[%get3A_2013, %get3A_2014, %get3A_2015] {strides = array<i32>} : memref<2x16x2048xf32, #tpu.memory_space<vmem>>, vector<1x1x16xf32>,
      %get3A_2017 = vector.shape_cast %get3A_2016 : vector<1x1x16xf32> to vector<16xf32>
      %eq3A_2018 = arith.constant 1 : i32
      %eq3A_2019 = vector.broadcast %eq3A_2018 : i32 to vector<16xi32>
      %eq3A_2020 = arith.cmpi eq, %iota3A, %eq3A_2019 : vector<16xi32>
      %jit3A_2021 = arith.constant 0.000000e+00 : f32
      %broadcast_in_dim3A_2022 = vector.broadcast %jit3A_2021 : f32 to vector<16xf32>
      %select_n3A_2023 = arith.select %eq3A_2020, %broadcast_in_dim3A_2022, %get3A_2017 : vector<16xi1>, vector<16xf32>
      %swap3A_2024 = arith.constant 1 : i32
      %swap3A_2025 = arith.constant 9 : i32
      %swap3A_2026 = arith.index_cast %swap3A_2024 : i32 to index
      %swap3A_2027 = arith.index_cast %swap3A_2025 : i32 to index
      %swap3A_2028 = arith.constant 1376 : index
      %swap3A_2029 = tpu.vector_load %arg4[%swap3A_2026, %swap3A_2027, %swap3A_2028] {strides = array<i32>} : memref<2x16x2048xf32, #tpu.memory_space<vmem>>, vector<1x1x16xf32>,
      %swap3A_2030 = vector.shape_cast %swap3A_2029 : vector<1x1x16xf32> to vector<16xf32>
      %swap3A_2031 = vector.shape_cast %select_n3A_2023 : vector<16xf32> to vector<1x1x16xf32>
      tpu.vector_store %arg4[%swap3A_2026, %swap3A_2027, %swap3A_2028], %swap3A_2031 {strides = array<i32>} : memref<2x16x2048xf32, #tpu.memory_space<vmem>>, vector<1x1x16xf32>,
      %get3A_2032 = arith.constant 1 : i32
      %get3A_2033 = arith.constant 10 : i32
      %get3A_2034 = arith.index_cast %get3A_2032 : i32 to index
      %get3A_2035 = arith.index_cast %get3A_2033 : i32 to index
      %get3A_2036 = arith.constant 1376 : index
      %get3A_2037 = tpu.vector_load %arg4[%get3A_2034, %get3A_2035, %get3A_2036] {strides = array<i32>} : memref<2x16x2048xf32, #tpu.memory_space<vmem>>, vector<1x1x16xf32>,
      %get3A_2038 = vector.shape_cast %get3A_2037 : vector<1x1x16xf32> to vector<16xf32>
      %eq3A_2039 = arith.constant 1 : i32
      %eq3A_2040 = vector.broadcast %eq3A_2039 : i32 to vector<16xi32>
      %eq3A_2041 = arith.cmpi eq, %iota3A, %eq3A_2040 : vector<16xi32>
      %jit3A_2042 = arith.constant 0.000000e+00 : f32
      %broadcast_in_dim3A_2043 = vector.broadcast %jit3A_2042 : f32 to vector<16xf32>
      %select_n3A_2044 = arith.select %eq3A_2041, %broadcast_in_dim3A_2043, %get3A_2038 : vector<16xi1>, vector<16xf32>
      %swap3A_2045 = arith.constant 1 : i32
      %swap3A_2046 = arith.constant 10 : i32
      %swap3A_2047 = arith.index_cast %swap3A_2045 : i32 to index
      %swap3A_2048 = arith.index_cast %swap3A_2046 : i32 to index
      %swap3A_2049 = arith.constant 1376 : index
      %swap3A_2050 = tpu.vector_load %arg4[%swap3A_2047, %swap3A_2048, %swap3A_2049] {strides = array<i32>} : memref<2x16x2048xf32, #tpu.memory_space<vmem>>, vector<1x1x16xf32>,
      %swap3A_2051 = vector.shape_cast %swap3A_2050 : vector<1x1x16xf32> to vector<16xf32>
      %swap3A_2052 = vector.shape_cast %select_n3A_2044 : vector<16xf32> to vector<1x1x16xf32>
      tpu.vector_store %arg4[%swap3A_2047, %swap3A_2048, %swap3A_2049], %swap3A_2052 {strides = array<i32>} : memref<2x16x2048xf32, #tpu.memory_space<vmem>>, vector<1x1x16xf32>,
      %get3A_2053 = arith.constant 1 : i32
      %get3A_2054 = arith.constant 11 : i32
      %get3A_2055 = arith.index_cast %get3A_2053 : i32 to index
      %get3A_2056 = arith.index_cast %get3A_2054 : i32 to index
      %get3A_2057 = arith.constant 1376 : index
      %get3A_2058 = tpu.vector_load %arg4[%get3A_2055, %get3A_2056, %get3A_2057] {strides = array<i32>} : memref<2x16x2048xf32, #tpu.memory_space<vmem>>, vector<1x1x16xf32>,
      %get3A_2059 = vector.shape_cast %get3A_2058 : vector<1x1x16xf32> to vector<16xf32>
      %eq3A_2060 = arith.constant 1 : i32
      %eq3A_2061 = vector.broadcast %eq3A_2060 : i32 to vector<16xi32>
      %eq3A_2062 = arith.cmpi eq, %iota3A, %eq3A_2061 : vector<16xi32>
      %jit3A_2063 = arith.constant 0.000000e+00 : f32
      %broadcast_in_dim3A_2064 = vector.broadcast %jit3A_2063 : f32 to vector<16xf32>
      %select_n3A_2065 = arith.select %eq3A_2062, %broadcast_in_dim3A_2064, %get3A_2059 : vector<16xi1>, vector<16xf32>
      %swap3A_2066 = arith.constant 1 : i32
      %swap3A_2067 = arith.constant 11 : i32
      %swap3A_2068 = arith.index_cast %swap3A_2066 : i32 to index
      %swap3A_2069 = arith.index_cast %swap3A_2067 : i32 to index
      %swap3A_2070 = arith.constant 1376 : index
      %swap3A_2071 = tpu.vector_load %arg4[%swap3A_2068, %swap3A_2069, %swap3A_2070] {strides = array<i32>} : memref<2x16x2048xf32, #tpu.memory_space<vmem>>, vector<1x1x16xf32>,
      %swap3A_2072 = vector.shape_cast %swap3A_2071 : vector<1x1x16xf32> to vector<16xf32>
      %swap3A_2073 = vector.shape_cast %select_n3A_2065 : vector<16xf32> to vector<1x1x16xf32>
      tpu.vector_store %arg4[%swap3A_2068, %swap3A_2069, %swap3A_2070], %swap3A_2073 {strides = array<i32>} : memref<2x16x2048xf32, #tpu.memory_space<vmem>>, vector<1x1x16xf32>,
      %get3A_2074 = arith.constant 1 : i32
      %get3A_2075 = arith.constant 12 : i32
      %get3A_2076 = arith.index_cast %get3A_2074 : i32 to index
      %get3A_2077 = arith.index_cast %get3A_2075 : i32 to index
      %get3A_2078 = arith.constant 1376 : index
      %get3A_2079 = tpu.vector_load %arg4[%get3A_2076, %get3A_2077, %get3A_2078] {strides = array<i32>} : memref<2x16x2048xf32, #tpu.memory_space<vmem>>, vector<1x1x16xf32>,
      %get3A_2080 = vector.shape_cast %get3A_2079 : vector<1x1x16xf32> to vector<16xf32>
      %eq3A_2081 = arith.constant 1 : i32
      %eq3A_2082 = vector.broadcast %eq3A_2081 : i32 to vector<16xi32>
      %eq3A_2083 = arith.cmpi eq, %iota3A, %eq3A_2082 : vector<16xi32>
      %jit3A_2084 = arith.constant 0.000000e+00 : f32
      %broadcast_in_dim3A_2085 = vector.broadcast %jit3A_2084 : f32 to vector<16xf32>
      %select_n3A_2086 = arith.select %eq3A_2083, %broadcast_in_dim3A_2085, %get3A_2080 : vector<16xi1>, vector<16xf32>
      %swap3A_2087 = arith.constant 1 : i32
      %swap3A_2088 = arith.constant 12 : i32
      %swap3A_2089 = arith.index_cast %swap3A_2087 : i32 to index
      %swap3A_2090 = arith.index_cast %swap3A_2088 : i32 to index
      %swap3A_2091 = arith.constant 1376 : index
      %swap3A_2092 = tpu.vector_load %arg4[%swap3A_2089, %swap3A_2090, %swap3A_2091] {strides = array<i32>} : memref<2x16x2048xf32, #tpu.memory_space<vmem>>, vector<1x1x16xf32>,
      %swap3A_2093 = vector.shape_cast %swap3A_2092 : vector<1x1x16xf32> to vector<16xf32>
      %swap3A_2094 = vector.shape_cast %select_n3A_2086 : vector<16xf32> to vector<1x1x16xf32>
      tpu.vector_store %arg4[%swap3A_2089, %swap3A_2090, %swap3A_2091], %swap3A_2094 {strides = array<i32>} : memref<2x16x2048xf32, #tpu.memory_space<vmem>>, vector<1x1x16xf32>,
      %get3A_2095 = arith.constant 1 : i32
      %get3A_2096 = arith.constant 13 : i32
      %get3A_2097 = arith.index_cast %get3A_2095 : i32 to index
      %get3A_2098 = arith.index_cast %get3A_2096 : i32 to index
      %get3A_2099 = arith.constant 1376 : index
      %get3A_2100 = tpu.vector_load %arg4[%get3A_2097, %get3A_2098, %get3A_2099] {strides = array<i32>} : memref<2x16x2048xf32, #tpu.memory_space<vmem>>, vector<1x1x16xf32>,
      %get3A_2101 = vector.shape_cast %get3A_2100 : vector<1x1x16xf32> to vector<16xf32>
      %eq3A_2102 = arith.constant 1 : i32
      %eq3A_2103 = vector.broadcast %eq3A_2102 : i32 to vector<16xi32>
      %eq3A_2104 = arith.cmpi eq, %iota3A, %eq3A_2103 : vector<16xi32>
      %jit3A_2105 = arith.constant 0.000000e+00 : f32
      %broadcast_in_dim3A_2106 = vector.broadcast %jit3A_2105 : f32 to vector<16xf32>
      %select_n3A_2107 = arith.select %eq3A_2104, %broadcast_in_dim3A_2106, %get3A_2101 : vector<16xi1>, vector<16xf32>
      %swap3A_2108 = arith.constant 1 : i32
      %swap3A_2109 = arith.constant 13 : i32
      %swap3A_2110 = arith.index_cast %swap3A_2108 : i32 to index
      %swap3A_2111 = arith.index_cast %swap3A_2109 : i32 to index
      %swap3A_2112 = arith.constant 1376 : index
      %swap3A_2113 = tpu.vector_load %arg4[%swap3A_2110, %swap3A_2111, %swap3A_2112] {strides = array<i32>} : memref<2x16x2048xf32, #tpu.memory_space<vmem>>, vector<1x1x16xf32>,
      %swap3A_2114 = vector.shape_cast %swap3A_2113 : vector<1x1x16xf32> to vector<16xf32>
      %swap3A_2115 = vector.shape_cast %select_n3A_2107 : vector<16xf32> to vector<1x1x16xf32>
      tpu.vector_store %arg4[%swap3A_2110, %swap3A_2111, %swap3A_2112], %swap3A_2115 {strides = array<i32>} : memref<2x16x2048xf32, #tpu.memory_space<vmem>>, vector<1x1x16xf32>,
      %get3A_2116 = arith.constant 1 : i32
      %get3A_2117 = arith.constant 14 : i32
      %get3A_2118 = arith.index_cast %get3A_2116 : i32 to index
      %get3A_2119 = arith.index_cast %get3A_2117 : i32 to index
      %get3A_2120 = arith.constant 1376 : index
      %get3A_2121 = tpu.vector_load %arg4[%get3A_2118, %get3A_2119, %get3A_2120] {strides = array<i32>} : memref<2x16x2048xf32, #tpu.memory_space<vmem>>, vector<1x1x16xf32>,
      %get3A_2122 = vector.shape_cast %get3A_2121 : vector<1x1x16xf32> to vector<16xf32>
      %eq3A_2123 = arith.constant 1 : i32
      %eq3A_2124 = vector.broadcast %eq3A_2123 : i32 to vector<16xi32>
      %eq3A_2125 = arith.cmpi eq, %iota3A, %eq3A_2124 : vector<16xi32>
      %jit3A_2126 = arith.constant 0.000000e+00 : f32
      %broadcast_in_dim3A_2127 = vector.broadcast %jit3A_2126 : f32 to vector<16xf32>
      %select_n3A_2128 = arith.select %eq3A_2125, %broadcast_in_dim3A_2127, %get3A_2122 : vector<16xi1>, vector<16xf32>
      %swap3A_2129 = arith.constant 1 : i32
      %swap3A_2130 = arith.constant 14 : i32
      %swap3A_2131 = arith.index_cast %swap3A_2129 : i32 to index
      %swap3A_2132 = arith.index_cast %swap3A_2130 : i32 to index
      %swap3A_2133 = arith.constant 1376 : index
      %swap3A_2134 = tpu.vector_load %arg4[%swap3A_2131, %swap3A_2132, %swap3A_2133] {strides = array<i32>} : memref<2x16x2048xf32, #tpu.memory_space<vmem>>, vector<1x1x16xf32>,
      %swap3A_2135 = vector.shape_cast %swap3A_2134 : vector<1x1x16xf32> to vector<16xf32>
      %swap3A_2136 = vector.shape_cast %select_n3A_2128 : vector<16xf32> to vector<1x1x16xf32>
      tpu.vector_store %arg4[%swap3A_2131, %swap3A_2132, %swap3A_2133], %swap3A_2136 {strides = array<i32>} : memref<2x16x2048xf32, #tpu.memory_space<vmem>>, vector<1x1x16xf32>,
      %get3A_2137 = arith.constant 1 : i32
      %get3A_2138 = arith.constant 15 : i32
      %get3A_2139 = arith.index_cast %get3A_2137 : i32 to index
      %get3A_2140 = arith.index_cast %get3A_2138 : i32 to index
      %get3A_2141 = arith.constant 1376 : index
      %get3A_2142 = tpu.vector_load %arg4[%get3A_2139, %get3A_2140, %get3A_2141] {strides = array<i32>} : memref<2x16x2048xf32, #tpu.memory_space<vmem>>, vector<1x1x16xf32>,
      %get3A_2143 = vector.shape_cast %get3A_2142 : vector<1x1x16xf32> to vector<16xf32>
      %eq3A_2144 = arith.constant 1 : i32
      %eq3A_2145 = vector.broadcast %eq3A_2144 : i32 to vector<16xi32>
      %eq3A_2146 = arith.cmpi eq, %iota3A, %eq3A_2145 : vector<16xi32>
      %jit3A_2147 = arith.constant 0.000000e+00 : f32
      %broadcast_in_dim3A_2148 = vector.broadcast %jit3A_2147 : f32 to vector<16xf32>
      %select_n3A_2149 = arith.select %eq3A_2146, %broadcast_in_dim3A_2148, %get3A_2143 : vector<16xi1>, vector<16xf32>
      %swap3A_2150 = arith.constant 1 : i32
      %swap3A_2151 = arith.constant 15 : i32
      %swap3A_2152 = arith.index_cast %swap3A_2150 : i32 to index
      %swap3A_2153 = arith.index_cast %swap3A_2151 : i32 to index
      %swap3A_2154 = arith.constant 1376 : index
      %swap3A_2155 = tpu.vector_load %arg4[%swap3A_2152, %swap3A_2153, %swap3A_2154] {strides = array<i32>} : memref<2x16x2048xf32, #tpu.memory_space<vmem>>, vector<1x1x16xf32>,
      %swap3A_2156 = vector.shape_cast %swap3A_2155 : vector<1x1x16xf32> to vector<16xf32>
      %swap3A_2157 = vector.shape_cast %select_n3A_2149 : vector<16xf32> to vector<1x1x16xf32>
      tpu.vector_store %arg4[%swap3A_2152, %swap3A_2153, %swap3A_2154], %swap3A_2157 {strides = array<i32>} : memref<2x16x2048xf32, #tpu.memory_space<vmem>>, vector<1x1x16xf32>,
      %mul3A_2158 = arith.constant 16 : i32
      %mul3A_2159 = arith.muli %add3A_1130, %mul3A_2158 : i32
      %add3A_2160 = arith.addi %mul3A_2, %mul3A_2159 : i32
      %dma_start3A_2161 = arith.constant 1 : i32
      %dma_start3A_2162 = arith.constant 3 : i32
      %dma_start3A_2163 = arith.constant 0 : i32
      %dma_start3A_2164 = arith.constant 0 : i32
      %dma_start3A_2165 = tpu.memref_slice %arg4[%dma_start3A_2161, %dma_start3A_2163, %dma_start3A_2164] : memref<2x16x2048xf32, #tpu.memory_space<vmem>> -> memref<1x16x2048xf32, #tpu.memory_space<vmem>>
      %dma_start3A_2166 = tpu.memref_squeeze %dma_start3A_2165 : memref<1x16x2048xf32, #tpu.memory_space<vmem>> -> memref<16x2048xf32, #tpu.memory_space<vmem>>
      %dma_start3A_2167 = arith.constant 0 : i32
      %dma_start3A_2168 = tpu.memref_slice %arg3[%add3A_2160, %dma_start3A_2167] : memref<16384x2048xf32, #tpu.memory_space<hbm>> -> memref<16x2048xf32, #tpu.memory_space<hbm>>
      %dma_start3A_2169 = tpu.memref_slice %arg5[%dma_start3A_2162] : memref<4x!tpu.dma_semaphore, #tpu.memory_space<semaphore_mem>> -> memref<1x!tpu.dma_semaphore, #tpu.memory_space<semaphore_mem>>
      %dma_start3A_2170 = tpu.memref_squeeze %dma_start3A_2169 : memref<1x!tpu.dma_semaphore, #tpu.memory_space<semaphore_mem>> -> memref<!tpu.dma_semaphore, #tpu.memory_space<semaphore_mem>>
      %dma_start3A_2171 = arith.constant 0 : i32
      %dma_start3A_2172 = tpu.memref_slice %arg3[%add3A_2160, %dma_start3A_2171] : memref<16384x2048xf32, #tpu.memory_space<hbm>> -> memref<16x2048xf32, #tpu.memory_space<hbm>>
      %dma_start3A_2173 = arith.constant 0 : i32
      %dma_start3A_2174 = arith.constant 0 : i32
      %dma_start3A_2175 = tpu.memref_slice %arg4[%dma_start3A_2161, %dma_start3A_2173, %dma_start3A_2174] : memref<2x16x2048xf32, #tpu.memory_space<vmem>> -> memref<1x16x2048xf32, #tpu.memory_space<vmem>>
      %dma_start3A_2176 = tpu.memref_squeeze %dma_start3A_2175 : memref<1x16x2048xf32, #tpu.memory_space<vmem>> -> memref<16x2048xf32, #tpu.memory_space<vmem>>
      tpu.enqueue_dma source(%dma_start3A_2176 : memref<16x2048xf32, #tpu.memory_space<vmem>>) target(%dma_start3A_2172 : memref<16x2048xf32, #tpu.memory_space<hbm>>) target_semaphore(%dma_start3A_2170 : memref<!tpu.dma_semaphore, #tpu.memory_space<semaphore_mem>>)
      %add3A_2177 = arith.constant 2 : i32
      %add3A_2178 = arith.addi %add3A_1130, %add3A_2177 : i32
      %lt3A_2179 = arith.constant 32 : i32
      %lt3A_2180 = arith.cmpi slt, %add3A_2178, %lt3A_2179 : i32
      %convert_element_type3A_2181 = arith.extui %lt3A_2180 : i1 to i32
      %cond3A_2182 = arith.constant 0 : i32
      %cond3A_2183 = arith.cmpi ne, %convert_element_type3A_2181, %cond3A_2182 : i32
      scf.if %cond3A_2183 {
        %mul3A_2184 = arith.constant 16 : i32
        %mul3A_2185 = arith.muli %add3A_1130, %mul3A_2184 : i32
        %add3A_2186 = arith.addi %mul3A_2, %mul3A_2185 : i32
        %dma_wait3A_2187 = arith.constant 1 : i32
        %dma_wait3A_2188 = arith.constant 3 : i32
        %dma_wait3A_2189 = arith.constant 0 : i32
        %dma_wait3A_2190 = arith.constant 0 : i32
        %dma_wait3A_2191 = tpu.memref_slice %arg4[%dma_wait3A_2187, %dma_wait3A_2189, %dma_wait3A_2190] : memref<2x16x2048xf32, #tpu.memory_space<vmem>> -> memref<1x16x2048xf32, #tpu.memory_space<vmem>>
        %dma_wait3A_2192 = tpu.memref_squeeze %dma_wait3A_2191 : memref<1x16x2048xf32, #tpu.memory_space<vmem>> -> memref<16x2048xf32, #tpu.memory_space<vmem>>
        %dma_wait3A_2193 = arith.constant 0 : i32
        %dma_wait3A_2194 = tpu.memref_slice %arg3[%add3A_2186, %dma_wait3A_2193] : memref<16384x2048xf32, #tpu.memory_space<hbm>> -> memref<16x2048xf32, #tpu.memory_space<hbm>>
        %dma_wait3A_2195 = tpu.memref_slice %arg5[%dma_wait3A_2188] : memref<4x!tpu.dma_semaphore, #tpu.memory_space<semaphore_mem>> -> memref<1x!tpu.dma_semaphore, #tpu.memory_space<semaphore_mem>>
        %dma_wait3A_2196 = tpu.memref_squeeze %dma_wait3A_2195 : memref<1x!tpu.dma_semaphore, #tpu.memory_space<semaphore_mem>> -> memref<!tpu.dma_semaphore, #tpu.memory_space<semaphore_mem>>
        %dma_wait3A_2197 = arith.constant 0 : i32
        %dma_wait3A_2198 = tpu.memref_slice %arg3[%add3A_2186, %dma_wait3A_2197] : memref<16384x2048xf32, #tpu.memory_space<hbm>> -> memref<16x2048xf32, #tpu.memory_space<hbm>>
        %dma_wait3A_2199 = arith.constant 0 : i32
        %dma_wait3A_2200 = arith.constant 0 : i32
        %dma_wait3A_2201 = tpu.memref_slice %arg4[%dma_wait3A_2187, %dma_wait3A_2199, %dma_wait3A_2200] : memref<2x16x2048xf32, #tpu.memory_space<vmem>> -> memref<1x16x2048xf32, #tpu.memory_space<vmem>>
        %dma_wait3A_2202 = tpu.memref_squeeze %dma_wait3A_2201 : memref<1x16x2048xf32, #tpu.memory_space<vmem>> -> memref<16x2048xf32, #tpu.memory_space<vmem>>
        tpu.wait_dma2 semaphore(%dma_wait3A_2196 : memref<!tpu.dma_semaphore, #tpu.memory_space<semaphore_mem>>) src(%dma_wait3A_2202 : memref<16x2048xf32, #tpu.memory_space<vmem>>) dst(%dma_wait3A_2198 : memref<16x2048xf32, #tpu.memory_space<hbm>>)
        %add3A_2203 = arith.constant 2 : i32
        %add3A_2204 = arith.addi %add3A_1130, %add3A_2203 : i32
        %mul3A_2205 = arith.constant 16 : i32
        %mul3A_2206 = arith.muli %add3A_2204, %mul3A_2205 : i32
        %add3A_2207 = arith.addi %mul3A_2, %mul3A_2206 : i32
        %dma_start3A_2208 = arith.constant 1 : i32
        %dma_start3A_2209 = arith.constant 1 : i32
        %dma_start3A_2210 = arith.constant 0 : i32
        %dma_start3A_2211 = arith.constant 0 : i32
        %dma_start3A_2212 = tpu.memref_slice %arg4[%dma_start3A_2208, %dma_start3A_2210, %dma_start3A_2211] : memref<2x16x2048xf32, #tpu.memory_space<vmem>> -> memref<1x16x2048xf32, #tpu.memory_space<vmem>>
        %dma_start3A_2213 = tpu.memref_squeeze %dma_start3A_2212 : memref<1x16x2048xf32, #tpu.memory_space<vmem>> -> memref<16x2048xf32, #tpu.memory_space<vmem>>
        %dma_start3A_2214 = arith.constant 0 : i32
        %dma_start3A_2215 = tpu.memref_slice %arg2[%add3A_2207, %dma_start3A_2214] : memref<16384x2048xf32, #tpu.memory_space<hbm>> -> memref<16x2048xf32, #tpu.memory_space<hbm>>
        %dma_start3A_2216 = tpu.memref_slice %arg5[%dma_start3A_2209] : memref<4x!tpu.dma_semaphore, #tpu.memory_space<semaphore_mem>> -> memref<1x!tpu.dma_semaphore, #tpu.memory_space<semaphore_mem>>
        %dma_start3A_2217 = tpu.memref_squeeze %dma_start3A_2216 : memref<1x!tpu.dma_semaphore, #tpu.memory_space<semaphore_mem>> -> memref<!tpu.dma_semaphore, #tpu.memory_space<semaphore_mem>>
        %dma_start3A_2218 = arith.constant 0 : i32
        %dma_start3A_2219 = arith.constant 0 : i32
        %dma_start3A_2220 = tpu.memref_slice %arg4[%dma_start3A_2208, %dma_start3A_2218, %dma_start3A_2219] : memref<2x16x2048xf32, #tpu.memory_space<vmem>> -> memref<1x16x2048xf32, #tpu.memory_space<vmem>>
        %dma_start3A_2221 = tpu.memref_squeeze %dma_start3A_2220 : memref<1x16x2048xf32, #tpu.memory_space<vmem>> -> memref<16x2048xf32, #tpu.memory_space<vmem>>
        %dma_start3A_2222 = arith.constant 0 : i32
        %dma_start3A_2223 = tpu.memref_slice %arg2[%add3A_2207, %dma_start3A_2222] : memref<16384x2048xf32, #tpu.memory_space<hbm>> -> memref<16x2048xf32, #tpu.memory_space<hbm>>
        tpu.enqueue_dma source(%dma_start3A_2223 : memref<16x2048xf32, #tpu.memory_space<hbm>>) target(%dma_start3A_2221 : memref<16x2048xf32, #tpu.memory_space<vmem>>) target_semaphore(%dma_start3A_2217 : memref<!tpu.dma_semaphore, #tpu.memory_space<semaphore_mem>>)
      } else {
      }
    }
    %scan3A_42 = arith.constant 16 : i32
    %add3A_43 = arith.constant 480 : i32
    %add3A_44 = arith.addi %mul3A_2, %add3A_43 : i32
    %dma_wait3A = arith.constant 0 : i32
    %dma_wait3A_45 = arith.constant 2 : i32
    %dma_wait3A_46 = arith.constant 0 : i32
    %dma_wait3A_47 = arith.constant 0 : i32
    %dma_wait3A_48 = tpu.memref_slice %arg4[%dma_wait3A, %dma_wait3A_46, %dma_wait3A_47] : memref<2x16x2048xf32, #tpu.memory_space<vmem>> -> memref<1x16x2048xf32, #tpu.memory_space<vmem>>
    %dma_wait3A_49 = tpu.memref_squeeze %dma_wait3A_48 : memref<1x16x2048xf32, #tpu.memory_space<vmem>> -> memref<16x2048xf32, #tpu.memory_space<vmem>>
    %dma_wait3A_50 = arith.constant 0 : i32
    %dma_wait3A_51 = tpu.memref_slice %arg3[%add3A_44, %dma_wait3A_50] : memref<16384x2048xf32, #tpu.memory_space<hbm>> -> memref<16x2048xf32, #tpu.memory_space<hbm>>
    %dma_wait3A_52 = tpu.memref_slice %arg5[%dma_wait3A_45] : memref<4x!tpu.dma_semaphore, #tpu.memory_space<semaphore_mem>> -> memref<1x!tpu.dma_semaphore, #tpu.memory_space<semaphore_mem>>
    %dma_wait3A_53 = tpu.memref_squeeze %dma_wait3A_52 : memref<1x!tpu.dma_semaphore, #tpu.memory_space<semaphore_mem>> -> memref<!tpu.dma_semaphore, #tpu.memory_space<semaphore_mem>>
    %dma_wait3A_54 = arith.constant 0 : i32
    %dma_wait3A_55 = tpu.memref_slice %arg3[%add3A_44, %dma_wait3A_54] : memref<16384x2048xf32, #tpu.memory_space<hbm>> -> memref<16x2048xf32, #tpu.memory_space<hbm>>
    %dma_wait3A_56 = arith.constant 0 : i32
    %dma_wait3A_57 = arith.constant 0 : i32
    %dma_wait3A_58 = tpu.memref_slice %arg4[%dma_wait3A, %dma_wait3A_56, %dma_wait3A_57] : memref<2x16x2048xf32, #tpu.memory_space<vmem>> -> memref<1x16x2048xf32, #tpu.memory_space<vmem>>
    %dma_wait3A_59 = tpu.memref_squeeze %dma_wait3A_58 : memref<1x16x2048xf32, #tpu.memory_space<vmem>> -> memref<16x2048xf32, #tpu.memory_space<vmem>>
    tpu.wait_dma2 semaphore(%dma_wait3A_53 : memref<!tpu.dma_semaphore, #tpu.memory_space<semaphore_mem>>) src(%dma_wait3A_59 : memref<16x2048xf32, #tpu.memory_space<vmem>>) dst(%dma_wait3A_55 : memref<16x2048xf32, #tpu.memory_space<hbm>>)
    %add3A_60 = arith.constant 496 : i32
    %add3A_61 = arith.addi %mul3A_2, %add3A_60 : i32
    %dma_wait3A_62 = arith.constant 1 : i32
    %dma_wait3A_63 = arith.constant 3 : i32
    %dma_wait3A_64 = arith.constant 0 : i32
    %dma_wait3A_65 = arith.constant 0 : i32
    %dma_wait3A_66 = tpu.memref_slice %arg4[%dma_wait3A_62, %dma_wait3A_64, %dma_wait3A_65] : memref<2x16x2048xf32, #tpu.memory_space<vmem>> -> memref<1x16x2048xf32, #tpu.memory_space<vmem>>
    %dma_wait3A_67 = tpu.memref_squeeze %dma_wait3A_66 : memref<1x16x2048xf32, #tpu.memory_space<vmem>> -> memref<16x2048xf32, #tpu.memory_space<vmem>>
    %dma_wait3A_68 = arith.constant 0 : i32
    %dma_wait3A_69 = tpu.memref_slice %arg3[%add3A_61, %dma_wait3A_68] : memref<16384x2048xf32, #tpu.memory_space<hbm>> -> memref<16x2048xf32, #tpu.memory_space<hbm>>
    %dma_wait3A_70 = tpu.memref_slice %arg5[%dma_wait3A_63] : memref<4x!tpu.dma_semaphore, #tpu.memory_space<semaphore_mem>> -> memref<1x!tpu.dma_semaphore, #tpu.memory_space<semaphore_mem>>
    %dma_wait3A_71 = tpu.memref_squeeze %dma_wait3A_70 : memref<1x!tpu.dma_semaphore, #tpu.memory_space<semaphore_mem>> -> memref<!tpu.dma_semaphore, #tpu.memory_space<semaphore_mem>>
    %dma_wait3A_72 = arith.constant 0 : i32
    %dma_wait3A_73 = tpu.memref_slice %arg3[%add3A_61, %dma_wait3A_72] : memref<16384x2048xf32, #tpu.memory_space<hbm>> -> memref<16x2048xf32, #tpu.memory_space<hbm>>
    %dma_wait3A_74 = arith.constant 0 : i32
    %dma_wait3A_75 = arith.constant 0 : i32
    %dma_wait3A_76 = tpu.memref_slice %arg4[%dma_wait3A_62, %dma_wait3A_74, %dma_wait3A_75] : memref<2x16x2048xf32, #tpu.memory_space<vmem>> -> memref<1x16x2048xf32, #tpu.memory_space<vmem>>
    %dma_wait3A_77 = tpu.memref_squeeze %dma_wait3A_76 : memref<1x16x2048xf32, #tpu.memory_space<vmem>> -> memref<16x2048xf32, #tpu.memory_space<vmem>>
    tpu.wait_dma2 semaphore(%dma_wait3A_71 : memref<!tpu.dma_semaphore, #tpu.memory_space<semaphore_mem>>) src(%dma_wait3A_77 : memref<16x2048xf32, #tpu.memory_space<vmem>>) dst(%dma_wait3A_73 : memref<16x2048xf32, #tpu.memory_space<hbm>>)
    return
  }
}

</mosaic_0001>

<sc_bundles>
// kernel: kernel.3.cloned.1.call-start
scs
__scs_entry_jumppad:
0x0: {  	(pc) =	sbr.rel $0x88, $3  }
0x1: {  	(tag) =	ssettag $0x0;
	lr =	simm.s32 $0x1  }
0x2: {  	[smem:$0x3FA0] =	sst lr;
	_ =	strace $0xD0000000  }
0x3: {  	_ = 	snop  }
0x4: {  	_ = 	snop  }
0x5: {  	_ = 	snop  }
0x6: {  	_ = 	snop  }
0x7: {  	_ = 	snop  }
__scs_overlays_trampoline_lowered:
0x8: {  	[smem:$0x3FAF] =	sst s0  }
0x9: {  	[smem:$0x3FB0] =	sst s1  }
0xa: {  	[smem:$0x3FB1] =	sst s2  }
0xb: {  	[smem:$0x3FB2] =	sst s3  }
0xc: {  	[smem:$0x3FB3] =	sst s4  }
0xd: {  	[smem:$0x3FB4] =	sst s5  }
0xe: {  	[smem:$0x3FB5] =	sst s6  }
0xf: {  	[smem:$0x3FB6] =	sst s7  }
0x10: {  	[smem:$0x3FB7] =	sst s8  }
0x11: {  	[smem:$0x3FB8] =	sst s9;
	s0 =	simm.s32 @!p0 $0x0  }
0x12: {  	s1 =	sld [smem:$0x3F9E];
	s0 =	simm.s32 @p0 $0x1  }
0x13: {  	[smem:$0x3FB9] =	sst s0;
	s0 =	simm.s32 @!p1 $0x0  }
0x14: {  	s2 =	sld [smem:$0x3F9D];
	s0 =	simm.s32 @p1 $0x1  }
0x15: {  	[smem:$0x3FBA] =	sst s0;
	s0 =	simm.s32 @!p2 $0x0  }
0x16: {  	s3 =	sld [smem:$0x3FDB];
	s0 =	simm.s32 @p2 $0x1  }
0x17: {  	s4 =	simm.s32 $0x1BF5;
	[smem:$0x3FBC] =	sst s0  }
0x18: {  	s0 =	sld [smem:$0x3F9F];
	_ =	swait.ge [sflag:s4], $0x0  }
0x19: {  	s7 =	sld [smem:$0x3FA0]  }
0x1a: {  	s8 =	sadd.s32 $0xFFFFE003, lr  }
0x1b: {  	s9 =	sadd.s32 $0xFFFFFEF7, lr;
	s5 =	simm.s32 $0xFFFFFFFF;
	p2 =	slt.u32 s8, $0xFFFFF086  }
0x1c: {  	p1 =	slt.u32 s9, $0xF7A;
	s5 =	simm.s32 @!p2 $0x0  }
0x1d: {  	s5 =	simm.s32 @p1 $0x1;
	p0 =	seq.s32 s7, s2  }
0x1e: {  	s7 =	smul.u32 @!p0 $0xF7A, s2;
	p2 =	seq.s32 @!p0 s5, $0x0  }
0x1f: {  	s9 =	smul.u32 $0xF7A, s1;
	s8 =	simm.s32 @!p0 $0x1BF5;
	p2 =	por !p2, p0  }
0x20: {  	[sflag:s8] =	ssyncset.s32 @!p0 $0xFFFFF086;
	s6 =	sadd.s32 @!p0 s3, s7;
	s7 =	simm.s32 @!p0 $0x108  }
0x21: {  	s3 =	sadd.s32 s3, s9;
	s6 =	sadd.s32 @!p0 $0x88, s6;
	s7 =	simm.s32 @p2 $0x1082  }
0x22: {  	[simem:s7], [sflag:s8] =	dma.local @!p0 [hbm:s6], $0xF7A  }
0x23: {  	s9 =	sor.u32 $0xD0000000, s2;
	s6 =	simm.s32 $0x108;
	_ =	swait.ge @!p0 [sflag:s8], $0x0  }
0x24: {  	s3 =	sadd.s32 $0x88, s3;
	s6 =	simm.s32 @!p1 $0x1082;
	[sflag:s4] =	ssyncset.s32 $0xFFFFF086  }
0x25: {  	[simem:s6], [sflag:s4] =	dma.local [hbm:s3], $0xF7A  }
0x26: {  	[smem:$0x3FA0] =	sst s1;
	(tag) =	ssettag s2;
	_ =	strace s9  }
0x27: {  	s1 =	sld [smem:$0x3FB0]  }
0x28: {  	s2 =	sld [smem:$0x3FB1]  }
0x29: {  	s4 =	sld [smem:$0x3FB3]  }
0x2a: {  	p0 =	seq.s32 s5, $0x0;
	s5 =	sld [smem:$0x3FB4]  }
0x2b: {  	s6 =	sld [smem:$0x3FB5]  }
0x2c: {  	s7 =	sld [smem:$0x3FB6]  }
0x2d: {  	s3 =	simm.s32 $0x108;
	s8 =	sld [smem:$0x3FB7]  }
0x2e: {  	s3 =	simm.s32 @!p0 $0x1082;
	s9 =	sld [smem:$0x3FB8]  }
0x2f: {  	lr =	sadd.s32 s0, s3;
	s0 =	sld [smem:$0x3FAF]  }
0x30: {  	s3 =	sld [smem:$0x3FB2]  }
0x31: {  	[smem:$0x3FBB] =	sst s10  }
0x32: {  	s10 =	sld [smem:$0x3FB9];
	_ =	sdelay $0x3  }
0x33: {  	p0 =	seq.s32 s10, $0x1;
	s10 =	sld [smem:$0x3FBB];
	_ =	sdelay $0x3  }
0x34: {  	[smem:$0x3FBB] =	sst s10  }
0x35: {  	s10 =	sld [smem:$0x3FBA];
	_ =	sdelay $0x3  }
0x36: {  	p1 =	seq.s32 s10, $0x1;
	s10 =	sld [smem:$0x3FBB];
	_ =	sdelay $0x3  }
0x37: {  	[smem:$0x3FBB] =	sst s10  }
0x38: {  	s10 =	sld [smem:$0x3FBC]  }
0x39: {  	_ = 	snop;
	(pc) =	sbr.ind lr, $3  }
0x3a: {  	_ = 	snop  }
0x3b: {  	_ = 	snop  }
0x3c: {  	p2 =	seq.s32 s10, $0x1;
	s10 =	sld [smem:$0x3FBB]  }
0x3d: {  	_ =	shalt  }
0x3e: {  	_ =	shalt  }
0x3f: {  	_ =	shalt  }
0x40: {  	_ =	shalt  }
0x41: {  	_ =	shalt  }
0x42: {  	_ =	shalt  }
0x43: {  	_ =	shalt  }
0x44: {  	_ =	shalt  }
0x45: {  	_ =	shalt  }
0x46: {  	_ =	shalt  }
0x47: {  	_ =	shalt  }
0x48: {  	_ =	shalt  }
0x49: {  	_ =	shalt  }
0x4a: {  	_ =	shalt  }
0x4b: {  	_ =	shalt  }
0x4c: {  	_ =	shalt  }
0x4d: {  	_ =	shalt  }
0x4e: {  	_ =	shalt  }
0x4f: {  	_ =	shalt  }
0x50: {  	_ =	shalt  }
0x51: {  	_ =	shalt  }
0x52: {  	_ =	shalt  }
0x53: {  	_ =	shalt  }
0x54: {  	_ =	shalt  }
0x55: {  	_ =	shalt  }
0x56: {  	_ =	shalt  }
0x57: {  	_ =	shalt  }
0x58: {  	_ =	shalt  }
0x59: {  	_ =	shalt  }
0x5a: {  	_ =	shalt  }
0x5b: {  	_ =	shalt  }
0x5c: {  	_ =	shalt  }
0x5d: {  	_ =	shalt  }
0x5e: {  	_ =	shalt  }
0x5f: {  	_ =	shalt  }
0x60: {  	_ =	shalt  }
0x61: {  	_ =	shalt  }
0x62: {  	_ =	shalt  }
0x63: {  	_ =	shalt  }
0x64: {  	_ =	shalt  }
0x65: {  	_ =	shalt  }
0x66: {  	_ =	shalt  }
0x67: {  	_ =	shalt  }
0x68: {  	_ =	shalt  }
0x69: {  	_ =	shalt  }
0x6a: {  	_ =	shalt  }
0x6b: {  	_ =	shalt  }
0x6c: {  	_ =	shalt  }
0x6d: {  	_ =	shalt  }
0x6e: {  	_ =	shalt  }
0x6f: {  	_ =	shalt  }
0x70: {  	_ =	shalt  }
0x71: {  	_ =	shalt  }
0x72: {  	_ =	shalt  }
0x73: {  	_ =	shalt  }
0x74: {  	_ =	shalt  }
0x75: {  	_ =	shalt  }
0x76: {  	_ =	shalt  }
0x77: {  	_ =	shalt  }
0x78: {  	_ =	shalt  }
0x79: {  	_ =	shalt  }
0x7a: {  	_ =	shalt  }
0x7b: {  	_ =	shalt  }
0x7c: {  	_ =	shalt  }
0x7d: {  	_ =	shalt  }
0x7e: {  	_ =	shalt  }
0x7f: {  	_ =	shalt  }
0x80: {  	_ =	shalt  }
0x81: {  	_ =	shalt  }
0x82: {  	_ =	shalt  }
0x83: {  	_ =	shalt  }
0x84: {  	_ =	shalt  }
0x85: {  	_ =	shalt  }
0x86: {  	_ =	shalt  }
0x87: {  	_ =	shalt  }
.Lfunc_end0:
.L_simem_size_0:
called_computation_lowered:
.L_overlay_start_0:
0x88: {  	s2 =	sld [smem:$0x3FD9]  }
0x89: {  	s3 =	sld [smem:$0x3FFE];
	_ =	sdelay $0x1  }
0x8a: {  	s1 =	srdreg.scid  }
0x8b: {  	s0 =	sand.u32 $0x1, s1  }
0x8c: {  	s18 =	sshll.u32 s0, $0xA;
	s2 =	sadd.s32 s3, s2  }
0x8d: {  	s2 =	sadd.s32 s2, s18  }
0x8e: {  	[smem:$0x3FC7] =	sst s2  }
0x8f: {  	_ = 	snop  }
0x90: {  	s2 =	sld [smem:$0x3FC9]  }
0x91: {  	s19 =	sld [smem:$0x3FD0];
	(tm) =	ssettm $0x1  }
0x92: {  	s4 =	sld [smem:$0x3FFB];
	_ =	sdelay $0x3  }
0x93: {  	_ =	strace s4  }
0x94: {  	s4 =	sld [smem:$0x3FFC];
	_ =	sdelay $0x3  }
0x95: {  	_ =	strace s4  }
0x96: {  	s4 =	sld [smem:$0x3FFD];
	_ =	sdelay $0x3  }
0x97: {  	_ =	strace s4  }
0x98: {  	_ =	strace $0x8FFFFFFF  }
0x99: {  	s20 =	sld [smem:$0x3FDB];
	_ =	sdelay $0x1  }
0x9a: {  	s5 =	simm.s32 $_scs_section_size  }
0x9b: {  	s6 =	simm.s32 $_size__tile_overlayer_lowered;
	s7 =	simm.s32 $_tile_overlayer_lowered  }
0x9c: {  	s23 =	simm.s32 $0x1BFF;
	s22 =	sshll.u32 s7, $0x1;
	s4 =	sadd.s32 s5, s20  }
0x9d: {  	s8 =	simm.s32 $0x0;
	s21 =	sshll.u32 s6, $0x1;
	s6 =	sadd.s32 s22, s4  }
0x9e: {  	[timem:s8], [sflag:s23] =	dma.local [hbm:s6], s21  }
0x9f: {  	_ =	swait.ge [sflag:s23], s21  }
0xa0: {  	s5 =	ssub.s32 $0x0, s21;
	[sflag:s23] =	ssyncset.done $0x0  }
0xa1: {  	[sflag:s23] =	ssyncadd.s32 s5;
	_ =	sdelay $0x1  }
0xa2: {  	s24 =	simm.s32 $0x1B8B  }
0xa3: {  	_ =	swait.ge [sflag:s24], $0x1  }
0xa4: {  	[sflag:s24] =	ssyncset.done $0x0  }
0xa5: {  	s25 =	simm.s32 $0x1B8E;
	[sflag:s24] =	ssyncadd.s32 $0xFFFFFFFF  }
0xa6: {  	s26 =	simm.s32 $execute0_lowered;
	[smem:$0x3FD2] =	sst s25  }
0xa7: {  	s5 =	sshll.u32 s26, $0x1;
	_ =	strace $0x80000046;
	[dreg:$0x1] =	wrdreg $0xFFFFFFFF  }
0xa8: {  	s28 =	simm.s32 $_size_execute0_lowered;
	s4 =	sadd.s32 s4, s5;
	[dreg:$0x0] =	wrdreg $0x0  }
0xa9: {  	s5 =	sshll.u32 s28, $0x1;
	[dreg:$0x2] =	wrdreg s4  }
0xaa: {  	[dreg:$0x3] =	wrdreg s5  }
0xab: {  	[dreg:$0x4] =	wrdreg $0xC0  }
0xac: {  	_ =	task [dreg:s8], $0x5FFFF  }
0xad: {  	[dreg:$0x1] =	wrdreg $0xFFFFFFFF  }
0xae: {  	[dreg:$0x0] =	wrdreg $0x60  }
0xaf: {  	[dreg:$0x2] =	wrdreg s2  }
0xb0: {  	[dreg:$0x3] =	wrdreg s19  }
0xb1: {  	[dreg:$0x4] =	wrdreg $0x9  }
0xb2: {  	_ =	task.clear_ibuf [dreg:s8], $0x5FFFF;
	_ =	strace $0x90000046  }
0xb3: {  	s29 =	simm.s32 $0x9;
	_ =	strace $0x80000048  }
0xb4: {  	_ =	swait.ge [sflag:s29], $0x1  }
0xb5: {  	[sflag:s29] =	ssyncadd.s32 $0xFFFFFFFF  }
0xb6: {  	_ =	strace $0x90000048  }
0xb7: {  	_ =	sfence  }
0xb8: {  	s30 =	sld [smem:$0x0];
	_ =	sdelay $0x2  }
0xb9: {  	s31 =	sshll.u32 s1, $0xD;
	s1 =	sshrl.u32 s1, $0x2  }
0xba: {  	s3 =	sand.u32 $0x4000, s31;
	s1 =	sadd.s32 s1, s30  }
0xbb: {  	s0 =	sor.u32 s3, s0;
	s1 =	sshll.u32 s1, $0x11  }
0xbc: {  	s0 =	sor.u32 s1, s0  }
0xbd: {  	s0 =	sadd.s32 $0x8F2B, s0  }
0xbe: {  	[sflag:s0] =	ssyncadd.remote.s32 $0x1  }
0xbf: {  	_ =	sfence.sel $0xFFFF  }
0xc0: {  	[dreg:$0x0] =	wrdreg $0xFFFFFFFF;
	(pc) =	sbr.abs _section_cstart, $3  }
0xc1: {  	[dreg:$0x1] =	wrdreg $0xFFFFFFFF  }
0xc2: {  	_ =	task.clear_ibuf [dreg:s8], $0x2FFFF;
	_ =	strace $0x9FFFFFFF  }
0xc3: {  	(tm) =	ssettm $0x7FFFFFFF  }
tec
execute0_lowered:
.L_overlay_start_1:
0x0: {  	(tag) =	ssettag $0x1  }
0x1: {  	s5 =	rddreg [dreg:$0x0]  }
0x2: {  	s6 =	rddreg [dreg:$0x1]  }
0x3: {  	s0 =	rddreg [dreg:$0x2];
	s3 =	srdreg.scid;
	s2 =	simm.s32 $0x0  }
0x4: {  	s1 =	stileid.u32;
	s11 =	simm.s32 $0x3;
	s12 =	simm.s32 $0x4  }
0x5: {  	s13 =	simm.s32 $0x0;
	s3 =	sand.u32 $0x1, s3;
	s7 =	sshll.u32 s1, $0x12  }
0x6: {  	[smem:$0x7FF] =	sst s2;
	s4 =	ssub.s32 $0x2, s3;
	s8 =	sshll.u32 s3, $0x11  }
.Ltmp0:
0x7: {  	_ =	strace $0x80000047;
	s6 =	sadd.s32 s7, s6;
	(pc) =	sbr.rel .LBB2_1-.Ltmp0, $4  }
0x8: {  	s31 =	sshrl.u32 s4, $0x1;
	s9 =	sor.u32 s8, s7;
	s7 =	sadd.s32 s7, s5  }
0x9: {  	s6 =	sadd.s32 s8, s6;
	s10 =	ssub.s32 s4, s31;
	s3 =	sadd.s32 s5, s9  }
0xa: {  	s7 =	sadd.s32 s8, s7;
	s8 =	simm.s32 $0x8000;
	s9 =	simm.s32 $0x1  }
0xb: {  	v0 =	vlaneseq.u32;
	s4 =	sadd.s32 $0x1000, s3;
	s5 =	smax.u32 s10, $0x1;
	s10 =	simm.s32 $0x2  }
.LBB2_4:
0xc: {  	s13 =	sadd.s32 $0x1, s13  }
0xd: {  	_ =	swait.ge [sflag:s11], $0x8000;
	p0 =	sne.s32 s13, s5  }
.Ltmp1:
0xe: {  	[sflag:s11] =	ssyncset.done $0x0;
	(pc) =	sbr.rel @!p0 .LBB2_5-.Ltmp1, $4  }
0xf: {  	[sflag:s11] =	ssyncadd.s32 $0xFFFF8000  }
0x10: {  	_ =	swait.ge [sflag:s12], $0x8000  }
0x11: {  	[sflag:s12] =	ssyncset.done $0x0  }
0x12: {  	[sflag:s12] =	ssyncadd.s32 $0xFFFF8000  }
.LBB2_1:
0x13: {  	[tilespmem:s2], [sflag:$0x1] =	stream.linear.gather [hbm4b:s3+s2], $0x8000, $0x38;
	[tilespmem:$0x10000] =	vst v63  }
0x14: {  	s14 =	simm.s32 $0x0  }
0x15: {  	[tilespmem:s8], [sflag:$0x2] =	stream.linear.gather [hbm4b:s4+s2], $0x8000, $0x38;
	[tilespmem:$0x10000] =	vst v63  }
.LBB2_2:
0x16: {  	_ =	swait.ge [sflag:s9], $0x8000  }
0x17: {  	[sflag:s9] =	ssyncset.done $0x0  }
0x18: {  	[sflag:s9] =	ssyncadd.s32 $0xFFFF8000  }
0x19: {  	v1 =	vld [tilespmem:$0x420]  }
0x1a: {  	v2 =	vld [tilespmem:$0x4A0]  }
0x1b: {  	v3 =	vld [tilespmem:$0x520]  }
0x1c: {  	v4 =	vld [tilespmem:$0x5A0]  }
0x1d: {  	vm0 =	veq.s32 v0, $0x2;
	v5 =	vld [tilespmem:$0x620]  }
0x1e: {  	v6 =	vld [tilespmem:$0x6A0];
	v1 =	vsel vm0, $0x0, v1  }
0x1f: {  	[tilespmem:$0x420] =	vst v1;
	v1 =	vsel vm0, $0x0, v2;
	v2 =	vld [tilespmem:$0x720]  }
0x20: {  	[tilespmem:$0x4A0] =	vst v1;
	v1 =	vsel vm0, $0x0, v3;
	v3 =	vld [tilespmem:$0x7A0]  }
0x21: {  	v13 =	vld [tilespmem:$0x4420];
	[tilespmem:$0x520] =	vst v1;
	v1 =	vsel vm0, $0x0, v4  }
0x22: {  	v14 =	vld [tilespmem:$0x44A0];
	[tilespmem:$0x5A0] =	vst v1;
	v1 =	vsel vm0, $0x0, v5  }
0x23: {  	v15 =	vld [tilespmem:$0x4520];
	[tilespmem:$0x620] =	vst v1;
	v1 =	vsel vm0, $0x0, v6  }
0x24: {  	[tilespmem:$0x6A0] =	vst v1;
	v1 =	vsel vm0, $0x0, v2;
	v2 =	vld [tilespmem:$0x45A0]  }
0x25: {  	[tilespmem:$0x720] =	vst v1;
	v1 =	vsel vm0, $0x0, v3;
	v3 =	vld [tilespmem:$0x4620]  }
0x26: {  	v16 =	vld [tilespmem:$0x46A0];
	[tilespmem:$0x7A0] =	vst v1;
	v1 =	vsel vm0, $0x0, v13  }
0x27: {  	v17 =	vld [tilespmem:$0x4720];
	[tilespmem:$0x4420] =	vst v1;
	v1 =	vsel vm0, $0x0, v14  }
0x28: {  	v18 =	vld [tilespmem:$0x47A0];
	[tilespmem:$0x44A0] =	vst v1;
	v1 =	vsel vm0, $0x0, v15  }
0x29: {  	[tilespmem:$0x4520] =	vst v1;
	v1 =	vsel vm0, $0x0, v2;
	v2 =	vld [tilespmem:$0x2040]  }
0x2a: {  	[tilespmem:$0x45A0] =	vst v1;
	v1 =	vsel vm0, $0x0, v3;
	v3 =	vld [tilespmem:$0x20C0]  }
0x2b: {  	v19 =	vld [tilespmem:$0x2140];
	[tilespmem:$0x4620] =	vst v1;
	v1 =	vsel vm0, $0x0, v16  }
0x2c: {  	v20 =	vld [tilespmem:$0x21C0];
	[tilespmem:$0x46A0] =	vst v1;
	v1 =	vsel vm0, $0x0, v17  }
0x2d: {  	vm1 =	veq.s32 v0, $0xA;
	v21 =	vld [tilespmem:$0x2240];
	[tilespmem:$0x4720] =	vst v1;
	v1 =	vsel vm0, $0x0, v18  }
0x2e: {  	[tilespmem:$0x47A0] =	vst v1;
	v1 =	vsel vm1, $0x0, v2;
	v2 =	vld [tilespmem:$0x22C0]  }
0x2f: {  	[tilespmem:$0x2040] =	vst v1;
	v1 =	vsel vm1, $0x0, v3;
	v3 =	vld [tilespmem:$0x2340]  }
0x30: {  	v22 =	vld [tilespmem:$0x23C0];
	[tilespmem:$0x20C0] =	vst v1;
	v1 =	vsel vm1, $0x0, v19  }
0x31: {  	v23 =	vld [tilespmem:$0x6040];
	[tilespmem:$0x2140] =	vst v1;
	v1 =	vsel vm1, $0x0, v20  }
0x32: {  	v24 =	vld [tilespmem:$0x60C0];
	[tilespmem:$0x21C0] =	vst v1;
	v1 =	vsel vm1, $0x0, v21  }
0x33: {  	[tilespmem:$0x2240] =	vst v1;
	v1 =	vsel vm1, $0x0, v2;
	v2 =	vld [tilespmem:$0x6140]  }
0x34: {  	[tilespmem:$0x22C0] =	vst v1;
	v1 =	vsel vm1, $0x0, v3;
	v3 =	vld [tilespmem:$0x61C0]  }
0x35: {  	v25 =	vld [tilespmem:$0x6240];
	[tilespmem:$0x2340] =	vst v1;
	v1 =	vsel vm1, $0x0, v22  }
0x36: {  	v26 =	vld [tilespmem:$0x62C0];
	[tilespmem:$0x23C0] =	vst v1;
	v1 =	vsel vm1, $0x0, v23  }
0x37: {  	v27 =	vld [tilespmem:$0x6340];
	[tilespmem:$0x6040] =	vst v1;
	v1 =	vsel vm1, $0x0, v24  }
0x38: {  	[tilespmem:$0x60C0] =	vst v1;
	v1 =	vsel vm1, $0x0, v2;
	v2 =	vld [tilespmem:$0x63C0]  }
0x39: {  	[tilespmem:$0x6140] =	vst v1;
	v1 =	vsel vm1, $0x0, v3;
	v3 =	vld [tilespmem:$0x2860]  }
0x3a: {  	v28 =	vld [tilespmem:$0x28E0];
	[tilespmem:$0x61C0] =	vst v1;
	v1 =	vsel vm1, $0x0, v25  }
0x3b: {  	v29 =	vld [tilespmem:$0x2960];
	[tilespmem:$0x6240] =	vst v1;
	v1 =	vsel vm1, $0x0, v26  }
0x3c: {  	v30 =	vld [tilespmem:$0x29E0];
	[tilespmem:$0x62C0] =	vst v1;
	v1 =	vsel vm1, $0x0, v27  }
0x3d: {  	vm2 =	veq.s32 v0, $0x1;
	[tilespmem:$0x6340] =	vst v1;
	v1 =	vsel vm1, $0x0, v2;
	v2 =	vld [tilespmem:$0x2A60]  }
0x3e: {  	[tilespmem:$0x63C0] =	vst v1;
	v1 =	vsel vm2, $0x0, v3;
	v3 =	vld [tilespmem:$0x2AE0]  }
0x3f: {  	v31 =	vld [tilespmem:$0x2B60];
	[tilespmem:$0x2860] =	vst v1;
	v1 =	vsel vm2, $0x0, v28  }
0x40: {  	v32 =	vld [tilespmem:$0x2BE0];
	[tilespmem:$0x28E0] =	vst v1;
	v1 =	vsel vm2, $0x0, v29  }
0x41: {  	v33 =	vld [tilespmem:$0x6860];
	[tilespmem:$0x2960] =	vst v1;
	v1 =	vsel vm2, $0x0, v30  }
0x42: {  	[tilespmem:$0x29E0] =	vst v1;
	v1 =	vsel vm2, $0x0, v2;
	v2 =	vld [tilespmem:$0x68E0]  }
0x43: {  	[tilespmem:$0x2A60] =	vst v1;
	v1 =	vsel vm2, $0x0, v3;
	v3 =	vld [tilespmem:$0x6960]  }
0x44: {  	v34 =	vld [tilespmem:$0x69E0];
	[tilespmem:$0x2AE0] =	vst v1;
	v1 =	vsel vm2, $0x0, v31  }
0x45: {  	v35 =	vld [tilespmem:$0x6A60];
	[tilespmem:$0x2B60] =	vst v1;
	v1 =	vsel vm2, $0x0, v32  }
0x46: {  	v36 =	vld [tilespmem:$0x6AE0];
	[tilespmem:$0x2BE0] =	vst v1;
	v1 =	vsel vm2, $0x0, v33  }
0x47: {  	[tilespmem:$0x6860] =	vst v1;
	v1 =	vsel vm2, $0x0, v2;
	v2 =	vld [tilespmem:$0x6B60]  }
0x48: {  	[tilespmem:$0x68E0] =	vst v1;
	v1 =	vsel vm2, $0x0, v3;
	v3 =	vld [tilespmem:$0x6BE0]  }
0x49: {  	[tilespmem:$0x6960] =	vst v1;
	v1 =	vsel vm2, $0x0, v34  }
0x4a: {  	[tilespmem:$0x69E0] =	vst v1;
	v1 =	vsel vm2, $0x0, v35  }
0x4b: {  	[tilespmem:$0x6A60] =	vst v1;
	v1 =	vsel vm2, $0x0, v36  }
0x4c: {  	[tilespmem:$0x6AE0] =	vst v1;
	v1 =	vsel vm2, $0x0, v2  }
0x4d: {  	p0 =	seq.s32 s14, $0x1E000;
	[tilespmem:$0x6B60] =	vst v1;
	v1 =	vsel vm2, $0x0, v3  }
0x4e: {  	s15 =	sadd.s32 s14, s6;
	s16 =	simm.s32 @!p0 $0x3;
	[tilespmem:$0x6BE0] =	vst v1  }
0x4f: {  	[hbm4b:s15+s2] =	stream.linear.scatter [tilespmem:s2], [sflag:$0x3], $0x8000, $0x38;
	[tilespmem:$0x10000] =	vst v63  }
0x50: {  	_ =	swait.ge @!p0 [sflag:s16], $0x8000  }
0x51: {  	s17 =	sadd.s32 @!p0 s14, s7;
	[sflag:s16] =	ssyncset.done @!p0 $0x0  }
0x52: {  	[sflag:s16] =	ssyncadd.s32 @!p0 $0xFFFF8000;
	s16 =	sadd.s32 @!p0 $0x2000, s17;
	s17 =	simm.s32 @!p0 $0x0  }
0x53: {  	[tilespmem:s17], [sflag:$0x1] =	stream.linear.gather @!p0 [hbm4b:s16+s17], $0x8000, $0x38;
	[tilespmem:$0x10000] =	vst v63  }
0x54: {  	_ =	swait.ge [sflag:s10], $0x8000  }
0x55: {  	[sflag:s10] =	ssyncset.done $0x0  }
0x56: {  	[sflag:s10] =	ssyncadd.s32 $0xFFFF8000  }
0x57: {  	v1 =	vld [tilespmem:$0x8420]  }
0x58: {  	v2 =	vld [tilespmem:$0x84A0]  }
0x59: {  	v3 =	vld [tilespmem:$0x8520]  }
0x5a: {  	v37 =	vld [tilespmem:$0x85A0]  }
0x5b: {  	v38 =	vld [tilespmem:$0x8620]  }
0x5c: {  	v39 =	vld [tilespmem:$0x86A0];
	v1 =	vsel vm0, $0x0, v1  }
0x5d: {  	[tilespmem:$0x8420] =	vst v1;
	v1 =	vsel vm0, $0x0, v2;
	v2 =	vld [tilespmem:$0x8720]  }
0x5e: {  	[tilespmem:$0x84A0] =	vst v1;
	v1 =	vsel vm0, $0x0, v3;
	v3 =	vld [tilespmem:$0x87A0]  }
0x5f: {  	v40 =	vld [tilespmem:$0xC420];
	[tilespmem:$0x8520] =	vst v1;
	v1 =	vsel vm0, $0x0, v37  }
0x60: {  	v41 =	vld [tilespmem:$0xC4A0];
	[tilespmem:$0x85A0] =	vst v1;
	v1 =	vsel vm0, $0x0, v38  }
0x61: {  	v42 =	vld [tilespmem:$0xC520];
	[tilespmem:$0x8620] =	vst v1;
	v1 =	vsel vm0, $0x0, v39  }
0x62: {  	[tilespmem:$0x86A0] =	vst v1;
	v1 =	vsel vm0, $0x0, v2;
	v2 =	vld [tilespmem:$0xC5A0]  }
0x63: {  	[tilespmem:$0x8720] =	vst v1;
	v1 =	vsel vm0, $0x0, v3;
	v3 =	vld [tilespmem:$0xC620]  }
0x64: {  	v43 =	vld [tilespmem:$0xC6A0];
	[tilespmem:$0x87A0] =	vst v1;
	v1 =	vsel vm0, $0x0, v40  }
0x65: {  	v44 =	vld [tilespmem:$0xC720];
	[tilespmem:$0xC420] =	vst v1;
	v1 =	vsel vm0, $0x0, v41  }
0x66: {  	v45 =	vld [tilespmem:$0xC7A0];
	[tilespmem:$0xC4A0] =	vst v1;
	v1 =	vsel vm0, $0x0, v42  }
0x67: {  	[tilespmem:$0xC520] =	vst v1;
	v1 =	vsel vm0, $0x0, v2;
	v2 =	vld [tilespmem:$0xA040]  }
0x68: {  	[tilespmem:$0xC5A0] =	vst v1;
	v1 =	vsel vm0, $0x0, v3;
	v3 =	vld [tilespmem:$0xA0C0]  }
0x69: {  	v46 =	vld [tilespmem:$0xA140];
	[tilespmem:$0xC620] =	vst v1;
	v1 =	vsel vm0, $0x0, v43  }
0x6a: {  	v47 =	vld [tilespmem:$0xA1C0];
	[tilespmem:$0xC6A0] =	vst v1;
	v1 =	vsel vm0, $0x0, v44  }
0x6b: {  	v48 =	vld [tilespmem:$0xA240];
	[tilespmem:$0xC720] =	vst v1;
	v1 =	vsel vm0, $0x0, v45  }
0x6c: {  	[tilespmem:$0xC7A0] =	vst v1;
	v1 =	vsel vm1, $0x0, v2;
	v2 =	vld [tilespmem:$0xA2C0]  }
0x6d: {  	[tilespmem:$0xA040] =	vst v1;
	v1 =	vsel vm1, $0x0, v3;
	v3 =	vld [tilespmem:$0xA340]  }
0x6e: {  	v49 =	vld [tilespmem:$0xA3C0];
	[tilespmem:$0xA0C0] =	vst v1;
	v1 =	vsel vm1, $0x0, v46  }
0x6f: {  	v50 =	vld [tilespmem:$0xE040];
	[tilespmem:$0xA140] =	vst v1;
	v1 =	vsel vm1, $0x0, v47  }
0x70: {  	v51 =	vld [tilespmem:$0xE0C0];
	[tilespmem:$0xA1C0] =	vst v1;
	v1 =	vsel vm1, $0x0, v48  }
0x71: {  	[tilespmem:$0xA240] =	vst v1;
	v1 =	vsel vm1, $0x0, v2;
	v2 =	vld [tilespmem:$0xE140]  }
0x72: {  	[tilespmem:$0xA2C0] =	vst v1;
	v1 =	vsel vm1, $0x0, v3;
	v3 =	vld [tilespmem:$0xE1C0]  }
0x73: {  	v52 =	vld [tilespmem:$0xE240];
	[tilespmem:$0xA340] =	vst v1;
	v1 =	vsel vm1, $0x0, v49  }
0x74: {  	v53 =	vld [tilespmem:$0xE2C0];
	[tilespmem:$0xA3C0] =	vst v1;
	v1 =	vsel vm1, $0x0, v50  }
0x75: {  	v54 =	vld [tilespmem:$0xE340];
	[tilespmem:$0xE040] =	vst v1;
	v1 =	vsel vm1, $0x0, v51  }
0x76: {  	[tilespmem:$0xE0C0] =	vst v1;
	v1 =	vsel vm1, $0x0, v2;
	v2 =	vld [tilespmem:$0xE3C0]  }
0x77: {  	[tilespmem:$0xE140] =	vst v1;
	v1 =	vsel vm1, $0x0, v3;
	v3 =	vld [tilespmem:$0xA860]  }
0x78: {  	v55 =	vld [tilespmem:$0xA8E0];
	[tilespmem:$0xE1C0] =	vst v1;
	v1 =	vsel vm1, $0x0, v52  }
0x79: {  	v56 =	vld [tilespmem:$0xA960];
	[tilespmem:$0xE240] =	vst v1;
	v1 =	vsel vm1, $0x0, v53  }
0x7a: {  	v57 =	vld [tilespmem:$0xA9E0];
	[tilespmem:$0xE2C0] =	vst v1;
	v1 =	vsel vm1, $0x0, v54  }
0x7b: {  	[tilespmem:$0xE340] =	vst v1;
	v1 =	vsel vm1, $0x0, v2;
	v2 =	vld [tilespmem:$0xAA60]  }
0x7c: {  	[tilespmem:$0xE3C0] =	vst v1;
	v1 =	vsel vm2, $0x0, v3;
	v3 =	vld [tilespmem:$0xAAE0]  }
0x7d: {  	v58 =	vld [tilespmem:$0xAB60];
	[tilespmem:$0xA860] =	vst v1;
	v1 =	vsel vm2, $0x0, v55  }
0x7e: {  	v59 =	vld [tilespmem:$0xABE0];
	[tilespmem:$0xA8E0] =	vst v1;
	v1 =	vsel vm2, $0x0, v56  }
0x7f: {  	v60 =	vld [tilespmem:$0xE860];
	[tilespmem:$0xA960] =	vst v1;
	v1 =	vsel vm2, $0x0, v57  }
0x80: {  	[tilespmem:$0xA9E0] =	vst v1;
	v1 =	vsel vm2, $0x0, v2;
	v2 =	vld [tilespmem:$0xE8E0]  }
0x81: {  	[tilespmem:$0xAA60] =	vst v1;
	v1 =	vsel vm2, $0x0, v3;
	v3 =	vld [tilespmem:$0xE960]  }
0x82: {  	v61 =	vld [tilespmem:$0xE9E0];
	[tilespmem:$0xAAE0] =	vst v1;
	v1 =	vsel vm2, $0x0, v58  }
0x83: {  	v62 =	vld [tilespmem:$0xEA60];
	[tilespmem:$0xAB60] =	vst v1;
	v1 =	vsel vm2, $0x0, v59  }
0x84: {  	v63 =	vld [tilespmem:$0xEAE0];
	[tilespmem:$0xABE0] =	vst v1;
	v1 =	vsel vm2, $0x0, v60  }
0x85: {  	[tilespmem:$0xE860] =	vst v1;
	v1 =	vsel vm2, $0x0, v2;
	v2 =	vld [tilespmem:$0xEB60]  }
0x86: {  	[tilespmem:$0xE8E0] =	vst v1;
	v1 =	vsel vm2, $0x0, v3;
	v3 =	vld [tilespmem:$0xEBE0]  }
0x87: {  	[tilespmem:$0xE960] =	vst v1;
	v1 =	vsel vm2, $0x0, v61  }
0x88: {  	[tilespmem:$0xE9E0] =	vst v1;
	v1 =	vsel vm2, $0x0, v62  }
.Ltmp2:
0x89: {  	[tilespmem:$0xEA60] =	vst v1;
	v1 =	vsel vm2, $0x0, v63;
	(pc) =	sbr.rel @p0 .LBB2_4-.Ltmp2, $4  }
0x8a: {  	[tilespmem:$0xEAE0] =	vst v1;
	v1 =	vsel vm2, $0x0, v2  }
0x8b: {  	[tilespmem:$0xEB60] =	vst v1;
	v1 =	vsel vm2, $0x0, v3  }
0x8c: {  	s15 =	sadd.s32 $0x1000, s15;
	[tilespmem:$0xEBE0] =	vst v1  }
0x8d: {  	[hbm4b:s15+s2] =	stream.linear.scatter [tilespmem:s8], [sflag:$0x4], $0x8000, $0x38;
	[tilespmem:$0x10000] =	vst v63  }
.Ltmp3:
0x8e: {  	(pc) =	sbr.rel .LBB2_2-.Ltmp3, $4  }
0x8f: {  	_ =	swait.ge [sflag:s12], $0x8000  }
0x90: {  	s15 =	sadd.s32 s14, s7;
	[sflag:s12] =	ssyncset.done $0x0  }
0x91: {  	s14 =	sadd.s32 $0x2000, s14;
	s15 =	sadd.s32 $0x3000, s15;
	[sflag:s12] =	ssyncadd.s32 $0xFFFF8000  }
0x92: {  	[tilespmem:s8], [sflag:$0x2] =	stream.linear.gather [hbm4b:s15+s2], $0x8000, $0x38;
	[tilespmem:$0x10000] =	vst v63  }
.LBB2_5:
0x93: {  	_ =	sfence.sel $0x180000  }
0x94: {  	[bflag:$0x0] =	sbarrier.arrive $0xFFFF  }
0x95: {  	p0 =	sne.s32 s1, $0x0;
	_ =	strace $0x90000047  }
0x96: {  	s0 =	sadd.s32 @!p0 $0x100000, s0;
	[bflag:$0x2] =	sbarrier.arrive $0xFFFF  }
0x97: {  	[sflag:s0] =	ssyncadd.tile.s32 @!p0 $0x1;
	_ =	shalt  }
.Lfunc_end2:
_tile_overlayer_lowered:
.L_overlay_start_2:
0x98: {  	(tag) =	ssettag $0x2  }
0x99: {  	s0 =	rddreg [dreg:$0x0];
	s2 =	stileid.u32  }
0x9a: {  	s1 =	rddreg [dreg:$0x1];
	p0 =	sne.s32 s2, $0x0  }
0x9b: {  	s3 =	rddreg [dreg:$0x2];
	[bflag:$0x3] =	sbarrier.arrive $0xFFFF;
	s2 =	simm.s32 @!p0 $0x1C05  }
0x9c: {  	[timem:s3], [sflag:s2] =	dma.local @!p0 [hbm:s0], s1  }
0x9d: {  	s0 =	simm.s32 @!p0 $0x5  }
0x9e: {  	_ =	swait.ge @!p0 [sflag:s0], s1  }
0x9f: {  	s1 =	ssub.s32 @!p0 $0x0, s1;
	[sflag:s0] =	ssyncset.done @!p0 $0x0  }
0xa0: {  	[sflag:s0] =	ssyncadd.s32 @!p0 s1  }
0xa1: {  	[bflag:$0x3] =	sbarrier.arrive $0xFFFF  }
0xa2: {  	_ =	shalt  }

</sc_bundles>
